<compile_context>
chip_gen: v7x
topology: tpu7x:2x2x1
jax: 0.10.2.dev20260603
libtpu: 0.0.44.dev20260713+nightly
codegen_flags: <defaults>
</compile_context>

<pallas_src>
import functools

import jax
import jax.numpy as jnp
from jax import lax
from jax.experimental import pallas as pl
from jax.experimental.pallas import tpu as pltpu
from jax.experimental.pallas import tpu_sc as plsc

S, N, D = 50, 4096, 512
T = S * N
NUM_SECTIONS = 5
SECTION = 128
R = NUM_SECTIONS * SECTION + 8
GRID = 128
PAIR = GRID * GRID
NSTREAM = 3
RC = SECTION + 2 * PAIR

NC, NS = 2, 16
NW = NC * NS
TPW = T // NW
C = 32
G = NSTREAM * C
NCHUNK = TPW // C


def _build_table_body(lt_ref, bt_ref, w_ref, b_ref, out_ref):
    lt = lt_ref[...]
    bt = bt_ref[...]
    w = w_ref[...]
    b = b_ref[...]
    dn = (((1,), (1,)), ((), ()))
    pieces = [
        lax.dot_general(lt, w[:, 0:SECTION], dn,
                        preferred_element_type=jnp.float32) + b
    ]
    for k in range(1, NUM_SECTIONS):
        pieces.append(
            lax.dot_general(bt, w[:, SECTION * k:SECTION * (k + 1)], dn,
                            preferred_element_type=jnp.float32))
    pieces.append(jnp.zeros((8, D), jnp.float32))
    out_ref[...] = jnp.concatenate(pieces, axis=0)


def _build_table(label_table, bbox_table, W, b2):
    lt_pad = jnp.zeros((SECTION, 128), jnp.float32).at[:label_table.shape[0]].set(label_table)
    return pl.pallas_call(
        _build_table_body,
        out_shape=jax.ShapeDtypeStruct((R, D), jnp.float32),
    )(lt_pad, bbox_table, W, b2)


def _build_combined_body(base_ref, out_ref):
    i = pl.program_id(0)
    is_xy = jnp.logical_and(i >= 1, i <= GRID)
    row_start = jnp.where(i == 0, NUM_SECTIONS * SECTION,
                          jnp.where(is_xy, SECTION + (i - 1),
                                    3 * SECTION + (i - 1 - GRID)))
    blk_start = jnp.where(i == 0, 0,
                          jnp.where(is_xy, 2 * SECTION, 4 * SECTION))
    row = base_ref[pl.ds(row_start, 1), :]
    blk = base_ref[pl.ds(blk_start, SECTION), :]
    out_ref[...] = row + blk


def _build_combined(base):
    return pl.pallas_call(
        _build_combined_body,
        grid=(2 * GRID + 1,),
        in_specs=[pl.BlockSpec((R, D), lambda i: (0, 0))],
        out_specs=pl.BlockSpec((SECTION, D), lambda i: (i, 0)),
        out_shape=jax.ShapeDtypeStruct((RC, D), jnp.float32),
    )(base)


def _sc_gather_reduce(streams, table):
    mesh = plsc.VectorSubcoreMesh(core_axis_name="c", subcore_axis_name="s")

    @functools.partial(
        pl.kernel,
        mesh=mesh,
        out_type=jax.ShapeDtypeStruct((T, D), jnp.float32),
        scratch_types=[
            pltpu.VMEM((2, G), jnp.int32),
            pltpu.VMEM((2, G, D), jnp.float32),
            pltpu.SemaphoreType.DMA,
            pltpu.SemaphoreType.DMA,
            pltpu.SemaphoreType.DMA,
            pltpu.SemaphoreType.DMA,
            pltpu.SemaphoreType.DMA,
            pltpu.SemaphoreType.DMA,
        ],
    )
    def k(streams_hbm, tab_hbm, out_hbm, idx_v, rows_v,
          isem0, isem1, gsem0, gsem1, osem0, osem1):
        isems = (isem0, isem1)
        gsems = (gsem0, gsem1)
        osems = (osem0, osem1)
        wid = lax.axis_index("s") * NC + lax.axis_index("c")
        wbase = wid * TPW
        woff = wid * NCHUNK * G

        def fire_idx(ci, b):
            pltpu.async_copy(
                streams_hbm.at[pl.ds(woff + ci * G, G)], idx_v.at[b],
                isems[b])

        def wait_idx(b):
            pltpu.make_async_copy(
                streams_hbm.at[pl.ds(0, G)], idx_v.at[b], isems[b]).wait()

        def fire_gather(b):
            pltpu.async_copy(
                tab_hbm.at[idx_v.at[b]], rows_v.at[b], gsems[b])

        def wait_gather(b):
            pltpu.make_async_copy(
                tab_hbm.at[idx_v.at[b]], rows_v.at[b], gsems[b]).wait()

        def fire_out(ci, b):
            pltpu.async_copy(
                rows_v.at[b, pl.ds(0, C)],
                out_hbm.at[pl.ds(wbase + ci * C, C)], osems[b])

        def wait_out(b):
            pltpu.make_async_copy(
                rows_v.at[b, pl.ds(0, C)],
                out_hbm.at[pl.ds(0, C)], osems[b]).wait()

        def reduce_chunk(b):
            def row_body(r, rc):
                for j in range(D // 16):
                    sl = pl.ds(j * 16, 16)
                    v = rows_v[b, r, sl]
                    v = v + rows_v[b, C + r, sl]
                    v = v + rows_v[b, 2 * C + r, sl]
                    rows_v[b, r, sl] = v
                return rc
            lax.fori_loop(0, C, row_body, 0)

        fire_idx(0, 0)
        wait_idx(0)
        fire_gather(0)
        fire_idx(1, 1)

        def step(ci, carry):
            b = lax.rem(ci, 2)

            def half(bs):
                nbs = 1 - bs
                wait_gather(bs)

                @pl.when(ci + 1 < NCHUNK)
                def _():
                    wait_idx(nbs)
                    fire_gather(nbs)

                @pl.when(ci >= 2)
                def _():
                    wait_out(bs)

                reduce_chunk(bs)
                fire_out(ci, bs)

                @pl.when(ci + 2 < NCHUNK)
                def _():
                    fire_idx(ci + 2, bs)

            @pl.when(b == 0)
            def _():
                half(0)

            @pl.when(b == 1)
            def _():
                half(1)

            return carry

        lax.fori_loop(0, NCHUNK, step, 0)
        wait_out(0)
        wait_out(1)

    return k(streams, table)


def kernel(label, box, label_table, bbox_table, W, b):
    label = label.astype(jnp.int32)
    box = box.astype(jnp.int32)
    base = _build_table(label_table.astype(jnp.float32),
                        bbox_table.astype(jnp.float32),
                        W.astype(jnp.float32),
                        b.astype(jnp.float32).reshape(1, D))
    table = _build_combined(base)
    lab = label.reshape(T)
    bx = box.reshape(T, 4)
    streams = jnp.stack(
        [lab,
         SECTION + bx[:, 0] * GRID + bx[:, 1],
         SECTION + PAIR + bx[:, 2] * GRID + bx[:, 3]], axis=0)
    streams = streams.reshape(3, NW, NCHUNK, C).transpose(1, 2, 0, 3).reshape(-1)
    out = _sc_gather_reduce(streams, table)
    return out.reshape(S, N, D)

# --- scband reference (transcript-rebuilt; emitter-appended) ---
"""Pipeline reference for scband-layout-embedding-23321672417414 (READ-ONLY COPY).

The authoritative reference and input builder live on the scoring server;
editing this copy changes nothing except your own understanding.
"""

import jax, jax.numpy as jnp
import numpy as np

NUM_LABELS = 32
GRID = 128
D_MODEL = 512
S, N = 50, 4096

def setup_inputs(seed: int = 0) -> dict:
    key = jax.random.key(seed)
    k1, k2, k3, k4, k5, k6 = jax.random.split(key, 6)
    label = jax.random.randint(k1, (S, N), 0, NUM_LABELS + 3, dtype=jnp.int64 if jax.config.jax_enable_x64 else jnp.int32)
    box = jax.random.randint(k2, (S, N, 4), 0, GRID, dtype=jnp.int64 if jax.config.jax_enable_x64 else jnp.int32)
    # parameters (kaiming-normal-ish init)
    label_table = jax.random.normal(k3, (NUM_LABELS + 3, 128), dtype=jnp.float32) * np.sqrt(2.0 / (NUM_LABELS + 3))
    bbox_table = jax.random.normal(k4, (GRID, 128), dtype=jnp.float32) * np.sqrt(2.0 / GRID)
    W = jax.random.normal(k5, (D_MODEL, 128 * 5), dtype=jnp.float32) * np.sqrt(2.0 / (128 * 5))
    b = jnp.zeros((D_MODEL,), dtype=jnp.float32)
    return {"label": label, "box": box, "label_table": label_table, "bbox_table": bbox_table, "W": W, "b": b}

def reference(label, box, label_table, bbox_table, W, b):
    # label_embed lookup: [S, N, 128]
    label_vecs = jnp.take(label_table, label, axis=0)
    # bbox_embed lookup: [S, N, 4, 128] -> [S, N, 512]
    bbox_vecs = jnp.take(bbox_table, box, axis=0)
    s, n = label.shape
    bbox_vecs = bbox_vecs.reshape(s, n, -1)
    # concat -> [S, N, 640]; proj_cat Linear(640 -> d_model)
    src = jnp.concatenate((label_vecs, bbox_vecs), axis=-1)
    src = src @ W.T + b
    return src

if __name__ == "__main__":
    import jax
    _d = setup_inputs()
    print(jax.jit(kernel)(*tuple(_d.values())))

</pallas_src>

<mosaic_0001>
#map = affine_map<(d0, d1) -> (0)>
#map1 = affine_map<(d0, d1) -> (0, 0)>
module attributes {stable_mosaic.version = 14 : i64} {
  func.func @k(%arg0: i32, %arg1: i32, %arg2: memref<614400xi32, #tpu.memory_space<hbm>>, %arg3: memref<32896x512xf32, #tpu.memory_space<hbm>>, %arg4: memref<204800x512xf32, #tpu.memory_space<hbm>>, %arg5: memref<2x96xi32, #tpu.memory_space<vmem>>, %arg6: memref<2x96x512xf32, #tpu.memory_space<vmem>>, %arg7: memref<!tpu.dma_semaphore, #tpu.memory_space<semaphore_mem>>, %arg8: memref<!tpu.dma_semaphore, #tpu.memory_space<semaphore_mem>>, %arg9: memref<!tpu.dma_semaphore, #tpu.memory_space<semaphore_mem>>, %arg10: memref<!tpu.dma_semaphore, #tpu.memory_space<semaphore_mem>>, %arg11: memref<!tpu.dma_semaphore, #tpu.memory_space<semaphore_mem>>, %arg12: memref<!tpu.dma_semaphore, #tpu.memory_space<semaphore_mem>>) attributes {dimension_semantics = [#tpu.dimension_semantics<core_parallel>, #tpu.dimension_semantics<subcore_parallel>], iteration_bounds = array<i64: 2, 16>, scalar_prefetch = 0 : i64, scratch_operands = 8 : i64, tpu.core_type = #tpu.core_type<sc_vector_subcore>, window_params = [{transform_indices = #map}, {transform_indices = #map1}, {transform_indices = #map1}]} {
    %mul3A = arith.constant 2 : i32
    %mul3A_0 = arith.muli %arg1, %mul3A : i32
    %add3A = arith.addi %mul3A_0, %arg0 : i32
    %mul3A_1 = arith.constant 6400 : i32
    %mul3A_2 = arith.muli %add3A, %mul3A_1 : i32
    %mul3A_3 = arith.constant 200 : i32
    %mul3A_4 = arith.muli %add3A, %mul3A_3 : i32
    %mul3A_5 = arith.constant 96 : i32
    %mul3A_6 = arith.muli %mul3A_4, %mul3A_5 : i32
    %add3A_7 = arith.constant 0 : i32
    %add3A_8 = arith.addi %mul3A_6, %add3A_7 : i32
    %dma_start3A = arith.constant 0 : i32
    %dma_start3A_9 = arith.constant 0 : i32
    %dma_start3A_10 = tpu.memref_slice %arg5[%dma_start3A, %dma_start3A_9] : memref<2x96xi32, #tpu.memory_space<vmem>> -> memref<1x96xi32, #tpu.memory_space<vmem>>
    %dma_start3A_11 = tpu.memref_squeeze %dma_start3A_10 : memref<1x96xi32, #tpu.memory_space<vmem>> -> memref<96xi32, #tpu.memory_space<vmem>>
    %dma_start3A_12 = tpu.memref_slice %arg2[%add3A_8] : memref<614400xi32, #tpu.memory_space<hbm>> -> memref<96xi32, #tpu.memory_space<hbm>>
    %dma_start3A_13 = arith.constant 0 : i32
    %dma_start3A_14 = tpu.memref_slice %arg5[%dma_start3A, %dma_start3A_13] : memref<2x96xi32, #tpu.memory_space<vmem>> -> memref<1x96xi32, #tpu.memory_space<vmem>>
    %dma_start3A_15 = tpu.memref_squeeze %dma_start3A_14 : memref<1x96xi32, #tpu.memory_space<vmem>> -> memref<96xi32, #tpu.memory_space<vmem>>
    %dma_start3A_16 = tpu.memref_slice %arg2[%add3A_8] : memref<614400xi32, #tpu.memory_space<hbm>> -> memref<96xi32, #tpu.memory_space<hbm>>
    tpu.enqueue_dma source(%dma_start3A_16 : memref<96xi32, #tpu.memory_space<hbm>>) target(%dma_start3A_15 : memref<96xi32, #tpu.memory_space<vmem>>) target_semaphore(%arg7 : memref<!tpu.dma_semaphore, #tpu.memory_space<semaphore_mem>>)
    %dma_wait3A = arith.constant 0 : i32
    %dma_wait3A_17 = arith.constant 0 : i32
    %dma_wait3A_18 = tpu.memref_slice %arg5[%dma_wait3A, %dma_wait3A_17] : memref<2x96xi32, #tpu.memory_space<vmem>> -> memref<1x96xi32, #tpu.memory_space<vmem>>
    %dma_wait3A_19 = tpu.memref_squeeze %dma_wait3A_18 : memref<1x96xi32, #tpu.memory_space<vmem>> -> memref<96xi32, #tpu.memory_space<vmem>>
    %dma_wait3A_20 = arith.constant 0 : i32
    %dma_wait3A_21 = tpu.memref_slice %arg2[%dma_wait3A_20] : memref<614400xi32, #tpu.memory_space<hbm>> -> memref<96xi32, #tpu.memory_space<hbm>>
    %dma_wait3A_22 = arith.constant 0 : i32
    %dma_wait3A_23 = tpu.memref_slice %arg5[%dma_wait3A, %dma_wait3A_22] : memref<2x96xi32, #tpu.memory_space<vmem>> -> memref<1x96xi32, #tpu.memory_space<vmem>>
    %dma_wait3A_24 = tpu.memref_squeeze %dma_wait3A_23 : memref<1x96xi32, #tpu.memory_space<vmem>> -> memref<96xi32, #tpu.memory_space<vmem>>
    %dma_wait3A_25 = arith.constant 0 : i32
    %dma_wait3A_26 = tpu.memref_slice %arg2[%dma_wait3A_25] : memref<614400xi32, #tpu.memory_space<hbm>> -> memref<96xi32, #tpu.memory_space<hbm>>
    tpu.wait_dma2 semaphore(%arg7 : memref<!tpu.dma_semaphore, #tpu.memory_space<semaphore_mem>>) src(%dma_wait3A_26 : memref<96xi32, #tpu.memory_space<hbm>>) dst(%dma_wait3A_24 : memref<96xi32, #tpu.memory_space<vmem>>)
    %dma_start3A_27 = arith.constant 0 : i32
    %dma_start3A_28 = arith.constant 0 : i32
    %dma_start3A_29 = arith.constant 0 : i32
    %dma_start3A_30 = arith.constant 0 : i32
    %dma_start3A_31 = tpu.memref_slice %arg6[%dma_start3A_28, %dma_start3A_29, %dma_start3A_30] : memref<2x96x512xf32, #tpu.memory_space<vmem>> -> memref<1x96x512xf32, #tpu.memory_space<vmem>>
    %dma_start3A_32 = tpu.memref_squeeze %dma_start3A_31 : memref<1x96x512xf32, #tpu.memory_space<vmem>> -> memref<96x512xf32, #tpu.memory_space<vmem>>
    %dma_start3A_33 = arith.constant 0 : i32
    %dma_start3A_34 = tpu.memref_slice %arg5[%dma_start3A_27, %dma_start3A_33] : memref<2x96xi32, #tpu.memory_space<vmem>> -> memref<1x96xi32, #tpu.memory_space<vmem>>
    %dma_start3A_35 = tpu.memref_squeeze %dma_start3A_34 : memref<1x96xi32, #tpu.memory_space<vmem>> -> memref<96xi32, #tpu.memory_space<vmem>>
    %dma_start3A_36 = arith.constant 0 : i32
    %dma_start3A_37 = arith.constant 0 : i32
    %dma_start3A_38 = tpu.memref_slice %arg3[%dma_start3A_36, %dma_start3A_37] : memref<32896x512xf32, #tpu.memory_space<hbm>> -> memref<32896x512xf32, #tpu.memory_space<hbm>>
    tpu.enqueue_indirect_dma source(%dma_start3A_38 : memref<32896x512xf32, #tpu.memory_space<hbm>>) target(%dma_start3A_32 : memref<96x512xf32, #tpu.memory_space<vmem>>) offsets(%dma_start3A_35 : memref<96xi32, #tpu.memory_space<vmem>>) semaphore(%arg9 : memref<!tpu.dma_semaphore, #tpu.memory_space<semaphore_mem>>)
    %add3A_39 = arith.constant 96 : i32
    %add3A_40 = arith.addi %mul3A_6, %add3A_39 : i32
    %dma_start3A_41 = arith.constant 1 : i32
    %dma_start3A_42 = arith.constant 0 : i32
    %dma_start3A_43 = tpu.memref_slice %arg5[%dma_start3A_41, %dma_start3A_42] : memref<2x96xi32, #tpu.memory_space<vmem>> -> memref<1x96xi32, #tpu.memory_space<vmem>>
    %dma_start3A_44 = tpu.memref_squeeze %dma_start3A_43 : memref<1x96xi32, #tpu.memory_space<vmem>> -> memref<96xi32, #tpu.memory_space<vmem>>
    %dma_start3A_45 = tpu.memref_slice %arg2[%add3A_40] : memref<614400xi32, #tpu.memory_space<hbm>> -> memref<96xi32, #tpu.memory_space<hbm>>
    %dma_start3A_46 = arith.constant 0 : i32
    %dma_start3A_47 = tpu.memref_slice %arg5[%dma_start3A_41, %dma_start3A_46] : memref<2x96xi32, #tpu.memory_space<vmem>> -> memref<1x96xi32, #tpu.memory_space<vmem>>
    %dma_start3A_48 = tpu.memref_squeeze %dma_start3A_47 : memref<1x96xi32, #tpu.memory_space<vmem>> -> memref<96xi32, #tpu.memory_space<vmem>>
    %dma_start3A_49 = tpu.memref_slice %arg2[%add3A_40] : memref<614400xi32, #tpu.memory_space<hbm>> -> memref<96xi32, #tpu.memory_space<hbm>>
    tpu.enqueue_dma source(%dma_start3A_49 : memref<96xi32, #tpu.memory_space<hbm>>) target(%dma_start3A_48 : memref<96xi32, #tpu.memory_space<vmem>>) target_semaphore(%arg8 : memref<!tpu.dma_semaphore, #tpu.memory_space<semaphore_mem>>)
    %scan3A = arith.constant 0 : i32
    %scan3A_50 = arith.constant 0 : i32
    %scan3A_51 = arith.constant 200 : i32
    %scan3A_52 = arith.addi %scan3A_50, %scan3A_51 : i32
    %scan3A_53 = arith.constant 1 : i32
    scf.for %scan3A_85 = %scan3A_50 to %scan3A_52 step %scan3A_53  : i32 {
      %rem3A = arith.constant 2 : i32
      %rem3A_86 = arith.remsi %scan3A_85, %rem3A : i32
      %eq3A = arith.constant 0 : i32
      %eq3A_87 = arith.cmpi eq, %rem3A_86, %eq3A : i32
      %convert_element_type3A = arith.extui %eq3A_87 : i1 to i32
      %cond3A = arith.constant 0 : i32
      %cond3A_88 = arith.cmpi ne, %convert_element_type3A, %cond3A : i32
      scf.if %cond3A_88 {
        %dma_wait3A_94 = arith.constant 0 : i32
        %dma_wait3A_95 = arith.constant 0 : i32
        %dma_wait3A_96 = arith.constant 0 : i32
        %dma_wait3A_97 = arith.constant 0 : i32
        %dma_wait3A_98 = tpu.memref_slice %arg6[%dma_wait3A_95, %dma_wait3A_96, %dma_wait3A_97] : memref<2x96x512xf32, #tpu.memory_space<vmem>> -> memref<1x96x512xf32, #tpu.memory_space<vmem>>
        %dma_wait3A_99 = tpu.memref_squeeze %dma_wait3A_98 : memref<1x96x512xf32, #tpu.memory_space<vmem>> -> memref<96x512xf32, #tpu.memory_space<vmem>>
        %dma_wait3A_100 = arith.constant 0 : i32
        %dma_wait3A_101 = tpu.memref_slice %arg5[%dma_wait3A_94, %dma_wait3A_100] : memref<2x96xi32, #tpu.memory_space<vmem>> -> memref<1x96xi32, #tpu.memory_space<vmem>>
        %dma_wait3A_102 = tpu.memref_squeeze %dma_wait3A_101 : memref<1x96xi32, #tpu.memory_space<vmem>> -> memref<96xi32, #tpu.memory_space<vmem>>
        %dma_wait3A_103 = arith.constant 0 : i32
        %dma_wait3A_104 = arith.constant 0 : i32
        %dma_wait3A_105 = tpu.memref_slice %arg3[%dma_wait3A_103, %dma_wait3A_104] : memref<32896x512xf32, #tpu.memory_space<hbm>> -> memref<32896x512xf32, #tpu.memory_space<hbm>>
        tpu.wait_indirect_dma semaphore(%arg9 : memref<!tpu.dma_semaphore, #tpu.memory_space<semaphore_mem>>) src(%dma_wait3A_105 : memref<32896x512xf32, #tpu.memory_space<hbm>>) dst(%dma_wait3A_99 : memref<96x512xf32, #tpu.memory_space<vmem>>)
        %add3A_106 = arith.constant 1 : i32
        %add3A_107 = arith.addi %scan3A_85, %add3A_106 : i32
        %lt3A = arith.constant 200 : i32
        %lt3A_108 = arith.cmpi slt, %add3A_107, %lt3A : i32
        %convert_element_type3A_109 = arith.extui %lt3A_108 : i1 to i32
        %cond3A_110 = arith.constant 0 : i32
        %cond3A_111 = arith.cmpi ne, %convert_element_type3A_109, %cond3A_110 : i32
        scf.if %cond3A_111 {
          %dma_wait3A_145 = arith.constant 1 : i32
          %dma_wait3A_146 = arith.constant 0 : i32
          %dma_wait3A_147 = tpu.memref_slice %arg5[%dma_wait3A_145, %dma_wait3A_146] : memref<2x96xi32, #tpu.memory_space<vmem>> -> memref<1x96xi32, #tpu.memory_space<vmem>>
          %dma_wait3A_148 = tpu.memref_squeeze %dma_wait3A_147 : memref<1x96xi32, #tpu.memory_space<vmem>> -> memref<96xi32, #tpu.memory_space<vmem>>
          %dma_wait3A_149 = arith.constant 0 : i32
          %dma_wait3A_150 = tpu.memref_slice %arg2[%dma_wait3A_149] : memref<614400xi32, #tpu.memory_space<hbm>> -> memref<96xi32, #tpu.memory_space<hbm>>
          %dma_wait3A_151 = arith.constant 0 : i32
          %dma_wait3A_152 = tpu.memref_slice %arg5[%dma_wait3A_145, %dma_wait3A_151] : memref<2x96xi32, #tpu.memory_space<vmem>> -> memref<1x96xi32, #tpu.memory_space<vmem>>
          %dma_wait3A_153 = tpu.memref_squeeze %dma_wait3A_152 : memref<1x96xi32, #tpu.memory_space<vmem>> -> memref<96xi32, #tpu.memory_space<vmem>>
          %dma_wait3A_154 = arith.constant 0 : i32
          %dma_wait3A_155 = tpu.memref_slice %arg2[%dma_wait3A_154] : memref<614400xi32, #tpu.memory_space<hbm>> -> memref<96xi32, #tpu.memory_space<hbm>>
          tpu.wait_dma2 semaphore(%arg8 : memref<!tpu.dma_semaphore, #tpu.memory_space<semaphore_mem>>) src(%dma_wait3A_155 : memref<96xi32, #tpu.memory_space<hbm>>) dst(%dma_wait3A_153 : memref<96xi32, #tpu.memory_space<vmem>>)
          %dma_start3A_156 = arith.constant 1 : i32
          %dma_start3A_157 = arith.constant 1 : i32
          %dma_start3A_158 = arith.constant 0 : i32
          %dma_start3A_159 = arith.constant 0 : i32
          %dma_start3A_160 = tpu.memref_slice %arg6[%dma_start3A_157, %dma_start3A_158, %dma_start3A_159] : memref<2x96x512xf32, #tpu.memory_space<vmem>> -> memref<1x96x512xf32, #tpu.memory_space<vmem>>
          %dma_start3A_161 = tpu.memref_squeeze %dma_start3A_160 : memref<1x96x512xf32, #tpu.memory_space<vmem>> -> memref<96x512xf32, #tpu.memory_space<vmem>>
          %dma_start3A_162 = arith.constant 0 : i32
          %dma_start3A_163 = tpu.memref_slice %arg5[%dma_start3A_156, %dma_start3A_162] : memref<2x96xi32, #tpu.memory_space<vmem>> -> memref<1x96xi32, #tpu.memory_space<vmem>>
          %dma_start3A_164 = tpu.memref_squeeze %dma_start3A_163 : memref<1x96xi32, #tpu.memory_space<vmem>> -> memref<96xi32, #tpu.memory_space<vmem>>
          %dma_start3A_165 = arith.constant 0 : i32
          %dma_start3A_166 = arith.constant 0 : i32
          %dma_start3A_167 = tpu.memref_slice %arg3[%dma_start3A_165, %dma_start3A_166] : memref<32896x512xf32, #tpu.memory_space<hbm>> -> memref<32896x512xf32, #tpu.memory_space<hbm>>
          tpu.enqueue_indirect_dma source(%dma_start3A_167 : memref<32896x512xf32, #tpu.memory_space<hbm>>) target(%dma_start3A_161 : memref<96x512xf32, #tpu.memory_space<vmem>>) offsets(%dma_start3A_164 : memref<96xi32, #tpu.memory_space<vmem>>) semaphore(%arg10 : memref<!tpu.dma_semaphore, #tpu.memory_space<semaphore_mem>>)
        } else {
        }
        %ge3A = arith.constant 2 : i32
        %ge3A_112 = arith.cmpi sge, %scan3A_85, %ge3A : i32
        %convert_element_type3A_113 = arith.extui %ge3A_112 : i1 to i32
        %cond3A_114 = arith.constant 0 : i32
        %cond3A_115 = arith.cmpi ne, %convert_element_type3A_113, %cond3A_114 : i32
        scf.if %cond3A_115 {
          %dma_wait3A_145 = arith.constant 0 : i32
          %dma_wait3A_146 = arith.constant 0 : i32
          %dma_wait3A_147 = arith.constant 0 : i32
          %dma_wait3A_148 = tpu.memref_slice %arg6[%dma_wait3A_145, %dma_wait3A_146, %dma_wait3A_147] : memref<2x96x512xf32, #tpu.memory_space<vmem>> -> memref<1x32x512xf32, #tpu.memory_space<vmem>>
          %dma_wait3A_149 = tpu.memref_squeeze %dma_wait3A_148 : memref<1x32x512xf32, #tpu.memory_space<vmem>> -> memref<32x512xf32, #tpu.memory_space<vmem>>
          %dma_wait3A_150 = arith.constant 0 : i32
          %dma_wait3A_151 = arith.constant 0 : i32
          %dma_wait3A_152 = tpu.memref_slice %arg4[%dma_wait3A_150, %dma_wait3A_151] : memref<204800x512xf32, #tpu.memory_space<hbm>> -> memref<32x512xf32, #tpu.memory_space<hbm>>
          %dma_wait3A_153 = arith.constant 0 : i32
          %dma_wait3A_154 = arith.constant 0 : i32
          %dma_wait3A_155 = tpu.memref_slice %arg4[%dma_wait3A_153, %dma_wait3A_154] : memref<204800x512xf32, #tpu.memory_space<hbm>> -> memref<32x512xf32, #tpu.memory_space<hbm>>
          %dma_wait3A_156 = arith.constant 0 : i32
          %dma_wait3A_157 = arith.constant 0 : i32
          %dma_wait3A_158 = tpu.memref_slice %arg6[%dma_wait3A_145, %dma_wait3A_156, %dma_wait3A_157] : memref<2x96x512xf32, #tpu.memory_space<vmem>> -> memref<1x32x512xf32, #tpu.memory_space<vmem>>
          %dma_wait3A_159 = tpu.memref_squeeze %dma_wait3A_158 : memref<1x32x512xf32, #tpu.memory_space<vmem>> -> memref<32x512xf32, #tpu.memory_space<vmem>>
          tpu.wait_dma2 semaphore(%arg11 : memref<!tpu.dma_semaphore, #tpu.memory_space<semaphore_mem>>) src(%dma_wait3A_159 : memref<32x512xf32, #tpu.memory_space<vmem>>) dst(%dma_wait3A_155 : memref<32x512xf32, #tpu.memory_space<hbm>>)
        } else {
        }
        %scan3A_116 = arith.constant 0 : i32
        %scan3A_117 = arith.constant 0 : i32
        %scan3A_118 = arith.constant 32 : i32
        %scan3A_119 = arith.addi %scan3A_117, %scan3A_118 : i32
        %scan3A_120 = arith.constant 1 : i32
        scf.for %scan3A_145 = %scan3A_117 to %scan3A_119 step %scan3A_120  : i32 {
          %get3A = arith.constant 0 : i32
          %get3A_146 = arith.index_cast %get3A : i32 to index
          %get3A_147 = arith.index_cast %scan3A_145 : i32 to index
          %get3A_148 = arith.constant 0 : index
          %get3A_149 = tpu.vector_load %arg6[%get3A_146, %get3A_147, %get3A_148] {strides = array<i32>} : memref<2x96x512xf32, #tpu.memory_space<vmem>>, vector<1x1x16xf32>,
          %get3A_150 = vector.shape_cast %get3A_149 : vector<1x1x16xf32> to vector<16xf32>
          %add3A_151 = arith.constant 32 : i32
          %add3A_152 = arith.addi %add3A_151, %scan3A_145 : i32
          %get3A_153 = arith.constant 0 : i32
          %get3A_154 = arith.index_cast %get3A_153 : i32 to index
          %get3A_155 = arith.index_cast %add3A_152 : i32 to index
          %get3A_156 = arith.constant 0 : index
          %get3A_157 = tpu.vector_load %arg6[%get3A_154, %get3A_155, %get3A_156] {strides = array<i32>} : memref<2x96x512xf32, #tpu.memory_space<vmem>>, vector<1x1x16xf32>,
          %get3A_158 = vector.shape_cast %get3A_157 : vector<1x1x16xf32> to vector<16xf32>
          %add3A_159 = arith.addf %get3A_150, %get3A_158 : vector<16xf32>
          %add3A_160 = arith.constant 64 : i32
          %add3A_161 = arith.addi %add3A_160, %scan3A_145 : i32
          %get3A_162 = arith.constant 0 : i32
          %get3A_163 = arith.index_cast %get3A_162 : i32 to index
          %get3A_164 = arith.index_cast %add3A_161 : i32 to index
          %get3A_165 = arith.constant 0 : index
          %get3A_166 = tpu.vector_load %arg6[%get3A_163, %get3A_164, %get3A_165] {strides = array<i32>} : memref<2x96x512xf32, #tpu.memory_space<vmem>>, vector<1x1x16xf32>,
          %get3A_167 = vector.shape_cast %get3A_166 : vector<1x1x16xf32> to vector<16xf32>
          %add3A_168 = arith.addf %add3A_159, %get3A_167 : vector<16xf32>
          %swap3A = arith.constant 0 : i32
          %swap3A_169 = arith.index_cast %swap3A : i32 to index
          %swap3A_170 = arith.index_cast %scan3A_145 : i32 to index
          %swap3A_171 = arith.constant 0 : index
          %swap3A_172 = tpu.vector_load %arg6[%swap3A_169, %swap3A_170, %swap3A_171] {strides = array<i32>} : memref<2x96x512xf32, #tpu.memory_space<vmem>>, vector<1x1x16xf32>,
          %swap3A_173 = vector.shape_cast %swap3A_172 : vector<1x1x16xf32> to vector<16xf32>
          %swap3A_174 = vector.shape_cast %add3A_168 : vector<16xf32> to vector<1x1x16xf32>
          tpu.vector_store %arg6[%swap3A_169, %swap3A_170, %swap3A_171], %swap3A_174 {strides = array<i32>} : memref<2x96x512xf32, #tpu.memory_space<vmem>>, vector<1x1x16xf32>,
          %get3A_175 = arith.constant 0 : i32
          %get3A_176 = arith.index_cast %get3A_175 : i32 to index
          %get3A_177 = arith.index_cast %scan3A_145 : i32 to index
          %get3A_178 = arith.constant 16 : index
          %get3A_179 = tpu.vector_load %arg6[%get3A_176, %get3A_177, %get3A_178] {strides = array<i32>} : memref<2x96x512xf32, #tpu.memory_space<vmem>>, vector<1x1x16xf32>,
          %get3A_180 = vector.shape_cast %get3A_179 : vector<1x1x16xf32> to vector<16xf32>
          %add3A_181 = arith.constant 32 : i32
          %add3A_182 = arith.addi %add3A_181, %scan3A_145 : i32
          %get3A_183 = arith.constant 0 : i32
          %get3A_184 = arith.index_cast %get3A_183 : i32 to index
          %get3A_185 = arith.index_cast %add3A_182 : i32 to index
          %get3A_186 = arith.constant 16 : index
          %get3A_187 = tpu.vector_load %arg6[%get3A_184, %get3A_185, %get3A_186] {strides = array<i32>} : memref<2x96x512xf32, #tpu.memory_space<vmem>>, vector<1x1x16xf32>,
          %get3A_188 = vector.shape_cast %get3A_187 : vector<1x1x16xf32> to vector<16xf32>
          %add3A_189 = arith.addf %get3A_180, %get3A_188 : vector<16xf32>
          %add3A_190 = arith.constant 64 : i32
          %add3A_191 = arith.addi %add3A_190, %scan3A_145 : i32
          %get3A_192 = arith.constant 0 : i32
          %get3A_193 = arith.index_cast %get3A_192 : i32 to index
          %get3A_194 = arith.index_cast %add3A_191 : i32 to index
          %get3A_195 = arith.constant 16 : index
          %get3A_196 = tpu.vector_load %arg6[%get3A_193, %get3A_194, %get3A_195] {strides = array<i32>} : memref<2x96x512xf32, #tpu.memory_space<vmem>>, vector<1x1x16xf32>,
          %get3A_197 = vector.shape_cast %get3A_196 : vector<1x1x16xf32> to vector<16xf32>
          %add3A_198 = arith.addf %add3A_189, %get3A_197 : vector<16xf32>
          %swap3A_199 = arith.constant 0 : i32
          %swap3A_200 = arith.index_cast %swap3A_199 : i32 to index
          %swap3A_201 = arith.index_cast %scan3A_145 : i32 to index
          %swap3A_202 = arith.constant 16 : index
          %swap3A_203 = tpu.vector_load %arg6[%swap3A_200, %swap3A_201, %swap3A_202] {strides = array<i32>} : memref<2x96x512xf32, #tpu.memory_space<vmem>>, vector<1x1x16xf32>,
          %swap3A_204 = vector.shape_cast %swap3A_203 : vector<1x1x16xf32> to vector<16xf32>
          %swap3A_205 = vector.shape_cast %add3A_198 : vector<16xf32> to vector<1x1x16xf32>
          tpu.vector_store %arg6[%swap3A_200, %swap3A_201, %swap3A_202], %swap3A_205 {strides = array<i32>} : memref<2x96x512xf32, #tpu.memory_space<vmem>>, vector<1x1x16xf32>,
          %get3A_206 = arith.constant 0 : i32
          %get3A_207 = arith.index_cast %get3A_206 : i32 to index
          %get3A_208 = arith.index_cast %scan3A_145 : i32 to index
          %get3A_209 = arith.constant 32 : index
          %get3A_210 = tpu.vector_load %arg6[%get3A_207, %get3A_208, %get3A_209] {strides = array<i32>} : memref<2x96x512xf32, #tpu.memory_space<vmem>>, vector<1x1x16xf32>,
          %get3A_211 = vector.shape_cast %get3A_210 : vector<1x1x16xf32> to vector<16xf32>
          %add3A_212 = arith.constant 32 : i32
          %add3A_213 = arith.addi %add3A_212, %scan3A_145 : i32
          %get3A_214 = arith.constant 0 : i32
          %get3A_215 = arith.index_cast %get3A_214 : i32 to index
          %get3A_216 = arith.index_cast %add3A_213 : i32 to index
          %get3A_217 = arith.constant 32 : index
          %get3A_218 = tpu.vector_load %arg6[%get3A_215, %get3A_216, %get3A_217] {strides = array<i32>} : memref<2x96x512xf32, #tpu.memory_space<vmem>>, vector<1x1x16xf32>,
          %get3A_219 = vector.shape_cast %get3A_218 : vector<1x1x16xf32> to vector<16xf32>
          %add3A_220 = arith.addf %get3A_211, %get3A_219 : vector<16xf32>
          %add3A_221 = arith.constant 64 : i32
          %add3A_222 = arith.addi %add3A_221, %scan3A_145 : i32
          %get3A_223 = arith.constant 0 : i32
          %get3A_224 = arith.index_cast %get3A_223 : i32 to index
          %get3A_225 = arith.index_cast %add3A_222 : i32 to index
          %get3A_226 = arith.constant 32 : index
          %get3A_227 = tpu.vector_load %arg6[%get3A_224, %get3A_225, %get3A_226] {strides = array<i32>} : memref<2x96x512xf32, #tpu.memory_space<vmem>>, vector<1x1x16xf32>,
          %get3A_228 = vector.shape_cast %get3A_227 : vector<1x1x16xf32> to vector<16xf32>
          %add3A_229 = arith.addf %add3A_220, %get3A_228 : vector<16xf32>
          %swap3A_230 = arith.constant 0 : i32
          %swap3A_231 = arith.index_cast %swap3A_230 : i32 to index
          %swap3A_232 = arith.index_cast %scan3A_145 : i32 to index
          %swap3A_233 = arith.constant 32 : index
          %swap3A_234 = tpu.vector_load %arg6[%swap3A_231, %swap3A_232, %swap3A_233] {strides = array<i32>} : memref<2x96x512xf32, #tpu.memory_space<vmem>>, vector<1x1x16xf32>,
          %swap3A_235 = vector.shape_cast %swap3A_234 : vector<1x1x16xf32> to vector<16xf32>
          %swap3A_236 = vector.shape_cast %add3A_229 : vector<16xf32> to vector<1x1x16xf32>
          tpu.vector_store %arg6[%swap3A_231, %swap3A_232, %swap3A_233], %swap3A_236 {strides = array<i32>} : memref<2x96x512xf32, #tpu.memory_space<vmem>>, vector<1x1x16xf32>,
          %get3A_237 = arith.constant 0 : i32
          %get3A_238 = arith.index_cast %get3A_237 : i32 to index
          %get3A_239 = arith.index_cast %scan3A_145 : i32 to index
          %get3A_240 = arith.constant 48 : index
          %get3A_241 = tpu.vector_load %arg6[%get3A_238, %get3A_239, %get3A_240] {strides = array<i32>} : memref<2x96x512xf32, #tpu.memory_space<vmem>>, vector<1x1x16xf32>,
          %get3A_242 = vector.shape_cast %get3A_241 : vector<1x1x16xf32> to vector<16xf32>
          %add3A_243 = arith.constant 32 : i32
          %add3A_244 = arith.addi %add3A_243, %scan3A_145 : i32
          %get3A_245 = arith.constant 0 : i32
          %get3A_246 = arith.index_cast %get3A_245 : i32 to index
          %get3A_247 = arith.index_cast %add3A_244 : i32 to index
          %get3A_248 = arith.constant 48 : index
          %get3A_249 = tpu.vector_load %arg6[%get3A_246, %get3A_247, %get3A_248] {strides = array<i32>} : memref<2x96x512xf32, #tpu.memory_space<vmem>>, vector<1x1x16xf32>,
          %get3A_250 = vector.shape_cast %get3A_249 : vector<1x1x16xf32> to vector<16xf32>
          %add3A_251 = arith.addf %get3A_242, %get3A_250 : vector<16xf32>
          %add3A_252 = arith.constant 64 : i32
          %add3A_253 = arith.addi %add3A_252, %scan3A_145 : i32
          %get3A_254 = arith.constant 0 : i32
          %get3A_255 = arith.index_cast %get3A_254 : i32 to index
          %get3A_256 = arith.index_cast %add3A_253 : i32 to index
          %get3A_257 = arith.constant 48 : index
          %get3A_258 = tpu.vector_load %arg6[%get3A_255, %get3A_256, %get3A_257] {strides = array<i32>} : memref<2x96x512xf32, #tpu.memory_space<vmem>>, vector<1x1x16xf32>,
          %get3A_259 = vector.shape_cast %get3A_258 : vector<1x1x16xf32> to vector<16xf32>
          %add3A_260 = arith.addf %add3A_251, %get3A_259 : vector<16xf32>
          %swap3A_261 = arith.constant 0 : i32
          %swap3A_262 = arith.index_cast %swap3A_261 : i32 to index
          %swap3A_263 = arith.index_cast %scan3A_145 : i32 to index
          %swap3A_264 = arith.constant 48 : index
          %swap3A_265 = tpu.vector_load %arg6[%swap3A_262, %swap3A_263, %swap3A_264] {strides = array<i32>} : memref<2x96x512xf32, #tpu.memory_space<vmem>>, vector<1x1x16xf32>,
          %swap3A_266 = vector.shape_cast %swap3A_265 : vector<1x1x16xf32> to vector<16xf32>
          %swap3A_267 = vector.shape_cast %add3A_260 : vector<16xf32> to vector<1x1x16xf32>
          tpu.vector_store %arg6[%swap3A_262, %swap3A_263, %swap3A_264], %swap3A_267 {strides = array<i32>} : memref<2x96x512xf32, #tpu.memory_space<vmem>>, vector<1x1x16xf32>,
          %get3A_268 = arith.constant 0 : i32
          %get3A_269 = arith.index_cast %get3A_268 : i32 to index
          %get3A_270 = arith.index_cast %scan3A_145 : i32 to index
          %get3A_271 = arith.constant 64 : index
          %get3A_272 = tpu.vector_load %arg6[%get3A_269, %get3A_270, %get3A_271] {strides = array<i32>} : memref<2x96x512xf32, #tpu.memory_space<vmem>>, vector<1x1x16xf32>,
          %get3A_273 = vector.shape_cast %get3A_272 : vector<1x1x16xf32> to vector<16xf32>
          %add3A_274 = arith.constant 32 : i32
          %add3A_275 = arith.addi %add3A_274, %scan3A_145 : i32
          %get3A_276 = arith.constant 0 : i32
          %get3A_277 = arith.index_cast %get3A_276 : i32 to index
          %get3A_278 = arith.index_cast %add3A_275 : i32 to index
          %get3A_279 = arith.constant 64 : index
          %get3A_280 = tpu.vector_load %arg6[%get3A_277, %get3A_278, %get3A_279] {strides = array<i32>} : memref<2x96x512xf32, #tpu.memory_space<vmem>>, vector<1x1x16xf32>,
          %get3A_281 = vector.shape_cast %get3A_280 : vector<1x1x16xf32> to vector<16xf32>
          %add3A_282 = arith.addf %get3A_273, %get3A_281 : vector<16xf32>
          %add3A_283 = arith.constant 64 : i32
          %add3A_284 = arith.addi %add3A_283, %scan3A_145 : i32
          %get3A_285 = arith.constant 0 : i32
          %get3A_286 = arith.index_cast %get3A_285 : i32 to index
          %get3A_287 = arith.index_cast %add3A_284 : i32 to index
          %get3A_288 = arith.constant 64 : index
          %get3A_289 = tpu.vector_load %arg6[%get3A_286, %get3A_287, %get3A_288] {strides = array<i32>} : memref<2x96x512xf32, #tpu.memory_space<vmem>>, vector<1x1x16xf32>,
          %get3A_290 = vector.shape_cast %get3A_289 : vector<1x1x16xf32> to vector<16xf32>
          %add3A_291 = arith.addf %add3A_282, %get3A_290 : vector<16xf32>
          %swap3A_292 = arith.constant 0 : i32
          %swap3A_293 = arith.index_cast %swap3A_292 : i32 to index
          %swap3A_294 = arith.index_cast %scan3A_145 : i32 to index
          %swap3A_295 = arith.constant 64 : index
          %swap3A_296 = tpu.vector_load %arg6[%swap3A_293, %swap3A_294, %swap3A_295] {strides = array<i32>} : memref<2x96x512xf32, #tpu.memory_space<vmem>>, vector<1x1x16xf32>,
          %swap3A_297 = vector.shape_cast %swap3A_296 : vector<1x1x16xf32> to vector<16xf32>
          %swap3A_298 = vector.shape_cast %add3A_291 : vector<16xf32> to vector<1x1x16xf32>
          tpu.vector_store %arg6[%swap3A_293, %swap3A_294, %swap3A_295], %swap3A_298 {strides = array<i32>} : memref<2x96x512xf32, #tpu.memory_space<vmem>>, vector<1x1x16xf32>,
          %get3A_299 = arith.constant 0 : i32
          %get3A_300 = arith.index_cast %get3A_299 : i32 to index
          %get3A_301 = arith.index_cast %scan3A_145 : i32 to index
          %get3A_302 = arith.constant 80 : index
          %get3A_303 = tpu.vector_load %arg6[%get3A_300, %get3A_301, %get3A_302] {strides = array<i32>} : memref<2x96x512xf32, #tpu.memory_space<vmem>>, vector<1x1x16xf32>,
          %get3A_304 = vector.shape_cast %get3A_303 : vector<1x1x16xf32> to vector<16xf32>
          %add3A_305 = arith.constant 32 : i32
          %add3A_306 = arith.addi %add3A_305, %scan3A_145 : i32
          %get3A_307 = arith.constant 0 : i32
          %get3A_308 = arith.index_cast %get3A_307 : i32 to index
          %get3A_309 = arith.index_cast %add3A_306 : i32 to index
          %get3A_310 = arith.constant 80 : index
          %get3A_311 = tpu.vector_load %arg6[%get3A_308, %get3A_309, %get3A_310] {strides = array<i32>} : memref<2x96x512xf32, #tpu.memory_space<vmem>>, vector<1x1x16xf32>,
          %get3A_312 = vector.shape_cast %get3A_311 : vector<1x1x16xf32> to vector<16xf32>
          %add3A_313 = arith.addf %get3A_304, %get3A_312 : vector<16xf32>
          %add3A_314 = arith.constant 64 : i32
          %add3A_315 = arith.addi %add3A_314, %scan3A_145 : i32
          %get3A_316 = arith.constant 0 : i32
          %get3A_317 = arith.index_cast %get3A_316 : i32 to index
          %get3A_318 = arith.index_cast %add3A_315 : i32 to index
          %get3A_319 = arith.constant 80 : index
          %get3A_320 = tpu.vector_load %arg6[%get3A_317, %get3A_318, %get3A_319] {strides = array<i32>} : memref<2x96x512xf32, #tpu.memory_space<vmem>>, vector<1x1x16xf32>,
          %get3A_321 = vector.shape_cast %get3A_320 : vector<1x1x16xf32> to vector<16xf32>
          %add3A_322 = arith.addf %add3A_313, %get3A_321 : vector<16xf32>
          %swap3A_323 = arith.constant 0 : i32
          %swap3A_324 = arith.index_cast %swap3A_323 : i32 to index
          %swap3A_325 = arith.index_cast %scan3A_145 : i32 to index
          %swap3A_326 = arith.constant 80 : index
          %swap3A_327 = tpu.vector_load %arg6[%swap3A_324, %swap3A_325, %swap3A_326] {strides = array<i32>} : memref<2x96x512xf32, #tpu.memory_space<vmem>>, vector<1x1x16xf32>,
          %swap3A_328 = vector.shape_cast %swap3A_327 : vector<1x1x16xf32> to vector<16xf32>
          %swap3A_329 = vector.shape_cast %add3A_322 : vector<16xf32> to vector<1x1x16xf32>
          tpu.vector_store %arg6[%swap3A_324, %swap3A_325, %swap3A_326], %swap3A_329 {strides = array<i32>} : memref<2x96x512xf32, #tpu.memory_space<vmem>>, vector<1x1x16xf32>,
          %get3A_330 = arith.constant 0 : i32
          %get3A_331 = arith.index_cast %get3A_330 : i32 to index
          %get3A_332 = arith.index_cast %scan3A_145 : i32 to index
          %get3A_333 = arith.constant 96 : index
          %get3A_334 = tpu.vector_load %arg6[%get3A_331, %get3A_332, %get3A_333] {strides = array<i32>} : memref<2x96x512xf32, #tpu.memory_space<vmem>>, vector<1x1x16xf32>,
          %get3A_335 = vector.shape_cast %get3A_334 : vector<1x1x16xf32> to vector<16xf32>
          %add3A_336 = arith.constant 32 : i32
          %add3A_337 = arith.addi %add3A_336, %scan3A_145 : i32
          %get3A_338 = arith.constant 0 : i32
          %get3A_339 = arith.index_cast %get3A_338 : i32 to index
          %get3A_340 = arith.index_cast %add3A_337 : i32 to index
          %get3A_341 = arith.constant 96 : index
          %get3A_342 = tpu.vector_load %arg6[%get3A_339, %get3A_340, %get3A_341] {strides = array<i32>} : memref<2x96x512xf32, #tpu.memory_space<vmem>>, vector<1x1x16xf32>,
          %get3A_343 = vector.shape_cast %get3A_342 : vector<1x1x16xf32> to vector<16xf32>
          %add3A_344 = arith.addf %get3A_335, %get3A_343 : vector<16xf32>
          %add3A_345 = arith.constant 64 : i32
          %add3A_346 = arith.addi %add3A_345, %scan3A_145 : i32
          %get3A_347 = arith.constant 0 : i32
          %get3A_348 = arith.index_cast %get3A_347 : i32 to index
          %get3A_349 = arith.index_cast %add3A_346 : i32 to index
          %get3A_350 = arith.constant 96 : index
          %get3A_351 = tpu.vector_load %arg6[%get3A_348, %get3A_349, %get3A_350] {strides = array<i32>} : memref<2x96x512xf32, #tpu.memory_space<vmem>>, vector<1x1x16xf32>,
          %get3A_352 = vector.shape_cast %get3A_351 : vector<1x1x16xf32> to vector<16xf32>
          %add3A_353 = arith.addf %add3A_344, %get3A_352 : vector<16xf32>
          %swap3A_354 = arith.constant 0 : i32
          %swap3A_355 = arith.index_cast %swap3A_354 : i32 to index
          %swap3A_356 = arith.index_cast %scan3A_145 : i32 to index
          %swap3A_357 = arith.constant 96 : index
          %swap3A_358 = tpu.vector_load %arg6[%swap3A_355, %swap3A_356, %swap3A_357] {strides = array<i32>} : memref<2x96x512xf32, #tpu.memory_space<vmem>>, vector<1x1x16xf32>,
          %swap3A_359 = vector.shape_cast %swap3A_358 : vector<1x1x16xf32> to vector<16xf32>
          %swap3A_360 = vector.shape_cast %add3A_353 : vector<16xf32> to vector<1x1x16xf32>
          tpu.vector_store %arg6[%swap3A_355, %swap3A_356, %swap3A_357], %swap3A_360 {strides = array<i32>} : memref<2x96x512xf32, #tpu.memory_space<vmem>>, vector<1x1x16xf32>,
          %get3A_361 = arith.constant 0 : i32
          %get3A_362 = arith.index_cast %get3A_361 : i32 to index
          %get3A_363 = arith.index_cast %scan3A_145 : i32 to index
          %get3A_364 = arith.constant 112 : index
          %get3A_365 = tpu.vector_load %arg6[%get3A_362, %get3A_363, %get3A_364] {strides = array<i32>} : memref<2x96x512xf32, #tpu.memory_space<vmem>>, vector<1x1x16xf32>,
          %get3A_366 = vector.shape_cast %get3A_365 : vector<1x1x16xf32> to vector<16xf32>
          %add3A_367 = arith.constant 32 : i32
          %add3A_368 = arith.addi %add3A_367, %scan3A_145 : i32
          %get3A_369 = arith.constant 0 : i32
          %get3A_370 = arith.index_cast %get3A_369 : i32 to index
          %get3A_371 = arith.index_cast %add3A_368 : i32 to index
          %get3A_372 = arith.constant 112 : index
          %get3A_373 = tpu.vector_load %arg6[%get3A_370, %get3A_371, %get3A_372] {strides = array<i32>} : memref<2x96x512xf32, #tpu.memory_space<vmem>>, vector<1x1x16xf32>,
          %get3A_374 = vector.shape_cast %get3A_373 : vector<1x1x16xf32> to vector<16xf32>
          %add3A_375 = arith.addf %get3A_366, %get3A_374 : vector<16xf32>
          %add3A_376 = arith.constant 64 : i32
          %add3A_377 = arith.addi %add3A_376, %scan3A_145 : i32
          %get3A_378 = arith.constant 0 : i32
          %get3A_379 = arith.index_cast %get3A_378 : i32 to index
          %get3A_380 = arith.index_cast %add3A_377 : i32 to index
          %get3A_381 = arith.constant 112 : index
          %get3A_382 = tpu.vector_load %arg6[%get3A_379, %get3A_380, %get3A_381] {strides = array<i32>} : memref<2x96x512xf32, #tpu.memory_space<vmem>>, vector<1x1x16xf32>,
          %get3A_383 = vector.shape_cast %get3A_382 : vector<1x1x16xf32> to vector<16xf32>
          %add3A_384 = arith.addf %add3A_375, %get3A_383 : vector<16xf32>
          %swap3A_385 = arith.constant 0 : i32
          %swap3A_386 = arith.index_cast %swap3A_385 : i32 to index
          %swap3A_387 = arith.index_cast %scan3A_145 : i32 to index
          %swap3A_388 = arith.constant 112 : index
          %swap3A_389 = tpu.vector_load %arg6[%swap3A_386, %swap3A_387, %swap3A_388] {strides = array<i32>} : memref<2x96x512xf32, #tpu.memory_space<vmem>>, vector<1x1x16xf32>,
          %swap3A_390 = vector.shape_cast %swap3A_389 : vector<1x1x16xf32> to vector<16xf32>
          %swap3A_391 = vector.shape_cast %add3A_384 : vector<16xf32> to vector<1x1x16xf32>
          tpu.vector_store %arg6[%swap3A_386, %swap3A_387, %swap3A_388], %swap3A_391 {strides = array<i32>} : memref<2x96x512xf32, #tpu.memory_space<vmem>>, vector<1x1x16xf32>,
          %get3A_392 = arith.constant 0 : i32
          %get3A_393 = arith.index_cast %get3A_392 : i32 to index
          %get3A_394 = arith.index_cast %scan3A_145 : i32 to index
          %get3A_395 = arith.constant 128 : index
          %get3A_396 = tpu.vector_load %arg6[%get3A_393, %get3A_394, %get3A_395] {strides = array<i32>} : memref<2x96x512xf32, #tpu.memory_space<vmem>>, vector<1x1x16xf32>,
          %get3A_397 = vector.shape_cast %get3A_396 : vector<1x1x16xf32> to vector<16xf32>
          %add3A_398 = arith.constant 32 : i32
          %add3A_399 = arith.addi %add3A_398, %scan3A_145 : i32
          %get3A_400 = arith.constant 0 : i32
          %get3A_401 = arith.index_cast %get3A_400 : i32 to index
          %get3A_402 = arith.index_cast %add3A_399 : i32 to index
          %get3A_403 = arith.constant 128 : index
          %get3A_404 = tpu.vector_load %arg6[%get3A_401, %get3A_402, %get3A_403] {strides = array<i32>} : memref<2x96x512xf32, #tpu.memory_space<vmem>>, vector<1x1x16xf32>,
          %get3A_405 = vector.shape_cast %get3A_404 : vector<1x1x16xf32> to vector<16xf32>
          %add3A_406 = arith.addf %get3A_397, %get3A_405 : vector<16xf32>
          %add3A_407 = arith.constant 64 : i32
          %add3A_408 = arith.addi %add3A_407, %scan3A_145 : i32
          %get3A_409 = arith.constant 0 : i32
          %get3A_410 = arith.index_cast %get3A_409 : i32 to index
          %get3A_411 = arith.index_cast %add3A_408 : i32 to index
          %get3A_412 = arith.constant 128 : index
          %get3A_413 = tpu.vector_load %arg6[%get3A_410, %get3A_411, %get3A_412] {strides = array<i32>} : memref<2x96x512xf32, #tpu.memory_space<vmem>>, vector<1x1x16xf32>,
          %get3A_414 = vector.shape_cast %get3A_413 : vector<1x1x16xf32> to vector<16xf32>
          %add3A_415 = arith.addf %add3A_406, %get3A_414 : vector<16xf32>
          %swap3A_416 = arith.constant 0 : i32
          %swap3A_417 = arith.index_cast %swap3A_416 : i32 to index
          %swap3A_418 = arith.index_cast %scan3A_145 : i32 to index
          %swap3A_419 = arith.constant 128 : index
          %swap3A_420 = tpu.vector_load %arg6[%swap3A_417, %swap3A_418, %swap3A_419] {strides = array<i32>} : memref<2x96x512xf32, #tpu.memory_space<vmem>>, vector<1x1x16xf32>,
          %swap3A_421 = vector.shape_cast %swap3A_420 : vector<1x1x16xf32> to vector<16xf32>
          %swap3A_422 = vector.shape_cast %add3A_415 : vector<16xf32> to vector<1x1x16xf32>
          tpu.vector_store %arg6[%swap3A_417, %swap3A_418, %swap3A_419], %swap3A_422 {strides = array<i32>} : memref<2x96x512xf32, #tpu.memory_space<vmem>>, vector<1x1x16xf32>,
          %get3A_423 = arith.constant 0 : i32
          %get3A_424 = arith.index_cast %get3A_423 : i32 to index
          %get3A_425 = arith.index_cast %scan3A_145 : i32 to index
          %get3A_426 = arith.constant 144 : index
          %get3A_427 = tpu.vector_load %arg6[%get3A_424, %get3A_425, %get3A_426] {strides = array<i32>} : memref<2x96x512xf32, #tpu.memory_space<vmem>>, vector<1x1x16xf32>,
          %get3A_428 = vector.shape_cast %get3A_427 : vector<1x1x16xf32> to vector<16xf32>
          %add3A_429 = arith.constant 32 : i32
          %add3A_430 = arith.addi %add3A_429, %scan3A_145 : i32
          %get3A_431 = arith.constant 0 : i32
          %get3A_432 = arith.index_cast %get3A_431 : i32 to index
          %get3A_433 = arith.index_cast %add3A_430 : i32 to index
          %get3A_434 = arith.constant 144 : index
          %get3A_435 = tpu.vector_load %arg6[%get3A_432, %get3A_433, %get3A_434] {strides = array<i32>} : memref<2x96x512xf32, #tpu.memory_space<vmem>>, vector<1x1x16xf32>,
          %get3A_436 = vector.shape_cast %get3A_435 : vector<1x1x16xf32> to vector<16xf32>
          %add3A_437 = arith.addf %get3A_428, %get3A_436 : vector<16xf32>
          %add3A_438 = arith.constant 64 : i32
          %add3A_439 = arith.addi %add3A_438, %scan3A_145 : i32
          %get3A_440 = arith.constant 0 : i32
          %get3A_441 = arith.index_cast %get3A_440 : i32 to index
          %get3A_442 = arith.index_cast %add3A_439 : i32 to index
          %get3A_443 = arith.constant 144 : index
          %get3A_444 = tpu.vector_load %arg6[%get3A_441, %get3A_442, %get3A_443] {strides = array<i32>} : memref<2x96x512xf32, #tpu.memory_space<vmem>>, vector<1x1x16xf32>,
          %get3A_445 = vector.shape_cast %get3A_444 : vector<1x1x16xf32> to vector<16xf32>
          %add3A_446 = arith.addf %add3A_437, %get3A_445 : vector<16xf32>
          %swap3A_447 = arith.constant 0 : i32
          %swap3A_448 = arith.index_cast %swap3A_447 : i32 to index
          %swap3A_449 = arith.index_cast %scan3A_145 : i32 to index
          %swap3A_450 = arith.constant 144 : index
          %swap3A_451 = tpu.vector_load %arg6[%swap3A_448, %swap3A_449, %swap3A_450] {strides = array<i32>} : memref<2x96x512xf32, #tpu.memory_space<vmem>>, vector<1x1x16xf32>,
          %swap3A_452 = vector.shape_cast %swap3A_451 : vector<1x1x16xf32> to vector<16xf32>
          %swap3A_453 = vector.shape_cast %add3A_446 : vector<16xf32> to vector<1x1x16xf32>
          tpu.vector_store %arg6[%swap3A_448, %swap3A_449, %swap3A_450], %swap3A_453 {strides = array<i32>} : memref<2x96x512xf32, #tpu.memory_space<vmem>>, vector<1x1x16xf32>,
          %get3A_454 = arith.constant 0 : i32
          %get3A_455 = arith.index_cast %get3A_454 : i32 to index
          %get3A_456 = arith.index_cast %scan3A_145 : i32 to index
          %get3A_457 = arith.constant 160 : index
          %get3A_458 = tpu.vector_load %arg6[%get3A_455, %get3A_456, %get3A_457] {strides = array<i32>} : memref<2x96x512xf32, #tpu.memory_space<vmem>>, vector<1x1x16xf32>,
          %get3A_459 = vector.shape_cast %get3A_458 : vector<1x1x16xf32> to vector<16xf32>
          %add3A_460 = arith.constant 32 : i32
          %add3A_461 = arith.addi %add3A_460, %scan3A_145 : i32
          %get3A_462 = arith.constant 0 : i32
          %get3A_463 = arith.index_cast %get3A_462 : i32 to index
          %get3A_464 = arith.index_cast %add3A_461 : i32 to index
          %get3A_465 = arith.constant 160 : index
          %get3A_466 = tpu.vector_load %arg6[%get3A_463, %get3A_464, %get3A_465] {strides = array<i32>} : memref<2x96x512xf32, #tpu.memory_space<vmem>>, vector<1x1x16xf32>,
          %get3A_467 = vector.shape_cast %get3A_466 : vector<1x1x16xf32> to vector<16xf32>
          %add3A_468 = arith.addf %get3A_459, %get3A_467 : vector<16xf32>
          %add3A_469 = arith.constant 64 : i32
          %add3A_470 = arith.addi %add3A_469, %scan3A_145 : i32
          %get3A_471 = arith.constant 0 : i32
          %get3A_472 = arith.index_cast %get3A_471 : i32 to index
          %get3A_473 = arith.index_cast %add3A_470 : i32 to index
          %get3A_474 = arith.constant 160 : index
          %get3A_475 = tpu.vector_load %arg6[%get3A_472, %get3A_473, %get3A_474] {strides = array<i32>} : memref<2x96x512xf32, #tpu.memory_space<vmem>>, vector<1x1x16xf32>,
          %get3A_476 = vector.shape_cast %get3A_475 : vector<1x1x16xf32> to vector<16xf32>
          %add3A_477 = arith.addf %add3A_468, %get3A_476 : vector<16xf32>
          %swap3A_478 = arith.constant 0 : i32
          %swap3A_479 = arith.index_cast %swap3A_478 : i32 to index
          %swap3A_480 = arith.index_cast %scan3A_145 : i32 to index
          %swap3A_481 = arith.constant 160 : index
          %swap3A_482 = tpu.vector_load %arg6[%swap3A_479, %swap3A_480, %swap3A_481] {strides = array<i32>} : memref<2x96x512xf32, #tpu.memory_space<vmem>>, vector<1x1x16xf32>,
          %swap3A_483 = vector.shape_cast %swap3A_482 : vector<1x1x16xf32> to vector<16xf32>
          %swap3A_484 = vector.shape_cast %add3A_477 : vector<16xf32> to vector<1x1x16xf32>
          tpu.vector_store %arg6[%swap3A_479, %swap3A_480, %swap3A_481], %swap3A_484 {strides = array<i32>} : memref<2x96x512xf32, #tpu.memory_space<vmem>>, vector<1x1x16xf32>,
          %get3A_485 = arith.constant 0 : i32
          %get3A_486 = arith.index_cast %get3A_485 : i32 to index
          %get3A_487 = arith.index_cast %scan3A_145 : i32 to index
          %get3A_488 = arith.constant 176 : index
          %get3A_489 = tpu.vector_load %arg6[%get3A_486, %get3A_487, %get3A_488] {strides = array<i32>} : memref<2x96x512xf32, #tpu.memory_space<vmem>>, vector<1x1x16xf32>,
          %get3A_490 = vector.shape_cast %get3A_489 : vector<1x1x16xf32> to vector<16xf32>
          %add3A_491 = arith.constant 32 : i32
          %add3A_492 = arith.addi %add3A_491, %scan3A_145 : i32
          %get3A_493 = arith.constant 0 : i32
          %get3A_494 = arith.index_cast %get3A_493 : i32 to index
          %get3A_495 = arith.index_cast %add3A_492 : i32 to index
          %get3A_496 = arith.constant 176 : index
          %get3A_497 = tpu.vector_load %arg6[%get3A_494, %get3A_495, %get3A_496] {strides = array<i32>} : memref<2x96x512xf32, #tpu.memory_space<vmem>>, vector<1x1x16xf32>,
          %get3A_498 = vector.shape_cast %get3A_497 : vector<1x1x16xf32> to vector<16xf32>
          %add3A_499 = arith.addf %get3A_490, %get3A_498 : vector<16xf32>
          %add3A_500 = arith.constant 64 : i32
          %add3A_501 = arith.addi %add3A_500, %scan3A_145 : i32
          %get3A_502 = arith.constant 0 : i32
          %get3A_503 = arith.index_cast %get3A_502 : i32 to index
          %get3A_504 = arith.index_cast %add3A_501 : i32 to index
          %get3A_505 = arith.constant 176 : index
          %get3A_506 = tpu.vector_load %arg6[%get3A_503, %get3A_504, %get3A_505] {strides = array<i32>} : memref<2x96x512xf32, #tpu.memory_space<vmem>>, vector<1x1x16xf32>,
          %get3A_507 = vector.shape_cast %get3A_506 : vector<1x1x16xf32> to vector<16xf32>
          %add3A_508 = arith.addf %add3A_499, %get3A_507 : vector<16xf32>
          %swap3A_509 = arith.constant 0 : i32
          %swap3A_510 = arith.index_cast %swap3A_509 : i32 to index
          %swap3A_511 = arith.index_cast %scan3A_145 : i32 to index
          %swap3A_512 = arith.constant 176 : index
          %swap3A_513 = tpu.vector_load %arg6[%swap3A_510, %swap3A_511, %swap3A_512] {strides = array<i32>} : memref<2x96x512xf32, #tpu.memory_space<vmem>>, vector<1x1x16xf32>,
          %swap3A_514 = vector.shape_cast %swap3A_513 : vector<1x1x16xf32> to vector<16xf32>
          %swap3A_515 = vector.shape_cast %add3A_508 : vector<16xf32> to vector<1x1x16xf32>
          tpu.vector_store %arg6[%swap3A_510, %swap3A_511, %swap3A_512], %swap3A_515 {strides = array<i32>} : memref<2x96x512xf32, #tpu.memory_space<vmem>>, vector<1x1x16xf32>,
          %get3A_516 = arith.constant 0 : i32
          %get3A_517 = arith.index_cast %get3A_516 : i32 to index
          %get3A_518 = arith.index_cast %scan3A_145 : i32 to index
          %get3A_519 = arith.constant 192 : index
          %get3A_520 = tpu.vector_load %arg6[%get3A_517, %get3A_518, %get3A_519] {strides = array<i32>} : memref<2x96x512xf32, #tpu.memory_space<vmem>>, vector<1x1x16xf32>,
          %get3A_521 = vector.shape_cast %get3A_520 : vector<1x1x16xf32> to vector<16xf32>
          %add3A_522 = arith.constant 32 : i32
          %add3A_523 = arith.addi %add3A_522, %scan3A_145 : i32
          %get3A_524 = arith.constant 0 : i32
          %get3A_525 = arith.index_cast %get3A_524 : i32 to index
          %get3A_526 = arith.index_cast %add3A_523 : i32 to index
          %get3A_527 = arith.constant 192 : index
          %get3A_528 = tpu.vector_load %arg6[%get3A_525, %get3A_526, %get3A_527] {strides = array<i32>} : memref<2x96x512xf32, #tpu.memory_space<vmem>>, vector<1x1x16xf32>,
          %get3A_529 = vector.shape_cast %get3A_528 : vector<1x1x16xf32> to vector<16xf32>
          %add3A_530 = arith.addf %get3A_521, %get3A_529 : vector<16xf32>
          %add3A_531 = arith.constant 64 : i32
          %add3A_532 = arith.addi %add3A_531, %scan3A_145 : i32
          %get3A_533 = arith.constant 0 : i32
          %get3A_534 = arith.index_cast %get3A_533 : i32 to index
          %get3A_535 = arith.index_cast %add3A_532 : i32 to index
          %get3A_536 = arith.constant 192 : index
          %get3A_537 = tpu.vector_load %arg6[%get3A_534, %get3A_535, %get3A_536] {strides = array<i32>} : memref<2x96x512xf32, #tpu.memory_space<vmem>>, vector<1x1x16xf32>,
          %get3A_538 = vector.shape_cast %get3A_537 : vector<1x1x16xf32> to vector<16xf32>
          %add3A_539 = arith.addf %add3A_530, %get3A_538 : vector<16xf32>
          %swap3A_540 = arith.constant 0 : i32
          %swap3A_541 = arith.index_cast %swap3A_540 : i32 to index
          %swap3A_542 = arith.index_cast %scan3A_145 : i32 to index
          %swap3A_543 = arith.constant 192 : index
          %swap3A_544 = tpu.vector_load %arg6[%swap3A_541, %swap3A_542, %swap3A_543] {strides = array<i32>} : memref<2x96x512xf32, #tpu.memory_space<vmem>>, vector<1x1x16xf32>,
          %swap3A_545 = vector.shape_cast %swap3A_544 : vector<1x1x16xf32> to vector<16xf32>
          %swap3A_546 = vector.shape_cast %add3A_539 : vector<16xf32> to vector<1x1x16xf32>
          tpu.vector_store %arg6[%swap3A_541, %swap3A_542, %swap3A_543], %swap3A_546 {strides = array<i32>} : memref<2x96x512xf32, #tpu.memory_space<vmem>>, vector<1x1x16xf32>,
          %get3A_547 = arith.constant 0 : i32
          %get3A_548 = arith.index_cast %get3A_547 : i32 to index
          %get3A_549 = arith.index_cast %scan3A_145 : i32 to index
          %get3A_550 = arith.constant 208 : index
          %get3A_551 = tpu.vector_load %arg6[%get3A_548, %get3A_549, %get3A_550] {strides = array<i32>} : memref<2x96x512xf32, #tpu.memory_space<vmem>>, vector<1x1x16xf32>,
          %get3A_552 = vector.shape_cast %get3A_551 : vector<1x1x16xf32> to vector<16xf32>
          %add3A_553 = arith.constant 32 : i32
          %add3A_554 = arith.addi %add3A_553, %scan3A_145 : i32
          %get3A_555 = arith.constant 0 : i32
          %get3A_556 = arith.index_cast %get3A_555 : i32 to index
          %get3A_557 = arith.index_cast %add3A_554 : i32 to index
          %get3A_558 = arith.constant 208 : index
          %get3A_559 = tpu.vector_load %arg6[%get3A_556, %get3A_557, %get3A_558] {strides = array<i32>} : memref<2x96x512xf32, #tpu.memory_space<vmem>>, vector<1x1x16xf32>,
          %get3A_560 = vector.shape_cast %get3A_559 : vector<1x1x16xf32> to vector<16xf32>
          %add3A_561 = arith.addf %get3A_552, %get3A_560 : vector<16xf32>
          %add3A_562 = arith.constant 64 : i32
          %add3A_563 = arith.addi %add3A_562, %scan3A_145 : i32
          %get3A_564 = arith.constant 0 : i32
          %get3A_565 = arith.index_cast %get3A_564 : i32 to index
          %get3A_566 = arith.index_cast %add3A_563 : i32 to index
          %get3A_567 = arith.constant 208 : index
          %get3A_568 = tpu.vector_load %arg6[%get3A_565, %get3A_566, %get3A_567] {strides = array<i32>} : memref<2x96x512xf32, #tpu.memory_space<vmem>>, vector<1x1x16xf32>,
          %get3A_569 = vector.shape_cast %get3A_568 : vector<1x1x16xf32> to vector<16xf32>
          %add3A_570 = arith.addf %add3A_561, %get3A_569 : vector<16xf32>
          %swap3A_571 = arith.constant 0 : i32
          %swap3A_572 = arith.index_cast %swap3A_571 : i32 to index
          %swap3A_573 = arith.index_cast %scan3A_145 : i32 to index
          %swap3A_574 = arith.constant 208 : index
          %swap3A_575 = tpu.vector_load %arg6[%swap3A_572, %swap3A_573, %swap3A_574] {strides = array<i32>} : memref<2x96x512xf32, #tpu.memory_space<vmem>>, vector<1x1x16xf32>,
          %swap3A_576 = vector.shape_cast %swap3A_575 : vector<1x1x16xf32> to vector<16xf32>
          %swap3A_577 = vector.shape_cast %add3A_570 : vector<16xf32> to vector<1x1x16xf32>
          tpu.vector_store %arg6[%swap3A_572, %swap3A_573, %swap3A_574], %swap3A_577 {strides = array<i32>} : memref<2x96x512xf32, #tpu.memory_space<vmem>>, vector<1x1x16xf32>,
          %get3A_578 = arith.constant 0 : i32
          %get3A_579 = arith.index_cast %get3A_578 : i32 to index
          %get3A_580 = arith.index_cast %scan3A_145 : i32 to index
          %get3A_581 = arith.constant 224 : index
          %get3A_582 = tpu.vector_load %arg6[%get3A_579, %get3A_580, %get3A_581] {strides = array<i32>} : memref<2x96x512xf32, #tpu.memory_space<vmem>>, vector<1x1x16xf32>,
          %get3A_583 = vector.shape_cast %get3A_582 : vector<1x1x16xf32> to vector<16xf32>
          %add3A_584 = arith.constant 32 : i32
          %add3A_585 = arith.addi %add3A_584, %scan3A_145 : i32
          %get3A_586 = arith.constant 0 : i32
          %get3A_587 = arith.index_cast %get3A_586 : i32 to index
          %get3A_588 = arith.index_cast %add3A_585 : i32 to index
          %get3A_589 = arith.constant 224 : index
          %get3A_590 = tpu.vector_load %arg6[%get3A_587, %get3A_588, %get3A_589] {strides = array<i32>} : memref<2x96x512xf32, #tpu.memory_space<vmem>>, vector<1x1x16xf32>,
          %get3A_591 = vector.shape_cast %get3A_590 : vector<1x1x16xf32> to vector<16xf32>
          %add3A_592 = arith.addf %get3A_583, %get3A_591 : vector<16xf32>
          %add3A_593 = arith.constant 64 : i32
          %add3A_594 = arith.addi %add3A_593, %scan3A_145 : i32
          %get3A_595 = arith.constant 0 : i32
          %get3A_596 = arith.index_cast %get3A_595 : i32 to index
          %get3A_597 = arith.index_cast %add3A_594 : i32 to index
          %get3A_598 = arith.constant 224 : index
          %get3A_599 = tpu.vector_load %arg6[%get3A_596, %get3A_597, %get3A_598] {strides = array<i32>} : memref<2x96x512xf32, #tpu.memory_space<vmem>>, vector<1x1x16xf32>,
          %get3A_600 = vector.shape_cast %get3A_599 : vector<1x1x16xf32> to vector<16xf32>
          %add3A_601 = arith.addf %add3A_592, %get3A_600 : vector<16xf32>
          %swap3A_602 = arith.constant 0 : i32
          %swap3A_603 = arith.index_cast %swap3A_602 : i32 to index
          %swap3A_604 = arith.index_cast %scan3A_145 : i32 to index
          %swap3A_605 = arith.constant 224 : index
          %swap3A_606 = tpu.vector_load %arg6[%swap3A_603, %swap3A_604, %swap3A_605] {strides = array<i32>} : memref<2x96x512xf32, #tpu.memory_space<vmem>>, vector<1x1x16xf32>,
          %swap3A_607 = vector.shape_cast %swap3A_606 : vector<1x1x16xf32> to vector<16xf32>
          %swap3A_608 = vector.shape_cast %add3A_601 : vector<16xf32> to vector<1x1x16xf32>
          tpu.vector_store %arg6[%swap3A_603, %swap3A_604, %swap3A_605], %swap3A_608 {strides = array<i32>} : memref<2x96x512xf32, #tpu.memory_space<vmem>>, vector<1x1x16xf32>,
          %get3A_609 = arith.constant 0 : i32
          %get3A_610 = arith.index_cast %get3A_609 : i32 to index
          %get3A_611 = arith.index_cast %scan3A_145 : i32 to index
          %get3A_612 = arith.constant 240 : index
          %get3A_613 = tpu.vector_load %arg6[%get3A_610, %get3A_611, %get3A_612] {strides = array<i32>} : memref<2x96x512xf32, #tpu.memory_space<vmem>>, vector<1x1x16xf32>,
          %get3A_614 = vector.shape_cast %get3A_613 : vector<1x1x16xf32> to vector<16xf32>
          %add3A_615 = arith.constant 32 : i32
          %add3A_616 = arith.addi %add3A_615, %scan3A_145 : i32
          %get3A_617 = arith.constant 0 : i32
          %get3A_618 = arith.index_cast %get3A_617 : i32 to index
          %get3A_619 = arith.index_cast %add3A_616 : i32 to index
          %get3A_620 = arith.constant 240 : index
          %get3A_621 = tpu.vector_load %arg6[%get3A_618, %get3A_619, %get3A_620] {strides = array<i32>} : memref<2x96x512xf32, #tpu.memory_space<vmem>>, vector<1x1x16xf32>,
          %get3A_622 = vector.shape_cast %get3A_621 : vector<1x1x16xf32> to vector<16xf32>
          %add3A_623 = arith.addf %get3A_614, %get3A_622 : vector<16xf32>
          %add3A_624 = arith.constant 64 : i32
          %add3A_625 = arith.addi %add3A_624, %scan3A_145 : i32
          %get3A_626 = arith.constant 0 : i32
          %get3A_627 = arith.index_cast %get3A_626 : i32 to index
          %get3A_628 = arith.index_cast %add3A_625 : i32 to index
          %get3A_629 = arith.constant 240 : index
          %get3A_630 = tpu.vector_load %arg6[%get3A_627, %get3A_628, %get3A_629] {strides = array<i32>} : memref<2x96x512xf32, #tpu.memory_space<vmem>>, vector<1x1x16xf32>,
          %get3A_631 = vector.shape_cast %get3A_630 : vector<1x1x16xf32> to vector<16xf32>
          %add3A_632 = arith.addf %add3A_623, %get3A_631 : vector<16xf32>
          %swap3A_633 = arith.constant 0 : i32
          %swap3A_634 = arith.index_cast %swap3A_633 : i32 to index
          %swap3A_635 = arith.index_cast %scan3A_145 : i32 to index
          %swap3A_636 = arith.constant 240 : index
          %swap3A_637 = tpu.vector_load %arg6[%swap3A_634, %swap3A_635, %swap3A_636] {strides = array<i32>} : memref<2x96x512xf32, #tpu.memory_space<vmem>>, vector<1x1x16xf32>,
          %swap3A_638 = vector.shape_cast %swap3A_637 : vector<1x1x16xf32> to vector<16xf32>
          %swap3A_639 = vector.shape_cast %add3A_632 : vector<16xf32> to vector<1x1x16xf32>
          tpu.vector_store %arg6[%swap3A_634, %swap3A_635, %swap3A_636], %swap3A_639 {strides = array<i32>} : memref<2x96x512xf32, #tpu.memory_space<vmem>>, vector<1x1x16xf32>,
          %get3A_640 = arith.constant 0 : i32
          %get3A_641 = arith.index_cast %get3A_640 : i32 to index
          %get3A_642 = arith.index_cast %scan3A_145 : i32 to index
          %get3A_643 = arith.constant 256 : index
          %get3A_644 = tpu.vector_load %arg6[%get3A_641, %get3A_642, %get3A_643] {strides = array<i32>} : memref<2x96x512xf32, #tpu.memory_space<vmem>>, vector<1x1x16xf32>,
          %get3A_645 = vector.shape_cast %get3A_644 : vector<1x1x16xf32> to vector<16xf32>
          %add3A_646 = arith.constant 32 : i32
          %add3A_647 = arith.addi %add3A_646, %scan3A_145 : i32
          %get3A_648 = arith.constant 0 : i32
          %get3A_649 = arith.index_cast %get3A_648 : i32 to index
          %get3A_650 = arith.index_cast %add3A_647 : i32 to index
          %get3A_651 = arith.constant 256 : index
          %get3A_652 = tpu.vector_load %arg6[%get3A_649, %get3A_650, %get3A_651] {strides = array<i32>} : memref<2x96x512xf32, #tpu.memory_space<vmem>>, vector<1x1x16xf32>,
          %get3A_653 = vector.shape_cast %get3A_652 : vector<1x1x16xf32> to vector<16xf32>
          %add3A_654 = arith.addf %get3A_645, %get3A_653 : vector<16xf32>
          %add3A_655 = arith.constant 64 : i32
          %add3A_656 = arith.addi %add3A_655, %scan3A_145 : i32
          %get3A_657 = arith.constant 0 : i32
          %get3A_658 = arith.index_cast %get3A_657 : i32 to index
          %get3A_659 = arith.index_cast %add3A_656 : i32 to index
          %get3A_660 = arith.constant 256 : index
          %get3A_661 = tpu.vector_load %arg6[%get3A_658, %get3A_659, %get3A_660] {strides = array<i32>} : memref<2x96x512xf32, #tpu.memory_space<vmem>>, vector<1x1x16xf32>,
          %get3A_662 = vector.shape_cast %get3A_661 : vector<1x1x16xf32> to vector<16xf32>
          %add3A_663 = arith.addf %add3A_654, %get3A_662 : vector<16xf32>
          %swap3A_664 = arith.constant 0 : i32
          %swap3A_665 = arith.index_cast %swap3A_664 : i32 to index
          %swap3A_666 = arith.index_cast %scan3A_145 : i32 to index
          %swap3A_667 = arith.constant 256 : index
          %swap3A_668 = tpu.vector_load %arg6[%swap3A_665, %swap3A_666, %swap3A_667] {strides = array<i32>} : memref<2x96x512xf32, #tpu.memory_space<vmem>>, vector<1x1x16xf32>,
          %swap3A_669 = vector.shape_cast %swap3A_668 : vector<1x1x16xf32> to vector<16xf32>
          %swap3A_670 = vector.shape_cast %add3A_663 : vector<16xf32> to vector<1x1x16xf32>
          tpu.vector_store %arg6[%swap3A_665, %swap3A_666, %swap3A_667], %swap3A_670 {strides = array<i32>} : memref<2x96x512xf32, #tpu.memory_space<vmem>>, vector<1x1x16xf32>,
          %get3A_671 = arith.constant 0 : i32
          %get3A_672 = arith.index_cast %get3A_671 : i32 to index
          %get3A_673 = arith.index_cast %scan3A_145 : i32 to index
          %get3A_674 = arith.constant 272 : index
          %get3A_675 = tpu.vector_load %arg6[%get3A_672, %get3A_673, %get3A_674] {strides = array<i32>} : memref<2x96x512xf32, #tpu.memory_space<vmem>>, vector<1x1x16xf32>,
          %get3A_676 = vector.shape_cast %get3A_675 : vector<1x1x16xf32> to vector<16xf32>
          %add3A_677 = arith.constant 32 : i32
          %add3A_678 = arith.addi %add3A_677, %scan3A_145 : i32
          %get3A_679 = arith.constant 0 : i32
          %get3A_680 = arith.index_cast %get3A_679 : i32 to index
          %get3A_681 = arith.index_cast %add3A_678 : i32 to index
          %get3A_682 = arith.constant 272 : index
          %get3A_683 = tpu.vector_load %arg6[%get3A_680, %get3A_681, %get3A_682] {strides = array<i32>} : memref<2x96x512xf32, #tpu.memory_space<vmem>>, vector<1x1x16xf32>,
          %get3A_684 = vector.shape_cast %get3A_683 : vector<1x1x16xf32> to vector<16xf32>
          %add3A_685 = arith.addf %get3A_676, %get3A_684 : vector<16xf32>
          %add3A_686 = arith.constant 64 : i32
          %add3A_687 = arith.addi %add3A_686, %scan3A_145 : i32
          %get3A_688 = arith.constant 0 : i32
          %get3A_689 = arith.index_cast %get3A_688 : i32 to index
          %get3A_690 = arith.index_cast %add3A_687 : i32 to index
          %get3A_691 = arith.constant 272 : index
          %get3A_692 = tpu.vector_load %arg6[%get3A_689, %get3A_690, %get3A_691] {strides = array<i32>} : memref<2x96x512xf32, #tpu.memory_space<vmem>>, vector<1x1x16xf32>,
          %get3A_693 = vector.shape_cast %get3A_692 : vector<1x1x16xf32> to vector<16xf32>
          %add3A_694 = arith.addf %add3A_685, %get3A_693 : vector<16xf32>
          %swap3A_695 = arith.constant 0 : i32
          %swap3A_696 = arith.index_cast %swap3A_695 : i32 to index
          %swap3A_697 = arith.index_cast %scan3A_145 : i32 to index
          %swap3A_698 = arith.constant 272 : index
          %swap3A_699 = tpu.vector_load %arg6[%swap3A_696, %swap3A_697, %swap3A_698] {strides = array<i32>} : memref<2x96x512xf32, #tpu.memory_space<vmem>>, vector<1x1x16xf32>,
          %swap3A_700 = vector.shape_cast %swap3A_699 : vector<1x1x16xf32> to vector<16xf32>
          %swap3A_701 = vector.shape_cast %add3A_694 : vector<16xf32> to vector<1x1x16xf32>
          tpu.vector_store %arg6[%swap3A_696, %swap3A_697, %swap3A_698], %swap3A_701 {strides = array<i32>} : memref<2x96x512xf32, #tpu.memory_space<vmem>>, vector<1x1x16xf32>,
          %get3A_702 = arith.constant 0 : i32
          %get3A_703 = arith.index_cast %get3A_702 : i32 to index
          %get3A_704 = arith.index_cast %scan3A_145 : i32 to index
          %get3A_705 = arith.constant 288 : index
          %get3A_706 = tpu.vector_load %arg6[%get3A_703, %get3A_704, %get3A_705] {strides = array<i32>} : memref<2x96x512xf32, #tpu.memory_space<vmem>>, vector<1x1x16xf32>,
          %get3A_707 = vector.shape_cast %get3A_706 : vector<1x1x16xf32> to vector<16xf32>
          %add3A_708 = arith.constant 32 : i32
          %add3A_709 = arith.addi %add3A_708, %scan3A_145 : i32
          %get3A_710 = arith.constant 0 : i32
          %get3A_711 = arith.index_cast %get3A_710 : i32 to index
          %get3A_712 = arith.index_cast %add3A_709 : i32 to index
          %get3A_713 = arith.constant 288 : index
          %get3A_714 = tpu.vector_load %arg6[%get3A_711, %get3A_712, %get3A_713] {strides = array<i32>} : memref<2x96x512xf32, #tpu.memory_space<vmem>>, vector<1x1x16xf32>,
          %get3A_715 = vector.shape_cast %get3A_714 : vector<1x1x16xf32> to vector<16xf32>
          %add3A_716 = arith.addf %get3A_707, %get3A_715 : vector<16xf32>
          %add3A_717 = arith.constant 64 : i32
          %add3A_718 = arith.addi %add3A_717, %scan3A_145 : i32
          %get3A_719 = arith.constant 0 : i32
          %get3A_720 = arith.index_cast %get3A_719 : i32 to index
          %get3A_721 = arith.index_cast %add3A_718 : i32 to index
          %get3A_722 = arith.constant 288 : index
          %get3A_723 = tpu.vector_load %arg6[%get3A_720, %get3A_721, %get3A_722] {strides = array<i32>} : memref<2x96x512xf32, #tpu.memory_space<vmem>>, vector<1x1x16xf32>,
          %get3A_724 = vector.shape_cast %get3A_723 : vector<1x1x16xf32> to vector<16xf32>
          %add3A_725 = arith.addf %add3A_716, %get3A_724 : vector<16xf32>
          %swap3A_726 = arith.constant 0 : i32
          %swap3A_727 = arith.index_cast %swap3A_726 : i32 to index
          %swap3A_728 = arith.index_cast %scan3A_145 : i32 to index
          %swap3A_729 = arith.constant 288 : index
          %swap3A_730 = tpu.vector_load %arg6[%swap3A_727, %swap3A_728, %swap3A_729] {strides = array<i32>} : memref<2x96x512xf32, #tpu.memory_space<vmem>>, vector<1x1x16xf32>,
          %swap3A_731 = vector.shape_cast %swap3A_730 : vector<1x1x16xf32> to vector<16xf32>
          %swap3A_732 = vector.shape_cast %add3A_725 : vector<16xf32> to vector<1x1x16xf32>
          tpu.vector_store %arg6[%swap3A_727, %swap3A_728, %swap3A_729], %swap3A_732 {strides = array<i32>} : memref<2x96x512xf32, #tpu.memory_space<vmem>>, vector<1x1x16xf32>,
          %get3A_733 = arith.constant 0 : i32
          %get3A_734 = arith.index_cast %get3A_733 : i32 to index
          %get3A_735 = arith.index_cast %scan3A_145 : i32 to index
          %get3A_736 = arith.constant 304 : index
          %get3A_737 = tpu.vector_load %arg6[%get3A_734, %get3A_735, %get3A_736] {strides = array<i32>} : memref<2x96x512xf32, #tpu.memory_space<vmem>>, vector<1x1x16xf32>,
          %get3A_738 = vector.shape_cast %get3A_737 : vector<1x1x16xf32> to vector<16xf32>
          %add3A_739 = arith.constant 32 : i32
          %add3A_740 = arith.addi %add3A_739, %scan3A_145 : i32
          %get3A_741 = arith.constant 0 : i32
          %get3A_742 = arith.index_cast %get3A_741 : i32 to index
          %get3A_743 = arith.index_cast %add3A_740 : i32 to index
          %get3A_744 = arith.constant 304 : index
          %get3A_745 = tpu.vector_load %arg6[%get3A_742, %get3A_743, %get3A_744] {strides = array<i32>} : memref<2x96x512xf32, #tpu.memory_space<vmem>>, vector<1x1x16xf32>,
          %get3A_746 = vector.shape_cast %get3A_745 : vector<1x1x16xf32> to vector<16xf32>
          %add3A_747 = arith.addf %get3A_738, %get3A_746 : vector<16xf32>
          %add3A_748 = arith.constant 64 : i32
          %add3A_749 = arith.addi %add3A_748, %scan3A_145 : i32
          %get3A_750 = arith.constant 0 : i32
          %get3A_751 = arith.index_cast %get3A_750 : i32 to index
          %get3A_752 = arith.index_cast %add3A_749 : i32 to index
          %get3A_753 = arith.constant 304 : index
          %get3A_754 = tpu.vector_load %arg6[%get3A_751, %get3A_752, %get3A_753] {strides = array<i32>} : memref<2x96x512xf32, #tpu.memory_space<vmem>>, vector<1x1x16xf32>,
          %get3A_755 = vector.shape_cast %get3A_754 : vector<1x1x16xf32> to vector<16xf32>
          %add3A_756 = arith.addf %add3A_747, %get3A_755 : vector<16xf32>
          %swap3A_757 = arith.constant 0 : i32
          %swap3A_758 = arith.index_cast %swap3A_757 : i32 to index
          %swap3A_759 = arith.index_cast %scan3A_145 : i32 to index
          %swap3A_760 = arith.constant 304 : index
          %swap3A_761 = tpu.vector_load %arg6[%swap3A_758, %swap3A_759, %swap3A_760] {strides = array<i32>} : memref<2x96x512xf32, #tpu.memory_space<vmem>>, vector<1x1x16xf32>,
          %swap3A_762 = vector.shape_cast %swap3A_761 : vector<1x1x16xf32> to vector<16xf32>
          %swap3A_763 = vector.shape_cast %add3A_756 : vector<16xf32> to vector<1x1x16xf32>
          tpu.vector_store %arg6[%swap3A_758, %swap3A_759, %swap3A_760], %swap3A_763 {strides = array<i32>} : memref<2x96x512xf32, #tpu.memory_space<vmem>>, vector<1x1x16xf32>,
          %get3A_764 = arith.constant 0 : i32
          %get3A_765 = arith.index_cast %get3A_764 : i32 to index
          %get3A_766 = arith.index_cast %scan3A_145 : i32 to index
          %get3A_767 = arith.constant 320 : index
          %get3A_768 = tpu.vector_load %arg6[%get3A_765, %get3A_766, %get3A_767] {strides = array<i32>} : memref<2x96x512xf32, #tpu.memory_space<vmem>>, vector<1x1x16xf32>,
          %get3A_769 = vector.shape_cast %get3A_768 : vector<1x1x16xf32> to vector<16xf32>
          %add3A_770 = arith.constant 32 : i32
          %add3A_771 = arith.addi %add3A_770, %scan3A_145 : i32
          %get3A_772 = arith.constant 0 : i32
          %get3A_773 = arith.index_cast %get3A_772 : i32 to index
          %get3A_774 = arith.index_cast %add3A_771 : i32 to index
          %get3A_775 = arith.constant 320 : index
          %get3A_776 = tpu.vector_load %arg6[%get3A_773, %get3A_774, %get3A_775] {strides = array<i32>} : memref<2x96x512xf32, #tpu.memory_space<vmem>>, vector<1x1x16xf32>,
          %get3A_777 = vector.shape_cast %get3A_776 : vector<1x1x16xf32> to vector<16xf32>
          %add3A_778 = arith.addf %get3A_769, %get3A_777 : vector<16xf32>
          %add3A_779 = arith.constant 64 : i32
          %add3A_780 = arith.addi %add3A_779, %scan3A_145 : i32
          %get3A_781 = arith.constant 0 : i32
          %get3A_782 = arith.index_cast %get3A_781 : i32 to index
          %get3A_783 = arith.index_cast %add3A_780 : i32 to index
          %get3A_784 = arith.constant 320 : index
          %get3A_785 = tpu.vector_load %arg6[%get3A_782, %get3A_783, %get3A_784] {strides = array<i32>} : memref<2x96x512xf32, #tpu.memory_space<vmem>>, vector<1x1x16xf32>,
          %get3A_786 = vector.shape_cast %get3A_785 : vector<1x1x16xf32> to vector<16xf32>
          %add3A_787 = arith.addf %add3A_778, %get3A_786 : vector<16xf32>
          %swap3A_788 = arith.constant 0 : i32
          %swap3A_789 = arith.index_cast %swap3A_788 : i32 to index
          %swap3A_790 = arith.index_cast %scan3A_145 : i32 to index
          %swap3A_791 = arith.constant 320 : index
          %swap3A_792 = tpu.vector_load %arg6[%swap3A_789, %swap3A_790, %swap3A_791] {strides = array<i32>} : memref<2x96x512xf32, #tpu.memory_space<vmem>>, vector<1x1x16xf32>,
          %swap3A_793 = vector.shape_cast %swap3A_792 : vector<1x1x16xf32> to vector<16xf32>
          %swap3A_794 = vector.shape_cast %add3A_787 : vector<16xf32> to vector<1x1x16xf32>
          tpu.vector_store %arg6[%swap3A_789, %swap3A_790, %swap3A_791], %swap3A_794 {strides = array<i32>} : memref<2x96x512xf32, #tpu.memory_space<vmem>>, vector<1x1x16xf32>,
          %get3A_795 = arith.constant 0 : i32
          %get3A_796 = arith.index_cast %get3A_795 : i32 to index
          %get3A_797 = arith.index_cast %scan3A_145 : i32 to index
          %get3A_798 = arith.constant 336 : index
          %get3A_799 = tpu.vector_load %arg6[%get3A_796, %get3A_797, %get3A_798] {strides = array<i32>} : memref<2x96x512xf32, #tpu.memory_space<vmem>>, vector<1x1x16xf32>,
          %get3A_800 = vector.shape_cast %get3A_799 : vector<1x1x16xf32> to vector<16xf32>
          %add3A_801 = arith.constant 32 : i32
          %add3A_802 = arith.addi %add3A_801, %scan3A_145 : i32
          %get3A_803 = arith.constant 0 : i32
          %get3A_804 = arith.index_cast %get3A_803 : i32 to index
          %get3A_805 = arith.index_cast %add3A_802 : i32 to index
          %get3A_806 = arith.constant 336 : index
          %get3A_807 = tpu.vector_load %arg6[%get3A_804, %get3A_805, %get3A_806] {strides = array<i32>} : memref<2x96x512xf32, #tpu.memory_space<vmem>>, vector<1x1x16xf32>,
          %get3A_808 = vector.shape_cast %get3A_807 : vector<1x1x16xf32> to vector<16xf32>
          %add3A_809 = arith.addf %get3A_800, %get3A_808 : vector<16xf32>
          %add3A_810 = arith.constant 64 : i32
          %add3A_811 = arith.addi %add3A_810, %scan3A_145 : i32
          %get3A_812 = arith.constant 0 : i32
          %get3A_813 = arith.index_cast %get3A_812 : i32 to index
          %get3A_814 = arith.index_cast %add3A_811 : i32 to index
          %get3A_815 = arith.constant 336 : index
          %get3A_816 = tpu.vector_load %arg6[%get3A_813, %get3A_814, %get3A_815] {strides = array<i32>} : memref<2x96x512xf32, #tpu.memory_space<vmem>>, vector<1x1x16xf32>,
          %get3A_817 = vector.shape_cast %get3A_816 : vector<1x1x16xf32> to vector<16xf32>
          %add3A_818 = arith.addf %add3A_809, %get3A_817 : vector<16xf32>
          %swap3A_819 = arith.constant 0 : i32
          %swap3A_820 = arith.index_cast %swap3A_819 : i32 to index
          %swap3A_821 = arith.index_cast %scan3A_145 : i32 to index
          %swap3A_822 = arith.constant 336 : index
          %swap3A_823 = tpu.vector_load %arg6[%swap3A_820, %swap3A_821, %swap3A_822] {strides = array<i32>} : memref<2x96x512xf32, #tpu.memory_space<vmem>>, vector<1x1x16xf32>,
          %swap3A_824 = vector.shape_cast %swap3A_823 : vector<1x1x16xf32> to vector<16xf32>
          %swap3A_825 = vector.shape_cast %add3A_818 : vector<16xf32> to vector<1x1x16xf32>
          tpu.vector_store %arg6[%swap3A_820, %swap3A_821, %swap3A_822], %swap3A_825 {strides = array<i32>} : memref<2x96x512xf32, #tpu.memory_space<vmem>>, vector<1x1x16xf32>,
          %get3A_826 = arith.constant 0 : i32
          %get3A_827 = arith.index_cast %get3A_826 : i32 to index
          %get3A_828 = arith.index_cast %scan3A_145 : i32 to index
          %get3A_829 = arith.constant 352 : index
          %get3A_830 = tpu.vector_load %arg6[%get3A_827, %get3A_828, %get3A_829] {strides = array<i32>} : memref<2x96x512xf32, #tpu.memory_space<vmem>>, vector<1x1x16xf32>,
          %get3A_831 = vector.shape_cast %get3A_830 : vector<1x1x16xf32> to vector<16xf32>
          %add3A_832 = arith.constant 32 : i32
          %add3A_833 = arith.addi %add3A_832, %scan3A_145 : i32
          %get3A_834 = arith.constant 0 : i32
          %get3A_835 = arith.index_cast %get3A_834 : i32 to index
          %get3A_836 = arith.index_cast %add3A_833 : i32 to index
          %get3A_837 = arith.constant 352 : index
          %get3A_838 = tpu.vector_load %arg6[%get3A_835, %get3A_836, %get3A_837] {strides = array<i32>} : memref<2x96x512xf32, #tpu.memory_space<vmem>>, vector<1x1x16xf32>,
          %get3A_839 = vector.shape_cast %get3A_838 : vector<1x1x16xf32> to vector<16xf32>
          %add3A_840 = arith.addf %get3A_831, %get3A_839 : vector<16xf32>
          %add3A_841 = arith.constant 64 : i32
          %add3A_842 = arith.addi %add3A_841, %scan3A_145 : i32
          %get3A_843 = arith.constant 0 : i32
          %get3A_844 = arith.index_cast %get3A_843 : i32 to index
          %get3A_845 = arith.index_cast %add3A_842 : i32 to index
          %get3A_846 = arith.constant 352 : index
          %get3A_847 = tpu.vector_load %arg6[%get3A_844, %get3A_845, %get3A_846] {strides = array<i32>} : memref<2x96x512xf32, #tpu.memory_space<vmem>>, vector<1x1x16xf32>,
          %get3A_848 = vector.shape_cast %get3A_847 : vector<1x1x16xf32> to vector<16xf32>
          %add3A_849 = arith.addf %add3A_840, %get3A_848 : vector<16xf32>
          %swap3A_850 = arith.constant 0 : i32
          %swap3A_851 = arith.index_cast %swap3A_850 : i32 to index
          %swap3A_852 = arith.index_cast %scan3A_145 : i32 to index
          %swap3A_853 = arith.constant 352 : index
          %swap3A_854 = tpu.vector_load %arg6[%swap3A_851, %swap3A_852, %swap3A_853] {strides = array<i32>} : memref<2x96x512xf32, #tpu.memory_space<vmem>>, vector<1x1x16xf32>,
          %swap3A_855 = vector.shape_cast %swap3A_854 : vector<1x1x16xf32> to vector<16xf32>
          %swap3A_856 = vector.shape_cast %add3A_849 : vector<16xf32> to vector<1x1x16xf32>
          tpu.vector_store %arg6[%swap3A_851, %swap3A_852, %swap3A_853], %swap3A_856 {strides = array<i32>} : memref<2x96x512xf32, #tpu.memory_space<vmem>>, vector<1x1x16xf32>,
          %get3A_857 = arith.constant 0 : i32
          %get3A_858 = arith.index_cast %get3A_857 : i32 to index
          %get3A_859 = arith.index_cast %scan3A_145 : i32 to index
          %get3A_860 = arith.constant 368 : index
          %get3A_861 = tpu.vector_load %arg6[%get3A_858, %get3A_859, %get3A_860] {strides = array<i32>} : memref<2x96x512xf32, #tpu.memory_space<vmem>>, vector<1x1x16xf32>,
          %get3A_862 = vector.shape_cast %get3A_861 : vector<1x1x16xf32> to vector<16xf32>
          %add3A_863 = arith.constant 32 : i32
          %add3A_864 = arith.addi %add3A_863, %scan3A_145 : i32
          %get3A_865 = arith.constant 0 : i32
          %get3A_866 = arith.index_cast %get3A_865 : i32 to index
          %get3A_867 = arith.index_cast %add3A_864 : i32 to index
          %get3A_868 = arith.constant 368 : index
          %get3A_869 = tpu.vector_load %arg6[%get3A_866, %get3A_867, %get3A_868] {strides = array<i32>} : memref<2x96x512xf32, #tpu.memory_space<vmem>>, vector<1x1x16xf32>,
          %get3A_870 = vector.shape_cast %get3A_869 : vector<1x1x16xf32> to vector<16xf32>
          %add3A_871 = arith.addf %get3A_862, %get3A_870 : vector<16xf32>
          %add3A_872 = arith.constant 64 : i32
          %add3A_873 = arith.addi %add3A_872, %scan3A_145 : i32
          %get3A_874 = arith.constant 0 : i32
          %get3A_875 = arith.index_cast %get3A_874 : i32 to index
          %get3A_876 = arith.index_cast %add3A_873 : i32 to index
          %get3A_877 = arith.constant 368 : index
          %get3A_878 = tpu.vector_load %arg6[%get3A_875, %get3A_876, %get3A_877] {strides = array<i32>} : memref<2x96x512xf32, #tpu.memory_space<vmem>>, vector<1x1x16xf32>,
          %get3A_879 = vector.shape_cast %get3A_878 : vector<1x1x16xf32> to vector<16xf32>
          %add3A_880 = arith.addf %add3A_871, %get3A_879 : vector<16xf32>
          %swap3A_881 = arith.constant 0 : i32
          %swap3A_882 = arith.index_cast %swap3A_881 : i32 to index
          %swap3A_883 = arith.index_cast %scan3A_145 : i32 to index
          %swap3A_884 = arith.constant 368 : index
          %swap3A_885 = tpu.vector_load %arg6[%swap3A_882, %swap3A_883, %swap3A_884] {strides = array<i32>} : memref<2x96x512xf32, #tpu.memory_space<vmem>>, vector<1x1x16xf32>,
          %swap3A_886 = vector.shape_cast %swap3A_885 : vector<1x1x16xf32> to vector<16xf32>
          %swap3A_887 = vector.shape_cast %add3A_880 : vector<16xf32> to vector<1x1x16xf32>
          tpu.vector_store %arg6[%swap3A_882, %swap3A_883, %swap3A_884], %swap3A_887 {strides = array<i32>} : memref<2x96x512xf32, #tpu.memory_space<vmem>>, vector<1x1x16xf32>,
          %get3A_888 = arith.constant 0 : i32
          %get3A_889 = arith.index_cast %get3A_888 : i32 to index
          %get3A_890 = arith.index_cast %scan3A_145 : i32 to index
          %get3A_891 = arith.constant 384 : index
          %get3A_892 = tpu.vector_load %arg6[%get3A_889, %get3A_890, %get3A_891] {strides = array<i32>} : memref<2x96x512xf32, #tpu.memory_space<vmem>>, vector<1x1x16xf32>,
          %get3A_893 = vector.shape_cast %get3A_892 : vector<1x1x16xf32> to vector<16xf32>
          %add3A_894 = arith.constant 32 : i32
          %add3A_895 = arith.addi %add3A_894, %scan3A_145 : i32
          %get3A_896 = arith.constant 0 : i32
          %get3A_897 = arith.index_cast %get3A_896 : i32 to index
          %get3A_898 = arith.index_cast %add3A_895 : i32 to index
          %get3A_899 = arith.constant 384 : index
          %get3A_900 = tpu.vector_load %arg6[%get3A_897, %get3A_898, %get3A_899] {strides = array<i32>} : memref<2x96x512xf32, #tpu.memory_space<vmem>>, vector<1x1x16xf32>,
          %get3A_901 = vector.shape_cast %get3A_900 : vector<1x1x16xf32> to vector<16xf32>
          %add3A_902 = arith.addf %get3A_893, %get3A_901 : vector<16xf32>
          %add3A_903 = arith.constant 64 : i32
          %add3A_904 = arith.addi %add3A_903, %scan3A_145 : i32
          %get3A_905 = arith.constant 0 : i32
          %get3A_906 = arith.index_cast %get3A_905 : i32 to index
          %get3A_907 = arith.index_cast %add3A_904 : i32 to index
          %get3A_908 = arith.constant 384 : index
          %get3A_909 = tpu.vector_load %arg6[%get3A_906, %get3A_907, %get3A_908] {strides = array<i32>} : memref<2x96x512xf32, #tpu.memory_space<vmem>>, vector<1x1x16xf32>,
          %get3A_910 = vector.shape_cast %get3A_909 : vector<1x1x16xf32> to vector<16xf32>
          %add3A_911 = arith.addf %add3A_902, %get3A_910 : vector<16xf32>
          %swap3A_912 = arith.constant 0 : i32
          %swap3A_913 = arith.index_cast %swap3A_912 : i32 to index
          %swap3A_914 = arith.index_cast %scan3A_145 : i32 to index
          %swap3A_915 = arith.constant 384 : index
          %swap3A_916 = tpu.vector_load %arg6[%swap3A_913, %swap3A_914, %swap3A_915] {strides = array<i32>} : memref<2x96x512xf32, #tpu.memory_space<vmem>>, vector<1x1x16xf32>,
          %swap3A_917 = vector.shape_cast %swap3A_916 : vector<1x1x16xf32> to vector<16xf32>
          %swap3A_918 = vector.shape_cast %add3A_911 : vector<16xf32> to vector<1x1x16xf32>
          tpu.vector_store %arg6[%swap3A_913, %swap3A_914, %swap3A_915], %swap3A_918 {strides = array<i32>} : memref<2x96x512xf32, #tpu.memory_space<vmem>>, vector<1x1x16xf32>,
          %get3A_919 = arith.constant 0 : i32
          %get3A_920 = arith.index_cast %get3A_919 : i32 to index
          %get3A_921 = arith.index_cast %scan3A_145 : i32 to index
          %get3A_922 = arith.constant 400 : index
          %get3A_923 = tpu.vector_load %arg6[%get3A_920, %get3A_921, %get3A_922] {strides = array<i32>} : memref<2x96x512xf32, #tpu.memory_space<vmem>>, vector<1x1x16xf32>,
          %get3A_924 = vector.shape_cast %get3A_923 : vector<1x1x16xf32> to vector<16xf32>
          %add3A_925 = arith.constant 32 : i32
          %add3A_926 = arith.addi %add3A_925, %scan3A_145 : i32
          %get3A_927 = arith.constant 0 : i32
          %get3A_928 = arith.index_cast %get3A_927 : i32 to index
          %get3A_929 = arith.index_cast %add3A_926 : i32 to index
          %get3A_930 = arith.constant 400 : index
          %get3A_931 = tpu.vector_load %arg6[%get3A_928, %get3A_929, %get3A_930] {strides = array<i32>} : memref<2x96x512xf32, #tpu.memory_space<vmem>>, vector<1x1x16xf32>,
          %get3A_932 = vector.shape_cast %get3A_931 : vector<1x1x16xf32> to vector<16xf32>
          %add3A_933 = arith.addf %get3A_924, %get3A_932 : vector<16xf32>
          %add3A_934 = arith.constant 64 : i32
          %add3A_935 = arith.addi %add3A_934, %scan3A_145 : i32
          %get3A_936 = arith.constant 0 : i32
          %get3A_937 = arith.index_cast %get3A_936 : i32 to index
          %get3A_938 = arith.index_cast %add3A_935 : i32 to index
          %get3A_939 = arith.constant 400 : index
          %get3A_940 = tpu.vector_load %arg6[%get3A_937, %get3A_938, %get3A_939] {strides = array<i32>} : memref<2x96x512xf32, #tpu.memory_space<vmem>>, vector<1x1x16xf32>,
          %get3A_941 = vector.shape_cast %get3A_940 : vector<1x1x16xf32> to vector<16xf32>
          %add3A_942 = arith.addf %add3A_933, %get3A_941 : vector<16xf32>
          %swap3A_943 = arith.constant 0 : i32
          %swap3A_944 = arith.index_cast %swap3A_943 : i32 to index
          %swap3A_945 = arith.index_cast %scan3A_145 : i32 to index
          %swap3A_946 = arith.constant 400 : index
          %swap3A_947 = tpu.vector_load %arg6[%swap3A_944, %swap3A_945, %swap3A_946] {strides = array<i32>} : memref<2x96x512xf32, #tpu.memory_space<vmem>>, vector<1x1x16xf32>,
          %swap3A_948 = vector.shape_cast %swap3A_947 : vector<1x1x16xf32> to vector<16xf32>
          %swap3A_949 = vector.shape_cast %add3A_942 : vector<16xf32> to vector<1x1x16xf32>
          tpu.vector_store %arg6[%swap3A_944, %swap3A_945, %swap3A_946], %swap3A_949 {strides = array<i32>} : memref<2x96x512xf32, #tpu.memory_space<vmem>>, vector<1x1x16xf32>,
          %get3A_950 = arith.constant 0 : i32
          %get3A_951 = arith.index_cast %get3A_950 : i32 to index
          %get3A_952 = arith.index_cast %scan3A_145 : i32 to index
          %get3A_953 = arith.constant 416 : index
          %get3A_954 = tpu.vector_load %arg6[%get3A_951, %get3A_952, %get3A_953] {strides = array<i32>} : memref<2x96x512xf32, #tpu.memory_space<vmem>>, vector<1x1x16xf32>,
          %get3A_955 = vector.shape_cast %get3A_954 : vector<1x1x16xf32> to vector<16xf32>
          %add3A_956 = arith.constant 32 : i32
          %add3A_957 = arith.addi %add3A_956, %scan3A_145 : i32
          %get3A_958 = arith.constant 0 : i32
          %get3A_959 = arith.index_cast %get3A_958 : i32 to index
          %get3A_960 = arith.index_cast %add3A_957 : i32 to index
          %get3A_961 = arith.constant 416 : index
          %get3A_962 = tpu.vector_load %arg6[%get3A_959, %get3A_960, %get3A_961] {strides = array<i32>} : memref<2x96x512xf32, #tpu.memory_space<vmem>>, vector<1x1x16xf32>,
          %get3A_963 = vector.shape_cast %get3A_962 : vector<1x1x16xf32> to vector<16xf32>
          %add3A_964 = arith.addf %get3A_955, %get3A_963 : vector<16xf32>
          %add3A_965 = arith.constant 64 : i32
          %add3A_966 = arith.addi %add3A_965, %scan3A_145 : i32
          %get3A_967 = arith.constant 0 : i32
          %get3A_968 = arith.index_cast %get3A_967 : i32 to index
          %get3A_969 = arith.index_cast %add3A_966 : i32 to index
          %get3A_970 = arith.constant 416 : index
          %get3A_971 = tpu.vector_load %arg6[%get3A_968, %get3A_969, %get3A_970] {strides = array<i32>} : memref<2x96x512xf32, #tpu.memory_space<vmem>>, vector<1x1x16xf32>,
          %get3A_972 = vector.shape_cast %get3A_971 : vector<1x1x16xf32> to vector<16xf32>
          %add3A_973 = arith.addf %add3A_964, %get3A_972 : vector<16xf32>
          %swap3A_974 = arith.constant 0 : i32
          %swap3A_975 = arith.index_cast %swap3A_974 : i32 to index
          %swap3A_976 = arith.index_cast %scan3A_145 : i32 to index
          %swap3A_977 = arith.constant 416 : index
          %swap3A_978 = tpu.vector_load %arg6[%swap3A_975, %swap3A_976, %swap3A_977] {strides = array<i32>} : memref<2x96x512xf32, #tpu.memory_space<vmem>>, vector<1x1x16xf32>,
          %swap3A_979 = vector.shape_cast %swap3A_978 : vector<1x1x16xf32> to vector<16xf32>
          %swap3A_980 = vector.shape_cast %add3A_973 : vector<16xf32> to vector<1x1x16xf32>
          tpu.vector_store %arg6[%swap3A_975, %swap3A_976, %swap3A_977], %swap3A_980 {strides = array<i32>} : memref<2x96x512xf32, #tpu.memory_space<vmem>>, vector<1x1x16xf32>,
          %get3A_981 = arith.constant 0 : i32
          %get3A_982 = arith.index_cast %get3A_981 : i32 to index
          %get3A_983 = arith.index_cast %scan3A_145 : i32 to index
          %get3A_984 = arith.constant 432 : index
          %get3A_985 = tpu.vector_load %arg6[%get3A_982, %get3A_983, %get3A_984] {strides = array<i32>} : memref<2x96x512xf32, #tpu.memory_space<vmem>>, vector<1x1x16xf32>,
          %get3A_986 = vector.shape_cast %get3A_985 : vector<1x1x16xf32> to vector<16xf32>
          %add3A_987 = arith.constant 32 : i32
          %add3A_988 = arith.addi %add3A_987, %scan3A_145 : i32
          %get3A_989 = arith.constant 0 : i32
          %get3A_990 = arith.index_cast %get3A_989 : i32 to index
          %get3A_991 = arith.index_cast %add3A_988 : i32 to index
          %get3A_992 = arith.constant 432 : index
          %get3A_993 = tpu.vector_load %arg6[%get3A_990, %get3A_991, %get3A_992] {strides = array<i32>} : memref<2x96x512xf32, #tpu.memory_space<vmem>>, vector<1x1x16xf32>,
          %get3A_994 = vector.shape_cast %get3A_993 : vector<1x1x16xf32> to vector<16xf32>
          %add3A_995 = arith.addf %get3A_986, %get3A_994 : vector<16xf32>
          %add3A_996 = arith.constant 64 : i32
          %add3A_997 = arith.addi %add3A_996, %scan3A_145 : i32
          %get3A_998 = arith.constant 0 : i32
          %get3A_999 = arith.index_cast %get3A_998 : i32 to index
          %get3A_1000 = arith.index_cast %add3A_997 : i32 to index
          %get3A_1001 = arith.constant 432 : index
          %get3A_1002 = tpu.vector_load %arg6[%get3A_999, %get3A_1000, %get3A_1001] {strides = array<i32>} : memref<2x96x512xf32, #tpu.memory_space<vmem>>, vector<1x1x16xf32>,
          %get3A_1003 = vector.shape_cast %get3A_1002 : vector<1x1x16xf32> to vector<16xf32>
          %add3A_1004 = arith.addf %add3A_995, %get3A_1003 : vector<16xf32>
          %swap3A_1005 = arith.constant 0 : i32
          %swap3A_1006 = arith.index_cast %swap3A_1005 : i32 to index
          %swap3A_1007 = arith.index_cast %scan3A_145 : i32 to index
          %swap3A_1008 = arith.constant 432 : index
          %swap3A_1009 = tpu.vector_load %arg6[%swap3A_1006, %swap3A_1007, %swap3A_1008] {strides = array<i32>} : memref<2x96x512xf32, #tpu.memory_space<vmem>>, vector<1x1x16xf32>,
          %swap3A_1010 = vector.shape_cast %swap3A_1009 : vector<1x1x16xf32> to vector<16xf32>
          %swap3A_1011 = vector.shape_cast %add3A_1004 : vector<16xf32> to vector<1x1x16xf32>
          tpu.vector_store %arg6[%swap3A_1006, %swap3A_1007, %swap3A_1008], %swap3A_1011 {strides = array<i32>} : memref<2x96x512xf32, #tpu.memory_space<vmem>>, vector<1x1x16xf32>,
          %get3A_1012 = arith.constant 0 : i32
          %get3A_1013 = arith.index_cast %get3A_1012 : i32 to index
          %get3A_1014 = arith.index_cast %scan3A_145 : i32 to index
          %get3A_1015 = arith.constant 448 : index
          %get3A_1016 = tpu.vector_load %arg6[%get3A_1013, %get3A_1014, %get3A_1015] {strides = array<i32>} : memref<2x96x512xf32, #tpu.memory_space<vmem>>, vector<1x1x16xf32>,
          %get3A_1017 = vector.shape_cast %get3A_1016 : vector<1x1x16xf32> to vector<16xf32>
          %add3A_1018 = arith.constant 32 : i32
          %add3A_1019 = arith.addi %add3A_1018, %scan3A_145 : i32
          %get3A_1020 = arith.constant 0 : i32
          %get3A_1021 = arith.index_cast %get3A_1020 : i32 to index
          %get3A_1022 = arith.index_cast %add3A_1019 : i32 to index
          %get3A_1023 = arith.constant 448 : index
          %get3A_1024 = tpu.vector_load %arg6[%get3A_1021, %get3A_1022, %get3A_1023] {strides = array<i32>} : memref<2x96x512xf32, #tpu.memory_space<vmem>>, vector<1x1x16xf32>,
          %get3A_1025 = vector.shape_cast %get3A_1024 : vector<1x1x16xf32> to vector<16xf32>
          %add3A_1026 = arith.addf %get3A_1017, %get3A_1025 : vector<16xf32>
          %add3A_1027 = arith.constant 64 : i32
          %add3A_1028 = arith.addi %add3A_1027, %scan3A_145 : i32
          %get3A_1029 = arith.constant 0 : i32
          %get3A_1030 = arith.index_cast %get3A_1029 : i32 to index
          %get3A_1031 = arith.index_cast %add3A_1028 : i32 to index
          %get3A_1032 = arith.constant 448 : index
          %get3A_1033 = tpu.vector_load %arg6[%get3A_1030, %get3A_1031, %get3A_1032] {strides = array<i32>} : memref<2x96x512xf32, #tpu.memory_space<vmem>>, vector<1x1x16xf32>,
          %get3A_1034 = vector.shape_cast %get3A_1033 : vector<1x1x16xf32> to vector<16xf32>
          %add3A_1035 = arith.addf %add3A_1026, %get3A_1034 : vector<16xf32>
          %swap3A_1036 = arith.constant 0 : i32
          %swap3A_1037 = arith.index_cast %swap3A_1036 : i32 to index
          %swap3A_1038 = arith.index_cast %scan3A_145 : i32 to index
          %swap3A_1039 = arith.constant 448 : index
          %swap3A_1040 = tpu.vector_load %arg6[%swap3A_1037, %swap3A_1038, %swap3A_1039] {strides = array<i32>} : memref<2x96x512xf32, #tpu.memory_space<vmem>>, vector<1x1x16xf32>,
          %swap3A_1041 = vector.shape_cast %swap3A_1040 : vector<1x1x16xf32> to vector<16xf32>
          %swap3A_1042 = vector.shape_cast %add3A_1035 : vector<16xf32> to vector<1x1x16xf32>
          tpu.vector_store %arg6[%swap3A_1037, %swap3A_1038, %swap3A_1039], %swap3A_1042 {strides = array<i32>} : memref<2x96x512xf32, #tpu.memory_space<vmem>>, vector<1x1x16xf32>,
          %get3A_1043 = arith.constant 0 : i32
          %get3A_1044 = arith.index_cast %get3A_1043 : i32 to index
          %get3A_1045 = arith.index_cast %scan3A_145 : i32 to index
          %get3A_1046 = arith.constant 464 : index
          %get3A_1047 = tpu.vector_load %arg6[%get3A_1044, %get3A_1045, %get3A_1046] {strides = array<i32>} : memref<2x96x512xf32, #tpu.memory_space<vmem>>, vector<1x1x16xf32>,
          %get3A_1048 = vector.shape_cast %get3A_1047 : vector<1x1x16xf32> to vector<16xf32>
          %add3A_1049 = arith.constant 32 : i32
          %add3A_1050 = arith.addi %add3A_1049, %scan3A_145 : i32
          %get3A_1051 = arith.constant 0 : i32
          %get3A_1052 = arith.index_cast %get3A_1051 : i32 to index
          %get3A_1053 = arith.index_cast %add3A_1050 : i32 to index
          %get3A_1054 = arith.constant 464 : index
          %get3A_1055 = tpu.vector_load %arg6[%get3A_1052, %get3A_1053, %get3A_1054] {strides = array<i32>} : memref<2x96x512xf32, #tpu.memory_space<vmem>>, vector<1x1x16xf32>,
          %get3A_1056 = vector.shape_cast %get3A_1055 : vector<1x1x16xf32> to vector<16xf32>
          %add3A_1057 = arith.addf %get3A_1048, %get3A_1056 : vector<16xf32>
          %add3A_1058 = arith.constant 64 : i32
          %add3A_1059 = arith.addi %add3A_1058, %scan3A_145 : i32
          %get3A_1060 = arith.constant 0 : i32
          %get3A_1061 = arith.index_cast %get3A_1060 : i32 to index
          %get3A_1062 = arith.index_cast %add3A_1059 : i32 to index
          %get3A_1063 = arith.constant 464 : index
          %get3A_1064 = tpu.vector_load %arg6[%get3A_1061, %get3A_1062, %get3A_1063] {strides = array<i32>} : memref<2x96x512xf32, #tpu.memory_space<vmem>>, vector<1x1x16xf32>,
          %get3A_1065 = vector.shape_cast %get3A_1064 : vector<1x1x16xf32> to vector<16xf32>
          %add3A_1066 = arith.addf %add3A_1057, %get3A_1065 : vector<16xf32>
          %swap3A_1067 = arith.constant 0 : i32
          %swap3A_1068 = arith.index_cast %swap3A_1067 : i32 to index
          %swap3A_1069 = arith.index_cast %scan3A_145 : i32 to index
          %swap3A_1070 = arith.constant 464 : index
          %swap3A_1071 = tpu.vector_load %arg6[%swap3A_1068, %swap3A_1069, %swap3A_1070] {strides = array<i32>} : memref<2x96x512xf32, #tpu.memory_space<vmem>>, vector<1x1x16xf32>,
          %swap3A_1072 = vector.shape_cast %swap3A_1071 : vector<1x1x16xf32> to vector<16xf32>
          %swap3A_1073 = vector.shape_cast %add3A_1066 : vector<16xf32> to vector<1x1x16xf32>
          tpu.vector_store %arg6[%swap3A_1068, %swap3A_1069, %swap3A_1070], %swap3A_1073 {strides = array<i32>} : memref<2x96x512xf32, #tpu.memory_space<vmem>>, vector<1x1x16xf32>,
          %get3A_1074 = arith.constant 0 : i32
          %get3A_1075 = arith.index_cast %get3A_1074 : i32 to index
          %get3A_1076 = arith.index_cast %scan3A_145 : i32 to index
          %get3A_1077 = arith.constant 480 : index
          %get3A_1078 = tpu.vector_load %arg6[%get3A_1075, %get3A_1076, %get3A_1077] {strides = array<i32>} : memref<2x96x512xf32, #tpu.memory_space<vmem>>, vector<1x1x16xf32>,
          %get3A_1079 = vector.shape_cast %get3A_1078 : vector<1x1x16xf32> to vector<16xf32>
          %add3A_1080 = arith.constant 32 : i32
          %add3A_1081 = arith.addi %add3A_1080, %scan3A_145 : i32
          %get3A_1082 = arith.constant 0 : i32
          %get3A_1083 = arith.index_cast %get3A_1082 : i32 to index
          %get3A_1084 = arith.index_cast %add3A_1081 : i32 to index
          %get3A_1085 = arith.constant 480 : index
          %get3A_1086 = tpu.vector_load %arg6[%get3A_1083, %get3A_1084, %get3A_1085] {strides = array<i32>} : memref<2x96x512xf32, #tpu.memory_space<vmem>>, vector<1x1x16xf32>,
          %get3A_1087 = vector.shape_cast %get3A_1086 : vector<1x1x16xf32> to vector<16xf32>
          %add3A_1088 = arith.addf %get3A_1079, %get3A_1087 : vector<16xf32>
          %add3A_1089 = arith.constant 64 : i32
          %add3A_1090 = arith.addi %add3A_1089, %scan3A_145 : i32
          %get3A_1091 = arith.constant 0 : i32
          %get3A_1092 = arith.index_cast %get3A_1091 : i32 to index
          %get3A_1093 = arith.index_cast %add3A_1090 : i32 to index
          %get3A_1094 = arith.constant 480 : index
          %get3A_1095 = tpu.vector_load %arg6[%get3A_1092, %get3A_1093, %get3A_1094] {strides = array<i32>} : memref<2x96x512xf32, #tpu.memory_space<vmem>>, vector<1x1x16xf32>,
          %get3A_1096 = vector.shape_cast %get3A_1095 : vector<1x1x16xf32> to vector<16xf32>
          %add3A_1097 = arith.addf %add3A_1088, %get3A_1096 : vector<16xf32>
          %swap3A_1098 = arith.constant 0 : i32
          %swap3A_1099 = arith.index_cast %swap3A_1098 : i32 to index
          %swap3A_1100 = arith.index_cast %scan3A_145 : i32 to index
          %swap3A_1101 = arith.constant 480 : index
          %swap3A_1102 = tpu.vector_load %arg6[%swap3A_1099, %swap3A_1100, %swap3A_1101] {strides = array<i32>} : memref<2x96x512xf32, #tpu.memory_space<vmem>>, vector<1x1x16xf32>,
          %swap3A_1103 = vector.shape_cast %swap3A_1102 : vector<1x1x16xf32> to vector<16xf32>
          %swap3A_1104 = vector.shape_cast %add3A_1097 : vector<16xf32> to vector<1x1x16xf32>
          tpu.vector_store %arg6[%swap3A_1099, %swap3A_1100, %swap3A_1101], %swap3A_1104 {strides = array<i32>} : memref<2x96x512xf32, #tpu.memory_space<vmem>>, vector<1x1x16xf32>,
          %get3A_1105 = arith.constant 0 : i32
          %get3A_1106 = arith.index_cast %get3A_1105 : i32 to index
          %get3A_1107 = arith.index_cast %scan3A_145 : i32 to index
          %get3A_1108 = arith.constant 496 : index
          %get3A_1109 = tpu.vector_load %arg6[%get3A_1106, %get3A_1107, %get3A_1108] {strides = array<i32>} : memref<2x96x512xf32, #tpu.memory_space<vmem>>, vector<1x1x16xf32>,
          %get3A_1110 = vector.shape_cast %get3A_1109 : vector<1x1x16xf32> to vector<16xf32>
          %add3A_1111 = arith.constant 32 : i32
          %add3A_1112 = arith.addi %add3A_1111, %scan3A_145 : i32
          %get3A_1113 = arith.constant 0 : i32
          %get3A_1114 = arith.index_cast %get3A_1113 : i32 to index
          %get3A_1115 = arith.index_cast %add3A_1112 : i32 to index
          %get3A_1116 = arith.constant 496 : index
          %get3A_1117 = tpu.vector_load %arg6[%get3A_1114, %get3A_1115, %get3A_1116] {strides = array<i32>} : memref<2x96x512xf32, #tpu.memory_space<vmem>>, vector<1x1x16xf32>,
          %get3A_1118 = vector.shape_cast %get3A_1117 : vector<1x1x16xf32> to vector<16xf32>
          %add3A_1119 = arith.addf %get3A_1110, %get3A_1118 : vector<16xf32>
          %add3A_1120 = arith.constant 64 : i32
          %add3A_1121 = arith.addi %add3A_1120, %scan3A_145 : i32
          %get3A_1122 = arith.constant 0 : i32
          %get3A_1123 = arith.index_cast %get3A_1122 : i32 to index
          %get3A_1124 = arith.index_cast %add3A_1121 : i32 to index
          %get3A_1125 = arith.constant 496 : index
          %get3A_1126 = tpu.vector_load %arg6[%get3A_1123, %get3A_1124, %get3A_1125] {strides = array<i32>} : memref<2x96x512xf32, #tpu.memory_space<vmem>>, vector<1x1x16xf32>,
          %get3A_1127 = vector.shape_cast %get3A_1126 : vector<1x1x16xf32> to vector<16xf32>
          %add3A_1128 = arith.addf %add3A_1119, %get3A_1127 : vector<16xf32>
          %swap3A_1129 = arith.constant 0 : i32
          %swap3A_1130 = arith.index_cast %swap3A_1129 : i32 to index
          %swap3A_1131 = arith.index_cast %scan3A_145 : i32 to index
          %swap3A_1132 = arith.constant 496 : index
          %swap3A_1133 = tpu.vector_load %arg6[%swap3A_1130, %swap3A_1131, %swap3A_1132] {strides = array<i32>} : memref<2x96x512xf32, #tpu.memory_space<vmem>>, vector<1x1x16xf32>,
          %swap3A_1134 = vector.shape_cast %swap3A_1133 : vector<1x1x16xf32> to vector<16xf32>
          %swap3A_1135 = vector.shape_cast %add3A_1128 : vector<16xf32> to vector<1x1x16xf32>
          tpu.vector_store %arg6[%swap3A_1130, %swap3A_1131, %swap3A_1132], %swap3A_1135 {strides = array<i32>} : memref<2x96x512xf32, #tpu.memory_space<vmem>>, vector<1x1x16xf32>,
        }
        %scan3A_121 = arith.constant 32 : i32
        %mul3A_122 = arith.constant 32 : i32
        %mul3A_123 = arith.muli %scan3A_85, %mul3A_122 : i32
        %add3A_124 = arith.addi %mul3A_2, %mul3A_123 : i32
        %dma_start3A_125 = arith.constant 0 : i32
        %dma_start3A_126 = arith.constant 0 : i32
        %dma_start3A_127 = arith.constant 0 : i32
        %dma_start3A_128 = tpu.memref_slice %arg6[%dma_start3A_125, %dma_start3A_126, %dma_start3A_127] : memref<2x96x512xf32, #tpu.memory_space<vmem>> -> memref<1x32x512xf32, #tpu.memory_space<vmem>>
        %dma_start3A_129 = tpu.memref_squeeze %dma_start3A_128 : memref<1x32x512xf32, #tpu.memory_space<vmem>> -> memref<32x512xf32, #tpu.memory_space<vmem>>
        %dma_start3A_130 = arith.constant 0 : i32
        %dma_start3A_131 = tpu.memref_slice %arg4[%add3A_124, %dma_start3A_130] : memref<204800x512xf32, #tpu.memory_space<hbm>> -> memref<32x512xf32, #tpu.memory_space<hbm>>
        %dma_start3A_132 = arith.constant 0 : i32
        %dma_start3A_133 = tpu.memref_slice %arg4[%add3A_124, %dma_start3A_132] : memref<204800x512xf32, #tpu.memory_space<hbm>> -> memref<32x512xf32, #tpu.memory_space<hbm>>
        %dma_start3A_134 = arith.constant 0 : i32
        %dma_start3A_135 = arith.constant 0 : i32
        %dma_start3A_136 = tpu.memref_slice %arg6[%dma_start3A_125, %dma_start3A_134, %dma_start3A_135] : memref<2x96x512xf32, #tpu.memory_space<vmem>> -> memref<1x32x512xf32, #tpu.memory_space<vmem>>
        %dma_start3A_137 = tpu.memref_squeeze %dma_start3A_136 : memref<1x32x512xf32, #tpu.memory_space<vmem>> -> memref<32x512xf32, #tpu.memory_space<vmem>>
        tpu.enqueue_dma source(%dma_start3A_137 : memref<32x512xf32, #tpu.memory_space<vmem>>) target(%dma_start3A_133 : memref<32x512xf32, #tpu.memory_space<hbm>>) target_semaphore(%arg11 : memref<!tpu.dma_semaphore, #tpu.memory_space<semaphore_mem>>)
        %add3A_138 = arith.constant 2 : i32
        %add3A_139 = arith.addi %scan3A_85, %add3A_138 : i32
        %lt3A_140 = arith.constant 200 : i32
        %lt3A_141 = arith.cmpi slt, %add3A_139, %lt3A_140 : i32
        %convert_element_type3A_142 = arith.extui %lt3A_141 : i1 to i32
        %cond3A_143 = arith.constant 0 : i32
        %cond3A_144 = arith.cmpi ne, %convert_element_type3A_142, %cond3A_143 : i32
        scf.if %cond3A_144 {
          %add3A_145 = arith.constant 2 : i32
          %add3A_146 = arith.addi %scan3A_85, %add3A_145 : i32
          %mul3A_147 = arith.constant 96 : i32
          %mul3A_148 = arith.muli %add3A_146, %mul3A_147 : i32
          %add3A_149 = arith.addi %mul3A_6, %mul3A_148 : i32
          %dma_start3A_150 = arith.constant 0 : i32
          %dma_start3A_151 = arith.constant 0 : i32
          %dma_start3A_152 = tpu.memref_slice %arg5[%dma_start3A_150, %dma_start3A_151] : memref<2x96xi32, #tpu.memory_space<vmem>> -> memref<1x96xi32, #tpu.memory_space<vmem>>
          %dma_start3A_153 = tpu.memref_squeeze %dma_start3A_152 : memref<1x96xi32, #tpu.memory_space<vmem>> -> memref<96xi32, #tpu.memory_space<vmem>>
          %dma_start3A_154 = tpu.memref_slice %arg2[%add3A_149] : memref<614400xi32, #tpu.memory_space<hbm>> -> memref<96xi32, #tpu.memory_space<hbm>>
          %dma_start3A_155 = arith.constant 0 : i32
          %dma_start3A_156 = tpu.memref_slice %arg5[%dma_start3A_150, %dma_start3A_155] : memref<2x96xi32, #tpu.memory_space<vmem>> -> memref<1x96xi32, #tpu.memory_space<vmem>>
          %dma_start3A_157 = tpu.memref_squeeze %dma_start3A_156 : memref<1x96xi32, #tpu.memory_space<vmem>> -> memref<96xi32, #tpu.memory_space<vmem>>
          %dma_start3A_158 = tpu.memref_slice %arg2[%add3A_149] : memref<614400xi32, #tpu.memory_space<hbm>> -> memref<96xi32, #tpu.memory_space<hbm>>
          tpu.enqueue_dma source(%dma_start3A_158 : memref<96xi32, #tpu.memory_space<hbm>>) target(%dma_start3A_157 : memref<96xi32, #tpu.memory_space<vmem>>) target_semaphore(%arg7 : memref<!tpu.dma_semaphore, #tpu.memory_space<semaphore_mem>>)
        } else {
        }
      } else {
      }
      %eq3A_89 = arith.constant 1 : i32
      %eq3A_90 = arith.cmpi eq, %rem3A_86, %eq3A_89 : i32
      %convert_element_type3A_91 = arith.extui %eq3A_90 : i1 to i32
      %cond3A_92 = arith.constant 0 : i32
      %cond3A_93 = arith.cmpi ne, %convert_element_type3A_91, %cond3A_92 : i32
      scf.if %cond3A_93 {
        %dma_wait3A_94 = arith.constant 1 : i32
        %dma_wait3A_95 = arith.constant 1 : i32
        %dma_wait3A_96 = arith.constant 0 : i32
        %dma_wait3A_97 = arith.constant 0 : i32
        %dma_wait3A_98 = tpu.memref_slice %arg6[%dma_wait3A_95, %dma_wait3A_96, %dma_wait3A_97] : memref<2x96x512xf32, #tpu.memory_space<vmem>> -> memref<1x96x512xf32, #tpu.memory_space<vmem>>
        %dma_wait3A_99 = tpu.memref_squeeze %dma_wait3A_98 : memref<1x96x512xf32, #tpu.memory_space<vmem>> -> memref<96x512xf32, #tpu.memory_space<vmem>>
        %dma_wait3A_100 = arith.constant 0 : i32
        %dma_wait3A_101 = tpu.memref_slice %arg5[%dma_wait3A_94, %dma_wait3A_100] : memref<2x96xi32, #tpu.memory_space<vmem>> -> memref<1x96xi32, #tpu.memory_space<vmem>>
        %dma_wait3A_102 = tpu.memref_squeeze %dma_wait3A_101 : memref<1x96xi32, #tpu.memory_space<vmem>> -> memref<96xi32, #tpu.memory_space<vmem>>
        %dma_wait3A_103 = arith.constant 0 : i32
        %dma_wait3A_104 = arith.constant 0 : i32
        %dma_wait3A_105 = tpu.memref_slice %arg3[%dma_wait3A_103, %dma_wait3A_104] : memref<32896x512xf32, #tpu.memory_space<hbm>> -> memref<32896x512xf32, #tpu.memory_space<hbm>>
        tpu.wait_indirect_dma semaphore(%arg10 : memref<!tpu.dma_semaphore, #tpu.memory_space<semaphore_mem>>) src(%dma_wait3A_105 : memref<32896x512xf32, #tpu.memory_space<hbm>>) dst(%dma_wait3A_99 : memref<96x512xf32, #tpu.memory_space<vmem>>)
        %add3A_106 = arith.constant 1 : i32
        %add3A_107 = arith.addi %scan3A_85, %add3A_106 : i32
        %lt3A = arith.constant 200 : i32
        %lt3A_108 = arith.cmpi slt, %add3A_107, %lt3A : i32
        %convert_element_type3A_109 = arith.extui %lt3A_108 : i1 to i32
        %cond3A_110 = arith.constant 0 : i32
        %cond3A_111 = arith.cmpi ne, %convert_element_type3A_109, %cond3A_110 : i32
        scf.if %cond3A_111 {
          %dma_wait3A_145 = arith.constant 0 : i32
          %dma_wait3A_146 = arith.constant 0 : i32
          %dma_wait3A_147 = tpu.memref_slice %arg5[%dma_wait3A_145, %dma_wait3A_146] : memref<2x96xi32, #tpu.memory_space<vmem>> -> memref<1x96xi32, #tpu.memory_space<vmem>>
          %dma_wait3A_148 = tpu.memref_squeeze %dma_wait3A_147 : memref<1x96xi32, #tpu.memory_space<vmem>> -> memref<96xi32, #tpu.memory_space<vmem>>
          %dma_wait3A_149 = arith.constant 0 : i32
          %dma_wait3A_150 = tpu.memref_slice %arg2[%dma_wait3A_149] : memref<614400xi32, #tpu.memory_space<hbm>> -> memref<96xi32, #tpu.memory_space<hbm>>
          %dma_wait3A_151 = arith.constant 0 : i32
          %dma_wait3A_152 = tpu.memref_slice %arg5[%dma_wait3A_145, %dma_wait3A_151] : memref<2x96xi32, #tpu.memory_space<vmem>> -> memref<1x96xi32, #tpu.memory_space<vmem>>
          %dma_wait3A_153 = tpu.memref_squeeze %dma_wait3A_152 : memref<1x96xi32, #tpu.memory_space<vmem>> -> memref<96xi32, #tpu.memory_space<vmem>>
          %dma_wait3A_154 = arith.constant 0 : i32
          %dma_wait3A_155 = tpu.memref_slice %arg2[%dma_wait3A_154] : memref<614400xi32, #tpu.memory_space<hbm>> -> memref<96xi32, #tpu.memory_space<hbm>>
          tpu.wait_dma2 semaphore(%arg7 : memref<!tpu.dma_semaphore, #tpu.memory_space<semaphore_mem>>) src(%dma_wait3A_155 : memref<96xi32, #tpu.memory_space<hbm>>) dst(%dma_wait3A_153 : memref<96xi32, #tpu.memory_space<vmem>>)
          %dma_start3A_156 = arith.constant 0 : i32
          %dma_start3A_157 = arith.constant 0 : i32
          %dma_start3A_158 = arith.constant 0 : i32
          %dma_start3A_159 = arith.constant 0 : i32
          %dma_start3A_160 = tpu.memref_slice %arg6[%dma_start3A_157, %dma_start3A_158, %dma_start3A_159] : memref<2x96x512xf32, #tpu.memory_space<vmem>> -> memref<1x96x512xf32, #tpu.memory_space<vmem>>
          %dma_start3A_161 = tpu.memref_squeeze %dma_start3A_160 : memref<1x96x512xf32, #tpu.memory_space<vmem>> -> memref<96x512xf32, #tpu.memory_space<vmem>>
          %dma_start3A_162 = arith.constant 0 : i32
          %dma_start3A_163 = tpu.memref_slice %arg5[%dma_start3A_156, %dma_start3A_162] : memref<2x96xi32, #tpu.memory_space<vmem>> -> memref<1x96xi32, #tpu.memory_space<vmem>>
          %dma_start3A_164 = tpu.memref_squeeze %dma_start3A_163 : memref<1x96xi32, #tpu.memory_space<vmem>> -> memref<96xi32, #tpu.memory_space<vmem>>
          %dma_start3A_165 = arith.constant 0 : i32
          %dma_start3A_166 = arith.constant 0 : i32
          %dma_start3A_167 = tpu.memref_slice %arg3[%dma_start3A_165, %dma_start3A_166] : memref<32896x512xf32, #tpu.memory_space<hbm>> -> memref<32896x512xf32, #tpu.memory_space<hbm>>
          tpu.enqueue_indirect_dma source(%dma_start3A_167 : memref<32896x512xf32, #tpu.memory_space<hbm>>) target(%dma_start3A_161 : memref<96x512xf32, #tpu.memory_space<vmem>>) offsets(%dma_start3A_164 : memref<96xi32, #tpu.memory_space<vmem>>) semaphore(%arg9 : memref<!tpu.dma_semaphore, #tpu.memory_space<semaphore_mem>>)
        } else {
        }
        %ge3A = arith.constant 2 : i32
        %ge3A_112 = arith.cmpi sge, %scan3A_85, %ge3A : i32
        %convert_element_type3A_113 = arith.extui %ge3A_112 : i1 to i32
        %cond3A_114 = arith.constant 0 : i32
        %cond3A_115 = arith.cmpi ne, %convert_element_type3A_113, %cond3A_114 : i32
        scf.if %cond3A_115 {
          %dma_wait3A_145 = arith.constant 1 : i32
          %dma_wait3A_146 = arith.constant 0 : i32
          %dma_wait3A_147 = arith.constant 0 : i32
          %dma_wait3A_148 = tpu.memref_slice %arg6[%dma_wait3A_145, %dma_wait3A_146, %dma_wait3A_147] : memref<2x96x512xf32, #tpu.memory_space<vmem>> -> memref<1x32x512xf32, #tpu.memory_space<vmem>>
          %dma_wait3A_149 = tpu.memref_squeeze %dma_wait3A_148 : memref<1x32x512xf32, #tpu.memory_space<vmem>> -> memref<32x512xf32, #tpu.memory_space<vmem>>
          %dma_wait3A_150 = arith.constant 0 : i32
          %dma_wait3A_151 = arith.constant 0 : i32
          %dma_wait3A_152 = tpu.memref_slice %arg4[%dma_wait3A_150, %dma_wait3A_151] : memref<204800x512xf32, #tpu.memory_space<hbm>> -> memref<32x512xf32, #tpu.memory_space<hbm>>
          %dma_wait3A_153 = arith.constant 0 : i32
          %dma_wait3A_154 = arith.constant 0 : i32
          %dma_wait3A_155 = tpu.memref_slice %arg4[%dma_wait3A_153, %dma_wait3A_154] : memref<204800x512xf32, #tpu.memory_space<hbm>> -> memref<32x512xf32, #tpu.memory_space<hbm>>
          %dma_wait3A_156 = arith.constant 0 : i32
          %dma_wait3A_157 = arith.constant 0 : i32
          %dma_wait3A_158 = tpu.memref_slice %arg6[%dma_wait3A_145, %dma_wait3A_156, %dma_wait3A_157] : memref<2x96x512xf32, #tpu.memory_space<vmem>> -> memref<1x32x512xf32, #tpu.memory_space<vmem>>
          %dma_wait3A_159 = tpu.memref_squeeze %dma_wait3A_158 : memref<1x32x512xf32, #tpu.memory_space<vmem>> -> memref<32x512xf32, #tpu.memory_space<vmem>>
          tpu.wait_dma2 semaphore(%arg12 : memref<!tpu.dma_semaphore, #tpu.memory_space<semaphore_mem>>) src(%dma_wait3A_159 : memref<32x512xf32, #tpu.memory_space<vmem>>) dst(%dma_wait3A_155 : memref<32x512xf32, #tpu.memory_space<hbm>>)
        } else {
        }
        %scan3A_116 = arith.constant 0 : i32
        %scan3A_117 = arith.constant 0 : i32
        %scan3A_118 = arith.constant 32 : i32
        %scan3A_119 = arith.addi %scan3A_117, %scan3A_118 : i32
        %scan3A_120 = arith.constant 1 : i32
        scf.for %scan3A_145 = %scan3A_117 to %scan3A_119 step %scan3A_120  : i32 {
          %get3A = arith.constant 1 : i32
          %get3A_146 = arith.index_cast %get3A : i32 to index
          %get3A_147 = arith.index_cast %scan3A_145 : i32 to index
          %get3A_148 = arith.constant 0 : index
          %get3A_149 = tpu.vector_load %arg6[%get3A_146, %get3A_147, %get3A_148] {strides = array<i32>} : memref<2x96x512xf32, #tpu.memory_space<vmem>>, vector<1x1x16xf32>,
          %get3A_150 = vector.shape_cast %get3A_149 : vector<1x1x16xf32> to vector<16xf32>
          %add3A_151 = arith.constant 32 : i32
          %add3A_152 = arith.addi %add3A_151, %scan3A_145 : i32
          %get3A_153 = arith.constant 1 : i32
          %get3A_154 = arith.index_cast %get3A_153 : i32 to index
          %get3A_155 = arith.index_cast %add3A_152 : i32 to index
          %get3A_156 = arith.constant 0 : index
          %get3A_157 = tpu.vector_load %arg6[%get3A_154, %get3A_155, %get3A_156] {strides = array<i32>} : memref<2x96x512xf32, #tpu.memory_space<vmem>>, vector<1x1x16xf32>,
          %get3A_158 = vector.shape_cast %get3A_157 : vector<1x1x16xf32> to vector<16xf32>
          %add3A_159 = arith.addf %get3A_150, %get3A_158 : vector<16xf32>
          %add3A_160 = arith.constant 64 : i32
          %add3A_161 = arith.addi %add3A_160, %scan3A_145 : i32
          %get3A_162 = arith.constant 1 : i32
          %get3A_163 = arith.index_cast %get3A_162 : i32 to index
          %get3A_164 = arith.index_cast %add3A_161 : i32 to index
          %get3A_165 = arith.constant 0 : index
          %get3A_166 = tpu.vector_load %arg6[%get3A_163, %get3A_164, %get3A_165] {strides = array<i32>} : memref<2x96x512xf32, #tpu.memory_space<vmem>>, vector<1x1x16xf32>,
          %get3A_167 = vector.shape_cast %get3A_166 : vector<1x1x16xf32> to vector<16xf32>
          %add3A_168 = arith.addf %add3A_159, %get3A_167 : vector<16xf32>
          %swap3A = arith.constant 1 : i32
          %swap3A_169 = arith.index_cast %swap3A : i32 to index
          %swap3A_170 = arith.index_cast %scan3A_145 : i32 to index
          %swap3A_171 = arith.constant 0 : index
          %swap3A_172 = tpu.vector_load %arg6[%swap3A_169, %swap3A_170, %swap3A_171] {strides = array<i32>} : memref<2x96x512xf32, #tpu.memory_space<vmem>>, vector<1x1x16xf32>,
          %swap3A_173 = vector.shape_cast %swap3A_172 : vector<1x1x16xf32> to vector<16xf32>
          %swap3A_174 = vector.shape_cast %add3A_168 : vector<16xf32> to vector<1x1x16xf32>
          tpu.vector_store %arg6[%swap3A_169, %swap3A_170, %swap3A_171], %swap3A_174 {strides = array<i32>} : memref<2x96x512xf32, #tpu.memory_space<vmem>>, vector<1x1x16xf32>,
          %get3A_175 = arith.constant 1 : i32
          %get3A_176 = arith.index_cast %get3A_175 : i32 to index
          %get3A_177 = arith.index_cast %scan3A_145 : i32 to index
          %get3A_178 = arith.constant 16 : index
          %get3A_179 = tpu.vector_load %arg6[%get3A_176, %get3A_177, %get3A_178] {strides = array<i32>} : memref<2x96x512xf32, #tpu.memory_space<vmem>>, vector<1x1x16xf32>,
          %get3A_180 = vector.shape_cast %get3A_179 : vector<1x1x16xf32> to vector<16xf32>
          %add3A_181 = arith.constant 32 : i32
          %add3A_182 = arith.addi %add3A_181, %scan3A_145 : i32
          %get3A_183 = arith.constant 1 : i32
          %get3A_184 = arith.index_cast %get3A_183 : i32 to index
          %get3A_185 = arith.index_cast %add3A_182 : i32 to index
          %get3A_186 = arith.constant 16 : index
          %get3A_187 = tpu.vector_load %arg6[%get3A_184, %get3A_185, %get3A_186] {strides = array<i32>} : memref<2x96x512xf32, #tpu.memory_space<vmem>>, vector<1x1x16xf32>,
          %get3A_188 = vector.shape_cast %get3A_187 : vector<1x1x16xf32> to vector<16xf32>
          %add3A_189 = arith.addf %get3A_180, %get3A_188 : vector<16xf32>
          %add3A_190 = arith.constant 64 : i32
          %add3A_191 = arith.addi %add3A_190, %scan3A_145 : i32
          %get3A_192 = arith.constant 1 : i32
          %get3A_193 = arith.index_cast %get3A_192 : i32 to index
          %get3A_194 = arith.index_cast %add3A_191 : i32 to index
          %get3A_195 = arith.constant 16 : index
          %get3A_196 = tpu.vector_load %arg6[%get3A_193, %get3A_194, %get3A_195] {strides = array<i32>} : memref<2x96x512xf32, #tpu.memory_space<vmem>>, vector<1x1x16xf32>,
          %get3A_197 = vector.shape_cast %get3A_196 : vector<1x1x16xf32> to vector<16xf32>
          %add3A_198 = arith.addf %add3A_189, %get3A_197 : vector<16xf32>
          %swap3A_199 = arith.constant 1 : i32
          %swap3A_200 = arith.index_cast %swap3A_199 : i32 to index
          %swap3A_201 = arith.index_cast %scan3A_145 : i32 to index
          %swap3A_202 = arith.constant 16 : index
          %swap3A_203 = tpu.vector_load %arg6[%swap3A_200, %swap3A_201, %swap3A_202] {strides = array<i32>} : memref<2x96x512xf32, #tpu.memory_space<vmem>>, vector<1x1x16xf32>,
          %swap3A_204 = vector.shape_cast %swap3A_203 : vector<1x1x16xf32> to vector<16xf32>
          %swap3A_205 = vector.shape_cast %add3A_198 : vector<16xf32> to vector<1x1x16xf32>
          tpu.vector_store %arg6[%swap3A_200, %swap3A_201, %swap3A_202], %swap3A_205 {strides = array<i32>} : memref<2x96x512xf32, #tpu.memory_space<vmem>>, vector<1x1x16xf32>,
          %get3A_206 = arith.constant 1 : i32
          %get3A_207 = arith.index_cast %get3A_206 : i32 to index
          %get3A_208 = arith.index_cast %scan3A_145 : i32 to index
          %get3A_209 = arith.constant 32 : index
          %get3A_210 = tpu.vector_load %arg6[%get3A_207, %get3A_208, %get3A_209] {strides = array<i32>} : memref<2x96x512xf32, #tpu.memory_space<vmem>>, vector<1x1x16xf32>,
          %get3A_211 = vector.shape_cast %get3A_210 : vector<1x1x16xf32> to vector<16xf32>
          %add3A_212 = arith.constant 32 : i32
          %add3A_213 = arith.addi %add3A_212, %scan3A_145 : i32
          %get3A_214 = arith.constant 1 : i32
          %get3A_215 = arith.index_cast %get3A_214 : i32 to index
          %get3A_216 = arith.index_cast %add3A_213 : i32 to index
          %get3A_217 = arith.constant 32 : index
          %get3A_218 = tpu.vector_load %arg6[%get3A_215, %get3A_216, %get3A_217] {strides = array<i32>} : memref<2x96x512xf32, #tpu.memory_space<vmem>>, vector<1x1x16xf32>,
          %get3A_219 = vector.shape_cast %get3A_218 : vector<1x1x16xf32> to vector<16xf32>
          %add3A_220 = arith.addf %get3A_211, %get3A_219 : vector<16xf32>
          %add3A_221 = arith.constant 64 : i32
          %add3A_222 = arith.addi %add3A_221, %scan3A_145 : i32
          %get3A_223 = arith.constant 1 : i32
          %get3A_224 = arith.index_cast %get3A_223 : i32 to index
          %get3A_225 = arith.index_cast %add3A_222 : i32 to index
          %get3A_226 = arith.constant 32 : index
          %get3A_227 = tpu.vector_load %arg6[%get3A_224, %get3A_225, %get3A_226] {strides = array<i32>} : memref<2x96x512xf32, #tpu.memory_space<vmem>>, vector<1x1x16xf32>,
          %get3A_228 = vector.shape_cast %get3A_227 : vector<1x1x16xf32> to vector<16xf32>
          %add3A_229 = arith.addf %add3A_220, %get3A_228 : vector<16xf32>
          %swap3A_230 = arith.constant 1 : i32
          %swap3A_231 = arith.index_cast %swap3A_230 : i32 to index
          %swap3A_232 = arith.index_cast %scan3A_145 : i32 to index
          %swap3A_233 = arith.constant 32 : index
          %swap3A_234 = tpu.vector_load %arg6[%swap3A_231, %swap3A_232, %swap3A_233] {strides = array<i32>} : memref<2x96x512xf32, #tpu.memory_space<vmem>>, vector<1x1x16xf32>,
          %swap3A_235 = vector.shape_cast %swap3A_234 : vector<1x1x16xf32> to vector<16xf32>
          %swap3A_236 = vector.shape_cast %add3A_229 : vector<16xf32> to vector<1x1x16xf32>
          tpu.vector_store %arg6[%swap3A_231, %swap3A_232, %swap3A_233], %swap3A_236 {strides = array<i32>} : memref<2x96x512xf32, #tpu.memory_space<vmem>>, vector<1x1x16xf32>,
          %get3A_237 = arith.constant 1 : i32
          %get3A_238 = arith.index_cast %get3A_237 : i32 to index
          %get3A_239 = arith.index_cast %scan3A_145 : i32 to index
          %get3A_240 = arith.constant 48 : index
          %get3A_241 = tpu.vector_load %arg6[%get3A_238, %get3A_239, %get3A_240] {strides = array<i32>} : memref<2x96x512xf32, #tpu.memory_space<vmem>>, vector<1x1x16xf32>,
          %get3A_242 = vector.shape_cast %get3A_241 : vector<1x1x16xf32> to vector<16xf32>
          %add3A_243 = arith.constant 32 : i32
          %add3A_244 = arith.addi %add3A_243, %scan3A_145 : i32
          %get3A_245 = arith.constant 1 : i32
          %get3A_246 = arith.index_cast %get3A_245 : i32 to index
          %get3A_247 = arith.index_cast %add3A_244 : i32 to index
          %get3A_248 = arith.constant 48 : index
          %get3A_249 = tpu.vector_load %arg6[%get3A_246, %get3A_247, %get3A_248] {strides = array<i32>} : memref<2x96x512xf32, #tpu.memory_space<vmem>>, vector<1x1x16xf32>,
          %get3A_250 = vector.shape_cast %get3A_249 : vector<1x1x16xf32> to vector<16xf32>
          %add3A_251 = arith.addf %get3A_242, %get3A_250 : vector<16xf32>
          %add3A_252 = arith.constant 64 : i32
          %add3A_253 = arith.addi %add3A_252, %scan3A_145 : i32
          %get3A_254 = arith.constant 1 : i32
          %get3A_255 = arith.index_cast %get3A_254 : i32 to index
          %get3A_256 = arith.index_cast %add3A_253 : i32 to index
          %get3A_257 = arith.constant 48 : index
          %get3A_258 = tpu.vector_load %arg6[%get3A_255, %get3A_256, %get3A_257] {strides = array<i32>} : memref<2x96x512xf32, #tpu.memory_space<vmem>>, vector<1x1x16xf32>,
          %get3A_259 = vector.shape_cast %get3A_258 : vector<1x1x16xf32> to vector<16xf32>
          %add3A_260 = arith.addf %add3A_251, %get3A_259 : vector<16xf32>
          %swap3A_261 = arith.constant 1 : i32
          %swap3A_262 = arith.index_cast %swap3A_261 : i32 to index
          %swap3A_263 = arith.index_cast %scan3A_145 : i32 to index
          %swap3A_264 = arith.constant 48 : index
          %swap3A_265 = tpu.vector_load %arg6[%swap3A_262, %swap3A_263, %swap3A_264] {strides = array<i32>} : memref<2x96x512xf32, #tpu.memory_space<vmem>>, vector<1x1x16xf32>,
          %swap3A_266 = vector.shape_cast %swap3A_265 : vector<1x1x16xf32> to vector<16xf32>
          %swap3A_267 = vector.shape_cast %add3A_260 : vector<16xf32> to vector<1x1x16xf32>
          tpu.vector_store %arg6[%swap3A_262, %swap3A_263, %swap3A_264], %swap3A_267 {strides = array<i32>} : memref<2x96x512xf32, #tpu.memory_space<vmem>>, vector<1x1x16xf32>,
          %get3A_268 = arith.constant 1 : i32
          %get3A_269 = arith.index_cast %get3A_268 : i32 to index
          %get3A_270 = arith.index_cast %scan3A_145 : i32 to index
          %get3A_271 = arith.constant 64 : index
          %get3A_272 = tpu.vector_load %arg6[%get3A_269, %get3A_270, %get3A_271] {strides = array<i32>} : memref<2x96x512xf32, #tpu.memory_space<vmem>>, vector<1x1x16xf32>,
          %get3A_273 = vector.shape_cast %get3A_272 : vector<1x1x16xf32> to vector<16xf32>
          %add3A_274 = arith.constant 32 : i32
          %add3A_275 = arith.addi %add3A_274, %scan3A_145 : i32
          %get3A_276 = arith.constant 1 : i32
          %get3A_277 = arith.index_cast %get3A_276 : i32 to index
          %get3A_278 = arith.index_cast %add3A_275 : i32 to index
          %get3A_279 = arith.constant 64 : index
          %get3A_280 = tpu.vector_load %arg6[%get3A_277, %get3A_278, %get3A_279] {strides = array<i32>} : memref<2x96x512xf32, #tpu.memory_space<vmem>>, vector<1x1x16xf32>,
          %get3A_281 = vector.shape_cast %get3A_280 : vector<1x1x16xf32> to vector<16xf32>
          %add3A_282 = arith.addf %get3A_273, %get3A_281 : vector<16xf32>
          %add3A_283 = arith.constant 64 : i32
          %add3A_284 = arith.addi %add3A_283, %scan3A_145 : i32
          %get3A_285 = arith.constant 1 : i32
          %get3A_286 = arith.index_cast %get3A_285 : i32 to index
          %get3A_287 = arith.index_cast %add3A_284 : i32 to index
          %get3A_288 = arith.constant 64 : index
          %get3A_289 = tpu.vector_load %arg6[%get3A_286, %get3A_287, %get3A_288] {strides = array<i32>} : memref<2x96x512xf32, #tpu.memory_space<vmem>>, vector<1x1x16xf32>,
          %get3A_290 = vector.shape_cast %get3A_289 : vector<1x1x16xf32> to vector<16xf32>
          %add3A_291 = arith.addf %add3A_282, %get3A_290 : vector<16xf32>
          %swap3A_292 = arith.constant 1 : i32
          %swap3A_293 = arith.index_cast %swap3A_292 : i32 to index
          %swap3A_294 = arith.index_cast %scan3A_145 : i32 to index
          %swap3A_295 = arith.constant 64 : index
          %swap3A_296 = tpu.vector_load %arg6[%swap3A_293, %swap3A_294, %swap3A_295] {strides = array<i32>} : memref<2x96x512xf32, #tpu.memory_space<vmem>>, vector<1x1x16xf32>,
          %swap3A_297 = vector.shape_cast %swap3A_296 : vector<1x1x16xf32> to vector<16xf32>
          %swap3A_298 = vector.shape_cast %add3A_291 : vector<16xf32> to vector<1x1x16xf32>
          tpu.vector_store %arg6[%swap3A_293, %swap3A_294, %swap3A_295], %swap3A_298 {strides = array<i32>} : memref<2x96x512xf32, #tpu.memory_space<vmem>>, vector<1x1x16xf32>,
          %get3A_299 = arith.constant 1 : i32
          %get3A_300 = arith.index_cast %get3A_299 : i32 to index
          %get3A_301 = arith.index_cast %scan3A_145 : i32 to index
          %get3A_302 = arith.constant 80 : index
          %get3A_303 = tpu.vector_load %arg6[%get3A_300, %get3A_301, %get3A_302] {strides = array<i32>} : memref<2x96x512xf32, #tpu.memory_space<vmem>>, vector<1x1x16xf32>,
          %get3A_304 = vector.shape_cast %get3A_303 : vector<1x1x16xf32> to vector<16xf32>
          %add3A_305 = arith.constant 32 : i32
          %add3A_306 = arith.addi %add3A_305, %scan3A_145 : i32
          %get3A_307 = arith.constant 1 : i32
          %get3A_308 = arith.index_cast %get3A_307 : i32 to index
          %get3A_309 = arith.index_cast %add3A_306 : i32 to index
          %get3A_310 = arith.constant 80 : index
          %get3A_311 = tpu.vector_load %arg6[%get3A_308, %get3A_309, %get3A_310] {strides = array<i32>} : memref<2x96x512xf32, #tpu.memory_space<vmem>>, vector<1x1x16xf32>,
          %get3A_312 = vector.shape_cast %get3A_311 : vector<1x1x16xf32> to vector<16xf32>
          %add3A_313 = arith.addf %get3A_304, %get3A_312 : vector<16xf32>
          %add3A_314 = arith.constant 64 : i32
          %add3A_315 = arith.addi %add3A_314, %scan3A_145 : i32
          %get3A_316 = arith.constant 1 : i32
          %get3A_317 = arith.index_cast %get3A_316 : i32 to index
          %get3A_318 = arith.index_cast %add3A_315 : i32 to index
          %get3A_319 = arith.constant 80 : index
          %get3A_320 = tpu.vector_load %arg6[%get3A_317, %get3A_318, %get3A_319] {strides = array<i32>} : memref<2x96x512xf32, #tpu.memory_space<vmem>>, vector<1x1x16xf32>,
          %get3A_321 = vector.shape_cast %get3A_320 : vector<1x1x16xf32> to vector<16xf32>
          %add3A_322 = arith.addf %add3A_313, %get3A_321 : vector<16xf32>
          %swap3A_323 = arith.constant 1 : i32
          %swap3A_324 = arith.index_cast %swap3A_323 : i32 to index
          %swap3A_325 = arith.index_cast %scan3A_145 : i32 to index
          %swap3A_326 = arith.constant 80 : index
          %swap3A_327 = tpu.vector_load %arg6[%swap3A_324, %swap3A_325, %swap3A_326] {strides = array<i32>} : memref<2x96x512xf32, #tpu.memory_space<vmem>>, vector<1x1x16xf32>,
          %swap3A_328 = vector.shape_cast %swap3A_327 : vector<1x1x16xf32> to vector<16xf32>
          %swap3A_329 = vector.shape_cast %add3A_322 : vector<16xf32> to vector<1x1x16xf32>
          tpu.vector_store %arg6[%swap3A_324, %swap3A_325, %swap3A_326], %swap3A_329 {strides = array<i32>} : memref<2x96x512xf32, #tpu.memory_space<vmem>>, vector<1x1x16xf32>,
          %get3A_330 = arith.constant 1 : i32
          %get3A_331 = arith.index_cast %get3A_330 : i32 to index
          %get3A_332 = arith.index_cast %scan3A_145 : i32 to index
          %get3A_333 = arith.constant 96 : index
          %get3A_334 = tpu.vector_load %arg6[%get3A_331, %get3A_332, %get3A_333] {strides = array<i32>} : memref<2x96x512xf32, #tpu.memory_space<vmem>>, vector<1x1x16xf32>,
          %get3A_335 = vector.shape_cast %get3A_334 : vector<1x1x16xf32> to vector<16xf32>
          %add3A_336 = arith.constant 32 : i32
          %add3A_337 = arith.addi %add3A_336, %scan3A_145 : i32
          %get3A_338 = arith.constant 1 : i32
          %get3A_339 = arith.index_cast %get3A_338 : i32 to index
          %get3A_340 = arith.index_cast %add3A_337 : i32 to index
          %get3A_341 = arith.constant 96 : index
          %get3A_342 = tpu.vector_load %arg6[%get3A_339, %get3A_340, %get3A_341] {strides = array<i32>} : memref<2x96x512xf32, #tpu.memory_space<vmem>>, vector<1x1x16xf32>,
          %get3A_343 = vector.shape_cast %get3A_342 : vector<1x1x16xf32> to vector<16xf32>
          %add3A_344 = arith.addf %get3A_335, %get3A_343 : vector<16xf32>
          %add3A_345 = arith.constant 64 : i32
          %add3A_346 = arith.addi %add3A_345, %scan3A_145 : i32
          %get3A_347 = arith.constant 1 : i32
          %get3A_348 = arith.index_cast %get3A_347 : i32 to index
          %get3A_349 = arith.index_cast %add3A_346 : i32 to index
          %get3A_350 = arith.constant 96 : index
          %get3A_351 = tpu.vector_load %arg6[%get3A_348, %get3A_349, %get3A_350] {strides = array<i32>} : memref<2x96x512xf32, #tpu.memory_space<vmem>>, vector<1x1x16xf32>,
          %get3A_352 = vector.shape_cast %get3A_351 : vector<1x1x16xf32> to vector<16xf32>
          %add3A_353 = arith.addf %add3A_344, %get3A_352 : vector<16xf32>
          %swap3A_354 = arith.constant 1 : i32
          %swap3A_355 = arith.index_cast %swap3A_354 : i32 to index
          %swap3A_356 = arith.index_cast %scan3A_145 : i32 to index
          %swap3A_357 = arith.constant 96 : index
          %swap3A_358 = tpu.vector_load %arg6[%swap3A_355, %swap3A_356, %swap3A_357] {strides = array<i32>} : memref<2x96x512xf32, #tpu.memory_space<vmem>>, vector<1x1x16xf32>,
          %swap3A_359 = vector.shape_cast %swap3A_358 : vector<1x1x16xf32> to vector<16xf32>
          %swap3A_360 = vector.shape_cast %add3A_353 : vector<16xf32> to vector<1x1x16xf32>
          tpu.vector_store %arg6[%swap3A_355, %swap3A_356, %swap3A_357], %swap3A_360 {strides = array<i32>} : memref<2x96x512xf32, #tpu.memory_space<vmem>>, vector<1x1x16xf32>,
          %get3A_361 = arith.constant 1 : i32
          %get3A_362 = arith.index_cast %get3A_361 : i32 to index
          %get3A_363 = arith.index_cast %scan3A_145 : i32 to index
          %get3A_364 = arith.constant 112 : index
          %get3A_365 = tpu.vector_load %arg6[%get3A_362, %get3A_363, %get3A_364] {strides = array<i32>} : memref<2x96x512xf32, #tpu.memory_space<vmem>>, vector<1x1x16xf32>,
          %get3A_366 = vector.shape_cast %get3A_365 : vector<1x1x16xf32> to vector<16xf32>
          %add3A_367 = arith.constant 32 : i32
          %add3A_368 = arith.addi %add3A_367, %scan3A_145 : i32
          %get3A_369 = arith.constant 1 : i32
          %get3A_370 = arith.index_cast %get3A_369 : i32 to index
          %get3A_371 = arith.index_cast %add3A_368 : i32 to index
          %get3A_372 = arith.constant 112 : index
          %get3A_373 = tpu.vector_load %arg6[%get3A_370, %get3A_371, %get3A_372] {strides = array<i32>} : memref<2x96x512xf32, #tpu.memory_space<vmem>>, vector<1x1x16xf32>,
          %get3A_374 = vector.shape_cast %get3A_373 : vector<1x1x16xf32> to vector<16xf32>
          %add3A_375 = arith.addf %get3A_366, %get3A_374 : vector<16xf32>
          %add3A_376 = arith.constant 64 : i32
          %add3A_377 = arith.addi %add3A_376, %scan3A_145 : i32
          %get3A_378 = arith.constant 1 : i32
          %get3A_379 = arith.index_cast %get3A_378 : i32 to index
          %get3A_380 = arith.index_cast %add3A_377 : i32 to index
          %get3A_381 = arith.constant 112 : index
          %get3A_382 = tpu.vector_load %arg6[%get3A_379, %get3A_380, %get3A_381] {strides = array<i32>} : memref<2x96x512xf32, #tpu.memory_space<vmem>>, vector<1x1x16xf32>,
          %get3A_383 = vector.shape_cast %get3A_382 : vector<1x1x16xf32> to vector<16xf32>
          %add3A_384 = arith.addf %add3A_375, %get3A_383 : vector<16xf32>
          %swap3A_385 = arith.constant 1 : i32
          %swap3A_386 = arith.index_cast %swap3A_385 : i32 to index
          %swap3A_387 = arith.index_cast %scan3A_145 : i32 to index
          %swap3A_388 = arith.constant 112 : index
          %swap3A_389 = tpu.vector_load %arg6[%swap3A_386, %swap3A_387, %swap3A_388] {strides = array<i32>} : memref<2x96x512xf32, #tpu.memory_space<vmem>>, vector<1x1x16xf32>,
          %swap3A_390 = vector.shape_cast %swap3A_389 : vector<1x1x16xf32> to vector<16xf32>
          %swap3A_391 = vector.shape_cast %add3A_384 : vector<16xf32> to vector<1x1x16xf32>
          tpu.vector_store %arg6[%swap3A_386, %swap3A_387, %swap3A_388], %swap3A_391 {strides = array<i32>} : memref<2x96x512xf32, #tpu.memory_space<vmem>>, vector<1x1x16xf32>,
          %get3A_392 = arith.constant 1 : i32
          %get3A_393 = arith.index_cast %get3A_392 : i32 to index
          %get3A_394 = arith.index_cast %scan3A_145 : i32 to index
          %get3A_395 = arith.constant 128 : index
          %get3A_396 = tpu.vector_load %arg6[%get3A_393, %get3A_394, %get3A_395] {strides = array<i32>} : memref<2x96x512xf32, #tpu.memory_space<vmem>>, vector<1x1x16xf32>,
          %get3A_397 = vector.shape_cast %get3A_396 : vector<1x1x16xf32> to vector<16xf32>
          %add3A_398 = arith.constant 32 : i32
          %add3A_399 = arith.addi %add3A_398, %scan3A_145 : i32
          %get3A_400 = arith.constant 1 : i32
          %get3A_401 = arith.index_cast %get3A_400 : i32 to index
          %get3A_402 = arith.index_cast %add3A_399 : i32 to index
          %get3A_403 = arith.constant 128 : index
          %get3A_404 = tpu.vector_load %arg6[%get3A_401, %get3A_402, %get3A_403] {strides = array<i32>} : memref<2x96x512xf32, #tpu.memory_space<vmem>>, vector<1x1x16xf32>,
          %get3A_405 = vector.shape_cast %get3A_404 : vector<1x1x16xf32> to vector<16xf32>
          %add3A_406 = arith.addf %get3A_397, %get3A_405 : vector<16xf32>
          %add3A_407 = arith.constant 64 : i32
          %add3A_408 = arith.addi %add3A_407, %scan3A_145 : i32
          %get3A_409 = arith.constant 1 : i32
          %get3A_410 = arith.index_cast %get3A_409 : i32 to index
          %get3A_411 = arith.index_cast %add3A_408 : i32 to index
          %get3A_412 = arith.constant 128 : index
          %get3A_413 = tpu.vector_load %arg6[%get3A_410, %get3A_411, %get3A_412] {strides = array<i32>} : memref<2x96x512xf32, #tpu.memory_space<vmem>>, vector<1x1x16xf32>,
          %get3A_414 = vector.shape_cast %get3A_413 : vector<1x1x16xf32> to vector<16xf32>
          %add3A_415 = arith.addf %add3A_406, %get3A_414 : vector<16xf32>
          %swap3A_416 = arith.constant 1 : i32
          %swap3A_417 = arith.index_cast %swap3A_416 : i32 to index
          %swap3A_418 = arith.index_cast %scan3A_145 : i32 to index
          %swap3A_419 = arith.constant 128 : index
          %swap3A_420 = tpu.vector_load %arg6[%swap3A_417, %swap3A_418, %swap3A_419] {strides = array<i32>} : memref<2x96x512xf32, #tpu.memory_space<vmem>>, vector<1x1x16xf32>,
          %swap3A_421 = vector.shape_cast %swap3A_420 : vector<1x1x16xf32> to vector<16xf32>
          %swap3A_422 = vector.shape_cast %add3A_415 : vector<16xf32> to vector<1x1x16xf32>
          tpu.vector_store %arg6[%swap3A_417, %swap3A_418, %swap3A_419], %swap3A_422 {strides = array<i32>} : memref<2x96x512xf32, #tpu.memory_space<vmem>>, vector<1x1x16xf32>,
          %get3A_423 = arith.constant 1 : i32
          %get3A_424 = arith.index_cast %get3A_423 : i32 to index
          %get3A_425 = arith.index_cast %scan3A_145 : i32 to index
          %get3A_426 = arith.constant 144 : index
          %get3A_427 = tpu.vector_load %arg6[%get3A_424, %get3A_425, %get3A_426] {strides = array<i32>} : memref<2x96x512xf32, #tpu.memory_space<vmem>>, vector<1x1x16xf32>,
          %get3A_428 = vector.shape_cast %get3A_427 : vector<1x1x16xf32> to vector<16xf32>
          %add3A_429 = arith.constant 32 : i32
          %add3A_430 = arith.addi %add3A_429, %scan3A_145 : i32
          %get3A_431 = arith.constant 1 : i32
          %get3A_432 = arith.index_cast %get3A_431 : i32 to index
          %get3A_433 = arith.index_cast %add3A_430 : i32 to index
          %get3A_434 = arith.constant 144 : index
          %get3A_435 = tpu.vector_load %arg6[%get3A_432, %get3A_433, %get3A_434] {strides = array<i32>} : memref<2x96x512xf32, #tpu.memory_space<vmem>>, vector<1x1x16xf32>,
          %get3A_436 = vector.shape_cast %get3A_435 : vector<1x1x16xf32> to vector<16xf32>
          %add3A_437 = arith.addf %get3A_428, %get3A_436 : vector<16xf32>
          %add3A_438 = arith.constant 64 : i32
          %add3A_439 = arith.addi %add3A_438, %scan3A_145 : i32
          %get3A_440 = arith.constant 1 : i32
          %get3A_441 = arith.index_cast %get3A_440 : i32 to index
          %get3A_442 = arith.index_cast %add3A_439 : i32 to index
          %get3A_443 = arith.constant 144 : index
          %get3A_444 = tpu.vector_load %arg6[%get3A_441, %get3A_442, %get3A_443] {strides = array<i32>} : memref<2x96x512xf32, #tpu.memory_space<vmem>>, vector<1x1x16xf32>,
          %get3A_445 = vector.shape_cast %get3A_444 : vector<1x1x16xf32> to vector<16xf32>
          %add3A_446 = arith.addf %add3A_437, %get3A_445 : vector<16xf32>
          %swap3A_447 = arith.constant 1 : i32
          %swap3A_448 = arith.index_cast %swap3A_447 : i32 to index
          %swap3A_449 = arith.index_cast %scan3A_145 : i32 to index
          %swap3A_450 = arith.constant 144 : index
          %swap3A_451 = tpu.vector_load %arg6[%swap3A_448, %swap3A_449, %swap3A_450] {strides = array<i32>} : memref<2x96x512xf32, #tpu.memory_space<vmem>>, vector<1x1x16xf32>,
          %swap3A_452 = vector.shape_cast %swap3A_451 : vector<1x1x16xf32> to vector<16xf32>
          %swap3A_453 = vector.shape_cast %add3A_446 : vector<16xf32> to vector<1x1x16xf32>
          tpu.vector_store %arg6[%swap3A_448, %swap3A_449, %swap3A_450], %swap3A_453 {strides = array<i32>} : memref<2x96x512xf32, #tpu.memory_space<vmem>>, vector<1x1x16xf32>,
          %get3A_454 = arith.constant 1 : i32
          %get3A_455 = arith.index_cast %get3A_454 : i32 to index
          %get3A_456 = arith.index_cast %scan3A_145 : i32 to index
          %get3A_457 = arith.constant 160 : index
          %get3A_458 = tpu.vector_load %arg6[%get3A_455, %get3A_456, %get3A_457] {strides = array<i32>} : memref<2x96x512xf32, #tpu.memory_space<vmem>>, vector<1x1x16xf32>,
          %get3A_459 = vector.shape_cast %get3A_458 : vector<1x1x16xf32> to vector<16xf32>
          %add3A_460 = arith.constant 32 : i32
          %add3A_461 = arith.addi %add3A_460, %scan3A_145 : i32
          %get3A_462 = arith.constant 1 : i32
          %get3A_463 = arith.index_cast %get3A_462 : i32 to index
          %get3A_464 = arith.index_cast %add3A_461 : i32 to index
          %get3A_465 = arith.constant 160 : index
          %get3A_466 = tpu.vector_load %arg6[%get3A_463, %get3A_464, %get3A_465] {strides = array<i32>} : memref<2x96x512xf32, #tpu.memory_space<vmem>>, vector<1x1x16xf32>,
          %get3A_467 = vector.shape_cast %get3A_466 : vector<1x1x16xf32> to vector<16xf32>
          %add3A_468 = arith.addf %get3A_459, %get3A_467 : vector<16xf32>
          %add3A_469 = arith.constant 64 : i32
          %add3A_470 = arith.addi %add3A_469, %scan3A_145 : i32
          %get3A_471 = arith.constant 1 : i32
          %get3A_472 = arith.index_cast %get3A_471 : i32 to index
          %get3A_473 = arith.index_cast %add3A_470 : i32 to index
          %get3A_474 = arith.constant 160 : index
          %get3A_475 = tpu.vector_load %arg6[%get3A_472, %get3A_473, %get3A_474] {strides = array<i32>} : memref<2x96x512xf32, #tpu.memory_space<vmem>>, vector<1x1x16xf32>,
          %get3A_476 = vector.shape_cast %get3A_475 : vector<1x1x16xf32> to vector<16xf32>
          %add3A_477 = arith.addf %add3A_468, %get3A_476 : vector<16xf32>
          %swap3A_478 = arith.constant 1 : i32
          %swap3A_479 = arith.index_cast %swap3A_478 : i32 to index
          %swap3A_480 = arith.index_cast %scan3A_145 : i32 to index
          %swap3A_481 = arith.constant 160 : index
          %swap3A_482 = tpu.vector_load %arg6[%swap3A_479, %swap3A_480, %swap3A_481] {strides = array<i32>} : memref<2x96x512xf32, #tpu.memory_space<vmem>>, vector<1x1x16xf32>,
          %swap3A_483 = vector.shape_cast %swap3A_482 : vector<1x1x16xf32> to vector<16xf32>
          %swap3A_484 = vector.shape_cast %add3A_477 : vector<16xf32> to vector<1x1x16xf32>
          tpu.vector_store %arg6[%swap3A_479, %swap3A_480, %swap3A_481], %swap3A_484 {strides = array<i32>} : memref<2x96x512xf32, #tpu.memory_space<vmem>>, vector<1x1x16xf32>,
          %get3A_485 = arith.constant 1 : i32
          %get3A_486 = arith.index_cast %get3A_485 : i32 to index
          %get3A_487 = arith.index_cast %scan3A_145 : i32 to index
          %get3A_488 = arith.constant 176 : index
          %get3A_489 = tpu.vector_load %arg6[%get3A_486, %get3A_487, %get3A_488] {strides = array<i32>} : memref<2x96x512xf32, #tpu.memory_space<vmem>>, vector<1x1x16xf32>,
          %get3A_490 = vector.shape_cast %get3A_489 : vector<1x1x16xf32> to vector<16xf32>
          %add3A_491 = arith.constant 32 : i32
          %add3A_492 = arith.addi %add3A_491, %scan3A_145 : i32
          %get3A_493 = arith.constant 1 : i32
          %get3A_494 = arith.index_cast %get3A_493 : i32 to index
          %get3A_495 = arith.index_cast %add3A_492 : i32 to index
          %get3A_496 = arith.constant 176 : index
          %get3A_497 = tpu.vector_load %arg6[%get3A_494, %get3A_495, %get3A_496] {strides = array<i32>} : memref<2x96x512xf32, #tpu.memory_space<vmem>>, vector<1x1x16xf32>,
          %get3A_498 = vector.shape_cast %get3A_497 : vector<1x1x16xf32> to vector<16xf32>
          %add3A_499 = arith.addf %get3A_490, %get3A_498 : vector<16xf32>
          %add3A_500 = arith.constant 64 : i32
          %add3A_501 = arith.addi %add3A_500, %scan3A_145 : i32
          %get3A_502 = arith.constant 1 : i32
          %get3A_503 = arith.index_cast %get3A_502 : i32 to index
          %get3A_504 = arith.index_cast %add3A_501 : i32 to index
          %get3A_505 = arith.constant 176 : index
          %get3A_506 = tpu.vector_load %arg6[%get3A_503, %get3A_504, %get3A_505] {strides = array<i32>} : memref<2x96x512xf32, #tpu.memory_space<vmem>>, vector<1x1x16xf32>,
          %get3A_507 = vector.shape_cast %get3A_506 : vector<1x1x16xf32> to vector<16xf32>
          %add3A_508 = arith.addf %add3A_499, %get3A_507 : vector<16xf32>
          %swap3A_509 = arith.constant 1 : i32
          %swap3A_510 = arith.index_cast %swap3A_509 : i32 to index
          %swap3A_511 = arith.index_cast %scan3A_145 : i32 to index
          %swap3A_512 = arith.constant 176 : index
          %swap3A_513 = tpu.vector_load %arg6[%swap3A_510, %swap3A_511, %swap3A_512] {strides = array<i32>} : memref<2x96x512xf32, #tpu.memory_space<vmem>>, vector<1x1x16xf32>,
          %swap3A_514 = vector.shape_cast %swap3A_513 : vector<1x1x16xf32> to vector<16xf32>
          %swap3A_515 = vector.shape_cast %add3A_508 : vector<16xf32> to vector<1x1x16xf32>
          tpu.vector_store %arg6[%swap3A_510, %swap3A_511, %swap3A_512], %swap3A_515 {strides = array<i32>} : memref<2x96x512xf32, #tpu.memory_space<vmem>>, vector<1x1x16xf32>,
          %get3A_516 = arith.constant 1 : i32
          %get3A_517 = arith.index_cast %get3A_516 : i32 to index
          %get3A_518 = arith.index_cast %scan3A_145 : i32 to index
          %get3A_519 = arith.constant 192 : index
          %get3A_520 = tpu.vector_load %arg6[%get3A_517, %get3A_518, %get3A_519] {strides = array<i32>} : memref<2x96x512xf32, #tpu.memory_space<vmem>>, vector<1x1x16xf32>,
          %get3A_521 = vector.shape_cast %get3A_520 : vector<1x1x16xf32> to vector<16xf32>
          %add3A_522 = arith.constant 32 : i32
          %add3A_523 = arith.addi %add3A_522, %scan3A_145 : i32
          %get3A_524 = arith.constant 1 : i32
          %get3A_525 = arith.index_cast %get3A_524 : i32 to index
          %get3A_526 = arith.index_cast %add3A_523 : i32 to index
          %get3A_527 = arith.constant 192 : index
          %get3A_528 = tpu.vector_load %arg6[%get3A_525, %get3A_526, %get3A_527] {strides = array<i32>} : memref<2x96x512xf32, #tpu.memory_space<vmem>>, vector<1x1x16xf32>,
          %get3A_529 = vector.shape_cast %get3A_528 : vector<1x1x16xf32> to vector<16xf32>
          %add3A_530 = arith.addf %get3A_521, %get3A_529 : vector<16xf32>
          %add3A_531 = arith.constant 64 : i32
          %add3A_532 = arith.addi %add3A_531, %scan3A_145 : i32
          %get3A_533 = arith.constant 1 : i32
          %get3A_534 = arith.index_cast %get3A_533 : i32 to index
          %get3A_535 = arith.index_cast %add3A_532 : i32 to index
          %get3A_536 = arith.constant 192 : index
          %get3A_537 = tpu.vector_load %arg6[%get3A_534, %get3A_535, %get3A_536] {strides = array<i32>} : memref<2x96x512xf32, #tpu.memory_space<vmem>>, vector<1x1x16xf32>,
          %get3A_538 = vector.shape_cast %get3A_537 : vector<1x1x16xf32> to vector<16xf32>
          %add3A_539 = arith.addf %add3A_530, %get3A_538 : vector<16xf32>
          %swap3A_540 = arith.constant 1 : i32
          %swap3A_541 = arith.index_cast %swap3A_540 : i32 to index
          %swap3A_542 = arith.index_cast %scan3A_145 : i32 to index
          %swap3A_543 = arith.constant 192 : index
          %swap3A_544 = tpu.vector_load %arg6[%swap3A_541, %swap3A_542, %swap3A_543] {strides = array<i32>} : memref<2x96x512xf32, #tpu.memory_space<vmem>>, vector<1x1x16xf32>,
          %swap3A_545 = vector.shape_cast %swap3A_544 : vector<1x1x16xf32> to vector<16xf32>
          %swap3A_546 = vector.shape_cast %add3A_539 : vector<16xf32> to vector<1x1x16xf32>
          tpu.vector_store %arg6[%swap3A_541, %swap3A_542, %swap3A_543], %swap3A_546 {strides = array<i32>} : memref<2x96x512xf32, #tpu.memory_space<vmem>>, vector<1x1x16xf32>,
          %get3A_547 = arith.constant 1 : i32
          %get3A_548 = arith.index_cast %get3A_547 : i32 to index
          %get3A_549 = arith.index_cast %scan3A_145 : i32 to index
          %get3A_550 = arith.constant 208 : index
          %get3A_551 = tpu.vector_load %arg6[%get3A_548, %get3A_549, %get3A_550] {strides = array<i32>} : memref<2x96x512xf32, #tpu.memory_space<vmem>>, vector<1x1x16xf32>,
          %get3A_552 = vector.shape_cast %get3A_551 : vector<1x1x16xf32> to vector<16xf32>
          %add3A_553 = arith.constant 32 : i32
          %add3A_554 = arith.addi %add3A_553, %scan3A_145 : i32
          %get3A_555 = arith.constant 1 : i32
          %get3A_556 = arith.index_cast %get3A_555 : i32 to index
          %get3A_557 = arith.index_cast %add3A_554 : i32 to index
          %get3A_558 = arith.constant 208 : index
          %get3A_559 = tpu.vector_load %arg6[%get3A_556, %get3A_557, %get3A_558] {strides = array<i32>} : memref<2x96x512xf32, #tpu.memory_space<vmem>>, vector<1x1x16xf32>,
          %get3A_560 = vector.shape_cast %get3A_559 : vector<1x1x16xf32> to vector<16xf32>
          %add3A_561 = arith.addf %get3A_552, %get3A_560 : vector<16xf32>
          %add3A_562 = arith.constant 64 : i32
          %add3A_563 = arith.addi %add3A_562, %scan3A_145 : i32
          %get3A_564 = arith.constant 1 : i32
          %get3A_565 = arith.index_cast %get3A_564 : i32 to index
          %get3A_566 = arith.index_cast %add3A_563 : i32 to index
          %get3A_567 = arith.constant 208 : index
          %get3A_568 = tpu.vector_load %arg6[%get3A_565, %get3A_566, %get3A_567] {strides = array<i32>} : memref<2x96x512xf32, #tpu.memory_space<vmem>>, vector<1x1x16xf32>,
          %get3A_569 = vector.shape_cast %get3A_568 : vector<1x1x16xf32> to vector<16xf32>
          %add3A_570 = arith.addf %add3A_561, %get3A_569 : vector<16xf32>
          %swap3A_571 = arith.constant 1 : i32
          %swap3A_572 = arith.index_cast %swap3A_571 : i32 to index
          %swap3A_573 = arith.index_cast %scan3A_145 : i32 to index
          %swap3A_574 = arith.constant 208 : index
          %swap3A_575 = tpu.vector_load %arg6[%swap3A_572, %swap3A_573, %swap3A_574] {strides = array<i32>} : memref<2x96x512xf32, #tpu.memory_space<vmem>>, vector<1x1x16xf32>,
          %swap3A_576 = vector.shape_cast %swap3A_575 : vector<1x1x16xf32> to vector<16xf32>
          %swap3A_577 = vector.shape_cast %add3A_570 : vector<16xf32> to vector<1x1x16xf32>
          tpu.vector_store %arg6[%swap3A_572, %swap3A_573, %swap3A_574], %swap3A_577 {strides = array<i32>} : memref<2x96x512xf32, #tpu.memory_space<vmem>>, vector<1x1x16xf32>,
          %get3A_578 = arith.constant 1 : i32
          %get3A_579 = arith.index_cast %get3A_578 : i32 to index
          %get3A_580 = arith.index_cast %scan3A_145 : i32 to index
          %get3A_581 = arith.constant 224 : index
          %get3A_582 = tpu.vector_load %arg6[%get3A_579, %get3A_580, %get3A_581] {strides = array<i32>} : memref<2x96x512xf32, #tpu.memory_space<vmem>>, vector<1x1x16xf32>,
          %get3A_583 = vector.shape_cast %get3A_582 : vector<1x1x16xf32> to vector<16xf32>
          %add3A_584 = arith.constant 32 : i32
          %add3A_585 = arith.addi %add3A_584, %scan3A_145 : i32
          %get3A_586 = arith.constant 1 : i32
          %get3A_587 = arith.index_cast %get3A_586 : i32 to index
          %get3A_588 = arith.index_cast %add3A_585 : i32 to index
          %get3A_589 = arith.constant 224 : index
          %get3A_590 = tpu.vector_load %arg6[%get3A_587, %get3A_588, %get3A_589] {strides = array<i32>} : memref<2x96x512xf32, #tpu.memory_space<vmem>>, vector<1x1x16xf32>,
          %get3A_591 = vector.shape_cast %get3A_590 : vector<1x1x16xf32> to vector<16xf32>
          %add3A_592 = arith.addf %get3A_583, %get3A_591 : vector<16xf32>
          %add3A_593 = arith.constant 64 : i32
          %add3A_594 = arith.addi %add3A_593, %scan3A_145 : i32
          %get3A_595 = arith.constant 1 : i32
          %get3A_596 = arith.index_cast %get3A_595 : i32 to index
          %get3A_597 = arith.index_cast %add3A_594 : i32 to index
          %get3A_598 = arith.constant 224 : index
          %get3A_599 = tpu.vector_load %arg6[%get3A_596, %get3A_597, %get3A_598] {strides = array<i32>} : memref<2x96x512xf32, #tpu.memory_space<vmem>>, vector<1x1x16xf32>,
          %get3A_600 = vector.shape_cast %get3A_599 : vector<1x1x16xf32> to vector<16xf32>
          %add3A_601 = arith.addf %add3A_592, %get3A_600 : vector<16xf32>
          %swap3A_602 = arith.constant 1 : i32
          %swap3A_603 = arith.index_cast %swap3A_602 : i32 to index
          %swap3A_604 = arith.index_cast %scan3A_145 : i32 to index
          %swap3A_605 = arith.constant 224 : index
          %swap3A_606 = tpu.vector_load %arg6[%swap3A_603, %swap3A_604, %swap3A_605] {strides = array<i32>} : memref<2x96x512xf32, #tpu.memory_space<vmem>>, vector<1x1x16xf32>,
          %swap3A_607 = vector.shape_cast %swap3A_606 : vector<1x1x16xf32> to vector<16xf32>
          %swap3A_608 = vector.shape_cast %add3A_601 : vector<16xf32> to vector<1x1x16xf32>
          tpu.vector_store %arg6[%swap3A_603, %swap3A_604, %swap3A_605], %swap3A_608 {strides = array<i32>} : memref<2x96x512xf32, #tpu.memory_space<vmem>>, vector<1x1x16xf32>,
          %get3A_609 = arith.constant 1 : i32
          %get3A_610 = arith.index_cast %get3A_609 : i32 to index
          %get3A_611 = arith.index_cast %scan3A_145 : i32 to index
          %get3A_612 = arith.constant 240 : index
          %get3A_613 = tpu.vector_load %arg6[%get3A_610, %get3A_611, %get3A_612] {strides = array<i32>} : memref<2x96x512xf32, #tpu.memory_space<vmem>>, vector<1x1x16xf32>,
          %get3A_614 = vector.shape_cast %get3A_613 : vector<1x1x16xf32> to vector<16xf32>
          %add3A_615 = arith.constant 32 : i32
          %add3A_616 = arith.addi %add3A_615, %scan3A_145 : i32
          %get3A_617 = arith.constant 1 : i32
          %get3A_618 = arith.index_cast %get3A_617 : i32 to index
          %get3A_619 = arith.index_cast %add3A_616 : i32 to index
          %get3A_620 = arith.constant 240 : index
          %get3A_621 = tpu.vector_load %arg6[%get3A_618, %get3A_619, %get3A_620] {strides = array<i32>} : memref<2x96x512xf32, #tpu.memory_space<vmem>>, vector<1x1x16xf32>,
          %get3A_622 = vector.shape_cast %get3A_621 : vector<1x1x16xf32> to vector<16xf32>
          %add3A_623 = arith.addf %get3A_614, %get3A_622 : vector<16xf32>
          %add3A_624 = arith.constant 64 : i32
          %add3A_625 = arith.addi %add3A_624, %scan3A_145 : i32
          %get3A_626 = arith.constant 1 : i32
          %get3A_627 = arith.index_cast %get3A_626 : i32 to index
          %get3A_628 = arith.index_cast %add3A_625 : i32 to index
          %get3A_629 = arith.constant 240 : index
          %get3A_630 = tpu.vector_load %arg6[%get3A_627, %get3A_628, %get3A_629] {strides = array<i32>} : memref<2x96x512xf32, #tpu.memory_space<vmem>>, vector<1x1x16xf32>,
          %get3A_631 = vector.shape_cast %get3A_630 : vector<1x1x16xf32> to vector<16xf32>
          %add3A_632 = arith.addf %add3A_623, %get3A_631 : vector<16xf32>
          %swap3A_633 = arith.constant 1 : i32
          %swap3A_634 = arith.index_cast %swap3A_633 : i32 to index
          %swap3A_635 = arith.index_cast %scan3A_145 : i32 to index
          %swap3A_636 = arith.constant 240 : index
          %swap3A_637 = tpu.vector_load %arg6[%swap3A_634, %swap3A_635, %swap3A_636] {strides = array<i32>} : memref<2x96x512xf32, #tpu.memory_space<vmem>>, vector<1x1x16xf32>,
          %swap3A_638 = vector.shape_cast %swap3A_637 : vector<1x1x16xf32> to vector<16xf32>
          %swap3A_639 = vector.shape_cast %add3A_632 : vector<16xf32> to vector<1x1x16xf32>
          tpu.vector_store %arg6[%swap3A_634, %swap3A_635, %swap3A_636], %swap3A_639 {strides = array<i32>} : memref<2x96x512xf32, #tpu.memory_space<vmem>>, vector<1x1x16xf32>,
          %get3A_640 = arith.constant 1 : i32
          %get3A_641 = arith.index_cast %get3A_640 : i32 to index
          %get3A_642 = arith.index_cast %scan3A_145 : i32 to index
          %get3A_643 = arith.constant 256 : index
          %get3A_644 = tpu.vector_load %arg6[%get3A_641, %get3A_642, %get3A_643] {strides = array<i32>} : memref<2x96x512xf32, #tpu.memory_space<vmem>>, vector<1x1x16xf32>,
          %get3A_645 = vector.shape_cast %get3A_644 : vector<1x1x16xf32> to vector<16xf32>
          %add3A_646 = arith.constant 32 : i32
          %add3A_647 = arith.addi %add3A_646, %scan3A_145 : i32
          %get3A_648 = arith.constant 1 : i32
          %get3A_649 = arith.index_cast %get3A_648 : i32 to index
          %get3A_650 = arith.index_cast %add3A_647 : i32 to index
          %get3A_651 = arith.constant 256 : index
          %get3A_652 = tpu.vector_load %arg6[%get3A_649, %get3A_650, %get3A_651] {strides = array<i32>} : memref<2x96x512xf32, #tpu.memory_space<vmem>>, vector<1x1x16xf32>,
          %get3A_653 = vector.shape_cast %get3A_652 : vector<1x1x16xf32> to vector<16xf32>
          %add3A_654 = arith.addf %get3A_645, %get3A_653 : vector<16xf32>
          %add3A_655 = arith.constant 64 : i32
          %add3A_656 = arith.addi %add3A_655, %scan3A_145 : i32
          %get3A_657 = arith.constant 1 : i32
          %get3A_658 = arith.index_cast %get3A_657 : i32 to index
          %get3A_659 = arith.index_cast %add3A_656 : i32 to index
          %get3A_660 = arith.constant 256 : index
          %get3A_661 = tpu.vector_load %arg6[%get3A_658, %get3A_659, %get3A_660] {strides = array<i32>} : memref<2x96x512xf32, #tpu.memory_space<vmem>>, vector<1x1x16xf32>,
          %get3A_662 = vector.shape_cast %get3A_661 : vector<1x1x16xf32> to vector<16xf32>
          %add3A_663 = arith.addf %add3A_654, %get3A_662 : vector<16xf32>
          %swap3A_664 = arith.constant 1 : i32
          %swap3A_665 = arith.index_cast %swap3A_664 : i32 to index
          %swap3A_666 = arith.index_cast %scan3A_145 : i32 to index
          %swap3A_667 = arith.constant 256 : index
          %swap3A_668 = tpu.vector_load %arg6[%swap3A_665, %swap3A_666, %swap3A_667] {strides = array<i32>} : memref<2x96x512xf32, #tpu.memory_space<vmem>>, vector<1x1x16xf32>,
          %swap3A_669 = vector.shape_cast %swap3A_668 : vector<1x1x16xf32> to vector<16xf32>
          %swap3A_670 = vector.shape_cast %add3A_663 : vector<16xf32> to vector<1x1x16xf32>
          tpu.vector_store %arg6[%swap3A_665, %swap3A_666, %swap3A_667], %swap3A_670 {strides = array<i32>} : memref<2x96x512xf32, #tpu.memory_space<vmem>>, vector<1x1x16xf32>,
          %get3A_671 = arith.constant 1 : i32
          %get3A_672 = arith.index_cast %get3A_671 : i32 to index
          %get3A_673 = arith.index_cast %scan3A_145 : i32 to index
          %get3A_674 = arith.constant 272 : index
          %get3A_675 = tpu.vector_load %arg6[%get3A_672, %get3A_673, %get3A_674] {strides = array<i32>} : memref<2x96x512xf32, #tpu.memory_space<vmem>>, vector<1x1x16xf32>,
          %get3A_676 = vector.shape_cast %get3A_675 : vector<1x1x16xf32> to vector<16xf32>
          %add3A_677 = arith.constant 32 : i32
          %add3A_678 = arith.addi %add3A_677, %scan3A_145 : i32
          %get3A_679 = arith.constant 1 : i32
          %get3A_680 = arith.index_cast %get3A_679 : i32 to index
          %get3A_681 = arith.index_cast %add3A_678 : i32 to index
          %get3A_682 = arith.constant 272 : index
          %get3A_683 = tpu.vector_load %arg6[%get3A_680, %get3A_681, %get3A_682] {strides = array<i32>} : memref<2x96x512xf32, #tpu.memory_space<vmem>>, vector<1x1x16xf32>,
          %get3A_684 = vector.shape_cast %get3A_683 : vector<1x1x16xf32> to vector<16xf32>
          %add3A_685 = arith.addf %get3A_676, %get3A_684 : vector<16xf32>
          %add3A_686 = arith.constant 64 : i32
          %add3A_687 = arith.addi %add3A_686, %scan3A_145 : i32
          %get3A_688 = arith.constant 1 : i32
          %get3A_689 = arith.index_cast %get3A_688 : i32 to index
          %get3A_690 = arith.index_cast %add3A_687 : i32 to index
          %get3A_691 = arith.constant 272 : index
          %get3A_692 = tpu.vector_load %arg6[%get3A_689, %get3A_690, %get3A_691] {strides = array<i32>} : memref<2x96x512xf32, #tpu.memory_space<vmem>>, vector<1x1x16xf32>,
          %get3A_693 = vector.shape_cast %get3A_692 : vector<1x1x16xf32> to vector<16xf32>
          %add3A_694 = arith.addf %add3A_685, %get3A_693 : vector<16xf32>
          %swap3A_695 = arith.constant 1 : i32
          %swap3A_696 = arith.index_cast %swap3A_695 : i32 to index
          %swap3A_697 = arith.index_cast %scan3A_145 : i32 to index
          %swap3A_698 = arith.constant 272 : index
          %swap3A_699 = tpu.vector_load %arg6[%swap3A_696, %swap3A_697, %swap3A_698] {strides = array<i32>} : memref<2x96x512xf32, #tpu.memory_space<vmem>>, vector<1x1x16xf32>,
          %swap3A_700 = vector.shape_cast %swap3A_699 : vector<1x1x16xf32> to vector<16xf32>
          %swap3A_701 = vector.shape_cast %add3A_694 : vector<16xf32> to vector<1x1x16xf32>
          tpu.vector_store %arg6[%swap3A_696, %swap3A_697, %swap3A_698], %swap3A_701 {strides = array<i32>} : memref<2x96x512xf32, #tpu.memory_space<vmem>>, vector<1x1x16xf32>,
          %get3A_702 = arith.constant 1 : i32
          %get3A_703 = arith.index_cast %get3A_702 : i32 to index
          %get3A_704 = arith.index_cast %scan3A_145 : i32 to index
          %get3A_705 = arith.constant 288 : index
          %get3A_706 = tpu.vector_load %arg6[%get3A_703, %get3A_704, %get3A_705] {strides = array<i32>} : memref<2x96x512xf32, #tpu.memory_space<vmem>>, vector<1x1x16xf32>,
          %get3A_707 = vector.shape_cast %get3A_706 : vector<1x1x16xf32> to vector<16xf32>
          %add3A_708 = arith.constant 32 : i32
          %add3A_709 = arith.addi %add3A_708, %scan3A_145 : i32
          %get3A_710 = arith.constant 1 : i32
          %get3A_711 = arith.index_cast %get3A_710 : i32 to index
          %get3A_712 = arith.index_cast %add3A_709 : i32 to index
          %get3A_713 = arith.constant 288 : index
          %get3A_714 = tpu.vector_load %arg6[%get3A_711, %get3A_712, %get3A_713] {strides = array<i32>} : memref<2x96x512xf32, #tpu.memory_space<vmem>>, vector<1x1x16xf32>,
          %get3A_715 = vector.shape_cast %get3A_714 : vector<1x1x16xf32> to vector<16xf32>
          %add3A_716 = arith.addf %get3A_707, %get3A_715 : vector<16xf32>
          %add3A_717 = arith.constant 64 : i32
          %add3A_718 = arith.addi %add3A_717, %scan3A_145 : i32
          %get3A_719 = arith.constant 1 : i32
          %get3A_720 = arith.index_cast %get3A_719 : i32 to index
          %get3A_721 = arith.index_cast %add3A_718 : i32 to index
          %get3A_722 = arith.constant 288 : index
          %get3A_723 = tpu.vector_load %arg6[%get3A_720, %get3A_721, %get3A_722] {strides = array<i32>} : memref<2x96x512xf32, #tpu.memory_space<vmem>>, vector<1x1x16xf32>,
          %get3A_724 = vector.shape_cast %get3A_723 : vector<1x1x16xf32> to vector<16xf32>
          %add3A_725 = arith.addf %add3A_716, %get3A_724 : vector<16xf32>
          %swap3A_726 = arith.constant 1 : i32
          %swap3A_727 = arith.index_cast %swap3A_726 : i32 to index
          %swap3A_728 = arith.index_cast %scan3A_145 : i32 to index
          %swap3A_729 = arith.constant 288 : index
          %swap3A_730 = tpu.vector_load %arg6[%swap3A_727, %swap3A_728, %swap3A_729] {strides = array<i32>} : memref<2x96x512xf32, #tpu.memory_space<vmem>>, vector<1x1x16xf32>,
          %swap3A_731 = vector.shape_cast %swap3A_730 : vector<1x1x16xf32> to vector<16xf32>
          %swap3A_732 = vector.shape_cast %add3A_725 : vector<16xf32> to vector<1x1x16xf32>
          tpu.vector_store %arg6[%swap3A_727, %swap3A_728, %swap3A_729], %swap3A_732 {strides = array<i32>} : memref<2x96x512xf32, #tpu.memory_space<vmem>>, vector<1x1x16xf32>,
          %get3A_733 = arith.constant 1 : i32
          %get3A_734 = arith.index_cast %get3A_733 : i32 to index
          %get3A_735 = arith.index_cast %scan3A_145 : i32 to index
          %get3A_736 = arith.constant 304 : index
          %get3A_737 = tpu.vector_load %arg6[%get3A_734, %get3A_735, %get3A_736] {strides = array<i32>} : memref<2x96x512xf32, #tpu.memory_space<vmem>>, vector<1x1x16xf32>,
          %get3A_738 = vector.shape_cast %get3A_737 : vector<1x1x16xf32> to vector<16xf32>
          %add3A_739 = arith.constant 32 : i32
          %add3A_740 = arith.addi %add3A_739, %scan3A_145 : i32
          %get3A_741 = arith.constant 1 : i32
          %get3A_742 = arith.index_cast %get3A_741 : i32 to index
          %get3A_743 = arith.index_cast %add3A_740 : i32 to index
          %get3A_744 = arith.constant 304 : index
          %get3A_745 = tpu.vector_load %arg6[%get3A_742, %get3A_743, %get3A_744] {strides = array<i32>} : memref<2x96x512xf32, #tpu.memory_space<vmem>>, vector<1x1x16xf32>,
          %get3A_746 = vector.shape_cast %get3A_745 : vector<1x1x16xf32> to vector<16xf32>
          %add3A_747 = arith.addf %get3A_738, %get3A_746 : vector<16xf32>
          %add3A_748 = arith.constant 64 : i32
          %add3A_749 = arith.addi %add3A_748, %scan3A_145 : i32
          %get3A_750 = arith.constant 1 : i32
          %get3A_751 = arith.index_cast %get3A_750 : i32 to index
          %get3A_752 = arith.index_cast %add3A_749 : i32 to index
          %get3A_753 = arith.constant 304 : index
          %get3A_754 = tpu.vector_load %arg6[%get3A_751, %get3A_752, %get3A_753] {strides = array<i32>} : memref<2x96x512xf32, #tpu.memory_space<vmem>>, vector<1x1x16xf32>,
          %get3A_755 = vector.shape_cast %get3A_754 : vector<1x1x16xf32> to vector<16xf32>
          %add3A_756 = arith.addf %add3A_747, %get3A_755 : vector<16xf32>
          %swap3A_757 = arith.constant 1 : i32
          %swap3A_758 = arith.index_cast %swap3A_757 : i32 to index
          %swap3A_759 = arith.index_cast %scan3A_145 : i32 to index
          %swap3A_760 = arith.constant 304 : index
          %swap3A_761 = tpu.vector_load %arg6[%swap3A_758, %swap3A_759, %swap3A_760] {strides = array<i32>} : memref<2x96x512xf32, #tpu.memory_space<vmem>>, vector<1x1x16xf32>,
          %swap3A_762 = vector.shape_cast %swap3A_761 : vector<1x1x16xf32> to vector<16xf32>
          %swap3A_763 = vector.shape_cast %add3A_756 : vector<16xf32> to vector<1x1x16xf32>
          tpu.vector_store %arg6[%swap3A_758, %swap3A_759, %swap3A_760], %swap3A_763 {strides = array<i32>} : memref<2x96x512xf32, #tpu.memory_space<vmem>>, vector<1x1x16xf32>,
          %get3A_764 = arith.constant 1 : i32
          %get3A_765 = arith.index_cast %get3A_764 : i32 to index
          %get3A_766 = arith.index_cast %scan3A_145 : i32 to index
          %get3A_767 = arith.constant 320 : index
          %get3A_768 = tpu.vector_load %arg6[%get3A_765, %get3A_766, %get3A_767] {strides = array<i32>} : memref<2x96x512xf32, #tpu.memory_space<vmem>>, vector<1x1x16xf32>,
          %get3A_769 = vector.shape_cast %get3A_768 : vector<1x1x16xf32> to vector<16xf32>
          %add3A_770 = arith.constant 32 : i32
          %add3A_771 = arith.addi %add3A_770, %scan3A_145 : i32
          %get3A_772 = arith.constant 1 : i32
          %get3A_773 = arith.index_cast %get3A_772 : i32 to index
          %get3A_774 = arith.index_cast %add3A_771 : i32 to index
          %get3A_775 = arith.constant 320 : index
          %get3A_776 = tpu.vector_load %arg6[%get3A_773, %get3A_774, %get3A_775] {strides = array<i32>} : memref<2x96x512xf32, #tpu.memory_space<vmem>>, vector<1x1x16xf32>,
          %get3A_777 = vector.shape_cast %get3A_776 : vector<1x1x16xf32> to vector<16xf32>
          %add3A_778 = arith.addf %get3A_769, %get3A_777 : vector<16xf32>
          %add3A_779 = arith.constant 64 : i32
          %add3A_780 = arith.addi %add3A_779, %scan3A_145 : i32
          %get3A_781 = arith.constant 1 : i32
          %get3A_782 = arith.index_cast %get3A_781 : i32 to index
          %get3A_783 = arith.index_cast %add3A_780 : i32 to index
          %get3A_784 = arith.constant 320 : index
          %get3A_785 = tpu.vector_load %arg6[%get3A_782, %get3A_783, %get3A_784] {strides = array<i32>} : memref<2x96x512xf32, #tpu.memory_space<vmem>>, vector<1x1x16xf32>,
          %get3A_786 = vector.shape_cast %get3A_785 : vector<1x1x16xf32> to vector<16xf32>
          %add3A_787 = arith.addf %add3A_778, %get3A_786 : vector<16xf32>
          %swap3A_788 = arith.constant 1 : i32
          %swap3A_789 = arith.index_cast %swap3A_788 : i32 to index
          %swap3A_790 = arith.index_cast %scan3A_145 : i32 to index
          %swap3A_791 = arith.constant 320 : index
          %swap3A_792 = tpu.vector_load %arg6[%swap3A_789, %swap3A_790, %swap3A_791] {strides = array<i32>} : memref<2x96x512xf32, #tpu.memory_space<vmem>>, vector<1x1x16xf32>,
          %swap3A_793 = vector.shape_cast %swap3A_792 : vector<1x1x16xf32> to vector<16xf32>
          %swap3A_794 = vector.shape_cast %add3A_787 : vector<16xf32> to vector<1x1x16xf32>
          tpu.vector_store %arg6[%swap3A_789, %swap3A_790, %swap3A_791], %swap3A_794 {strides = array<i32>} : memref<2x96x512xf32, #tpu.memory_space<vmem>>, vector<1x1x16xf32>,
          %get3A_795 = arith.constant 1 : i32
          %get3A_796 = arith.index_cast %get3A_795 : i32 to index
          %get3A_797 = arith.index_cast %scan3A_145 : i32 to index
          %get3A_798 = arith.constant 336 : index
          %get3A_799 = tpu.vector_load %arg6[%get3A_796, %get3A_797, %get3A_798] {strides = array<i32>} : memref<2x96x512xf32, #tpu.memory_space<vmem>>, vector<1x1x16xf32>,
          %get3A_800 = vector.shape_cast %get3A_799 : vector<1x1x16xf32> to vector<16xf32>
          %add3A_801 = arith.constant 32 : i32
          %add3A_802 = arith.addi %add3A_801, %scan3A_145 : i32
          %get3A_803 = arith.constant 1 : i32
          %get3A_804 = arith.index_cast %get3A_803 : i32 to index
          %get3A_805 = arith.index_cast %add3A_802 : i32 to index
          %get3A_806 = arith.constant 336 : index
          %get3A_807 = tpu.vector_load %arg6[%get3A_804, %get3A_805, %get3A_806] {strides = array<i32>} : memref<2x96x512xf32, #tpu.memory_space<vmem>>, vector<1x1x16xf32>,
          %get3A_808 = vector.shape_cast %get3A_807 : vector<1x1x16xf32> to vector<16xf32>
          %add3A_809 = arith.addf %get3A_800, %get3A_808 : vector<16xf32>
          %add3A_810 = arith.constant 64 : i32
          %add3A_811 = arith.addi %add3A_810, %scan3A_145 : i32
          %get3A_812 = arith.constant 1 : i32
          %get3A_813 = arith.index_cast %get3A_812 : i32 to index
          %get3A_814 = arith.index_cast %add3A_811 : i32 to index
          %get3A_815 = arith.constant 336 : index
          %get3A_816 = tpu.vector_load %arg6[%get3A_813, %get3A_814, %get3A_815] {strides = array<i32>} : memref<2x96x512xf32, #tpu.memory_space<vmem>>, vector<1x1x16xf32>,
          %get3A_817 = vector.shape_cast %get3A_816 : vector<1x1x16xf32> to vector<16xf32>
          %add3A_818 = arith.addf %add3A_809, %get3A_817 : vector<16xf32>
          %swap3A_819 = arith.constant 1 : i32
          %swap3A_820 = arith.index_cast %swap3A_819 : i32 to index
          %swap3A_821 = arith.index_cast %scan3A_145 : i32 to index
          %swap3A_822 = arith.constant 336 : index
          %swap3A_823 = tpu.vector_load %arg6[%swap3A_820, %swap3A_821, %swap3A_822] {strides = array<i32>} : memref<2x96x512xf32, #tpu.memory_space<vmem>>, vector<1x1x16xf32>,
          %swap3A_824 = vector.shape_cast %swap3A_823 : vector<1x1x16xf32> to vector<16xf32>
          %swap3A_825 = vector.shape_cast %add3A_818 : vector<16xf32> to vector<1x1x16xf32>
          tpu.vector_store %arg6[%swap3A_820, %swap3A_821, %swap3A_822], %swap3A_825 {strides = array<i32>} : memref<2x96x512xf32, #tpu.memory_space<vmem>>, vector<1x1x16xf32>,
          %get3A_826 = arith.constant 1 : i32
          %get3A_827 = arith.index_cast %get3A_826 : i32 to index
          %get3A_828 = arith.index_cast %scan3A_145 : i32 to index
          %get3A_829 = arith.constant 352 : index
          %get3A_830 = tpu.vector_load %arg6[%get3A_827, %get3A_828, %get3A_829] {strides = array<i32>} : memref<2x96x512xf32, #tpu.memory_space<vmem>>, vector<1x1x16xf32>,
          %get3A_831 = vector.shape_cast %get3A_830 : vector<1x1x16xf32> to vector<16xf32>
          %add3A_832 = arith.constant 32 : i32
          %add3A_833 = arith.addi %add3A_832, %scan3A_145 : i32
          %get3A_834 = arith.constant 1 : i32
          %get3A_835 = arith.index_cast %get3A_834 : i32 to index
          %get3A_836 = arith.index_cast %add3A_833 : i32 to index
          %get3A_837 = arith.constant 352 : index
          %get3A_838 = tpu.vector_load %arg6[%get3A_835, %get3A_836, %get3A_837] {strides = array<i32>} : memref<2x96x512xf32, #tpu.memory_space<vmem>>, vector<1x1x16xf32>,
          %get3A_839 = vector.shape_cast %get3A_838 : vector<1x1x16xf32> to vector<16xf32>
          %add3A_840 = arith.addf %get3A_831, %get3A_839 : vector<16xf32>
          %add3A_841 = arith.constant 64 : i32
          %add3A_842 = arith.addi %add3A_841, %scan3A_145 : i32
          %get3A_843 = arith.constant 1 : i32
          %get3A_844 = arith.index_cast %get3A_843 : i32 to index
          %get3A_845 = arith.index_cast %add3A_842 : i32 to index
          %get3A_846 = arith.constant 352 : index
          %get3A_847 = tpu.vector_load %arg6[%get3A_844, %get3A_845, %get3A_846] {strides = array<i32>} : memref<2x96x512xf32, #tpu.memory_space<vmem>>, vector<1x1x16xf32>,
          %get3A_848 = vector.shape_cast %get3A_847 : vector<1x1x16xf32> to vector<16xf32>
          %add3A_849 = arith.addf %add3A_840, %get3A_848 : vector<16xf32>
          %swap3A_850 = arith.constant 1 : i32
          %swap3A_851 = arith.index_cast %swap3A_850 : i32 to index
          %swap3A_852 = arith.index_cast %scan3A_145 : i32 to index
          %swap3A_853 = arith.constant 352 : index
          %swap3A_854 = tpu.vector_load %arg6[%swap3A_851, %swap3A_852, %swap3A_853] {strides = array<i32>} : memref<2x96x512xf32, #tpu.memory_space<vmem>>, vector<1x1x16xf32>,
          %swap3A_855 = vector.shape_cast %swap3A_854 : vector<1x1x16xf32> to vector<16xf32>
          %swap3A_856 = vector.shape_cast %add3A_849 : vector<16xf32> to vector<1x1x16xf32>
          tpu.vector_store %arg6[%swap3A_851, %swap3A_852, %swap3A_853], %swap3A_856 {strides = array<i32>} : memref<2x96x512xf32, #tpu.memory_space<vmem>>, vector<1x1x16xf32>,
          %get3A_857 = arith.constant 1 : i32
          %get3A_858 = arith.index_cast %get3A_857 : i32 to index
          %get3A_859 = arith.index_cast %scan3A_145 : i32 to index
          %get3A_860 = arith.constant 368 : index
          %get3A_861 = tpu.vector_load %arg6[%get3A_858, %get3A_859, %get3A_860] {strides = array<i32>} : memref<2x96x512xf32, #tpu.memory_space<vmem>>, vector<1x1x16xf32>,
          %get3A_862 = vector.shape_cast %get3A_861 : vector<1x1x16xf32> to vector<16xf32>
          %add3A_863 = arith.constant 32 : i32
          %add3A_864 = arith.addi %add3A_863, %scan3A_145 : i32
          %get3A_865 = arith.constant 1 : i32
          %get3A_866 = arith.index_cast %get3A_865 : i32 to index
          %get3A_867 = arith.index_cast %add3A_864 : i32 to index
          %get3A_868 = arith.constant 368 : index
          %get3A_869 = tpu.vector_load %arg6[%get3A_866, %get3A_867, %get3A_868] {strides = array<i32>} : memref<2x96x512xf32, #tpu.memory_space<vmem>>, vector<1x1x16xf32>,
          %get3A_870 = vector.shape_cast %get3A_869 : vector<1x1x16xf32> to vector<16xf32>
          %add3A_871 = arith.addf %get3A_862, %get3A_870 : vector<16xf32>
          %add3A_872 = arith.constant 64 : i32
          %add3A_873 = arith.addi %add3A_872, %scan3A_145 : i32
          %get3A_874 = arith.constant 1 : i32
          %get3A_875 = arith.index_cast %get3A_874 : i32 to index
          %get3A_876 = arith.index_cast %add3A_873 : i32 to index
          %get3A_877 = arith.constant 368 : index
          %get3A_878 = tpu.vector_load %arg6[%get3A_875, %get3A_876, %get3A_877] {strides = array<i32>} : memref<2x96x512xf32, #tpu.memory_space<vmem>>, vector<1x1x16xf32>,
          %get3A_879 = vector.shape_cast %get3A_878 : vector<1x1x16xf32> to vector<16xf32>
          %add3A_880 = arith.addf %add3A_871, %get3A_879 : vector<16xf32>
          %swap3A_881 = arith.constant 1 : i32
          %swap3A_882 = arith.index_cast %swap3A_881 : i32 to index
          %swap3A_883 = arith.index_cast %scan3A_145 : i32 to index
          %swap3A_884 = arith.constant 368 : index
          %swap3A_885 = tpu.vector_load %arg6[%swap3A_882, %swap3A_883, %swap3A_884] {strides = array<i32>} : memref<2x96x512xf32, #tpu.memory_space<vmem>>, vector<1x1x16xf32>,
          %swap3A_886 = vector.shape_cast %swap3A_885 : vector<1x1x16xf32> to vector<16xf32>
          %swap3A_887 = vector.shape_cast %add3A_880 : vector<16xf32> to vector<1x1x16xf32>
          tpu.vector_store %arg6[%swap3A_882, %swap3A_883, %swap3A_884], %swap3A_887 {strides = array<i32>} : memref<2x96x512xf32, #tpu.memory_space<vmem>>, vector<1x1x16xf32>,
          %get3A_888 = arith.constant 1 : i32
          %get3A_889 = arith.index_cast %get3A_888 : i32 to index
          %get3A_890 = arith.index_cast %scan3A_145 : i32 to index
          %get3A_891 = arith.constant 384 : index
          %get3A_892 = tpu.vector_load %arg6[%get3A_889, %get3A_890, %get3A_891] {strides = array<i32>} : memref<2x96x512xf32, #tpu.memory_space<vmem>>, vector<1x1x16xf32>,
          %get3A_893 = vector.shape_cast %get3A_892 : vector<1x1x16xf32> to vector<16xf32>
          %add3A_894 = arith.constant 32 : i32
          %add3A_895 = arith.addi %add3A_894, %scan3A_145 : i32
          %get3A_896 = arith.constant 1 : i32
          %get3A_897 = arith.index_cast %get3A_896 : i32 to index
          %get3A_898 = arith.index_cast %add3A_895 : i32 to index
          %get3A_899 = arith.constant 384 : index
          %get3A_900 = tpu.vector_load %arg6[%get3A_897, %get3A_898, %get3A_899] {strides = array<i32>} : memref<2x96x512xf32, #tpu.memory_space<vmem>>, vector<1x1x16xf32>,
          %get3A_901 = vector.shape_cast %get3A_900 : vector<1x1x16xf32> to vector<16xf32>
          %add3A_902 = arith.addf %get3A_893, %get3A_901 : vector<16xf32>
          %add3A_903 = arith.constant 64 : i32
          %add3A_904 = arith.addi %add3A_903, %scan3A_145 : i32
          %get3A_905 = arith.constant 1 : i32
          %get3A_906 = arith.index_cast %get3A_905 : i32 to index
          %get3A_907 = arith.index_cast %add3A_904 : i32 to index
          %get3A_908 = arith.constant 384 : index
          %get3A_909 = tpu.vector_load %arg6[%get3A_906, %get3A_907, %get3A_908] {strides = array<i32>} : memref<2x96x512xf32, #tpu.memory_space<vmem>>, vector<1x1x16xf32>,
          %get3A_910 = vector.shape_cast %get3A_909 : vector<1x1x16xf32> to vector<16xf32>
          %add3A_911 = arith.addf %add3A_902, %get3A_910 : vector<16xf32>
          %swap3A_912 = arith.constant 1 : i32
          %swap3A_913 = arith.index_cast %swap3A_912 : i32 to index
          %swap3A_914 = arith.index_cast %scan3A_145 : i32 to index
          %swap3A_915 = arith.constant 384 : index
          %swap3A_916 = tpu.vector_load %arg6[%swap3A_913, %swap3A_914, %swap3A_915] {strides = array<i32>} : memref<2x96x512xf32, #tpu.memory_space<vmem>>, vector<1x1x16xf32>,
          %swap3A_917 = vector.shape_cast %swap3A_916 : vector<1x1x16xf32> to vector<16xf32>
          %swap3A_918 = vector.shape_cast %add3A_911 : vector<16xf32> to vector<1x1x16xf32>
          tpu.vector_store %arg6[%swap3A_913, %swap3A_914, %swap3A_915], %swap3A_918 {strides = array<i32>} : memref<2x96x512xf32, #tpu.memory_space<vmem>>, vector<1x1x16xf32>,
          %get3A_919 = arith.constant 1 : i32
          %get3A_920 = arith.index_cast %get3A_919 : i32 to index
          %get3A_921 = arith.index_cast %scan3A_145 : i32 to index
          %get3A_922 = arith.constant 400 : index
          %get3A_923 = tpu.vector_load %arg6[%get3A_920, %get3A_921, %get3A_922] {strides = array<i32>} : memref<2x96x512xf32, #tpu.memory_space<vmem>>, vector<1x1x16xf32>,
          %get3A_924 = vector.shape_cast %get3A_923 : vector<1x1x16xf32> to vector<16xf32>
          %add3A_925 = arith.constant 32 : i32
          %add3A_926 = arith.addi %add3A_925, %scan3A_145 : i32
          %get3A_927 = arith.constant 1 : i32
          %get3A_928 = arith.index_cast %get3A_927 : i32 to index
          %get3A_929 = arith.index_cast %add3A_926 : i32 to index
          %get3A_930 = arith.constant 400 : index
          %get3A_931 = tpu.vector_load %arg6[%get3A_928, %get3A_929, %get3A_930] {strides = array<i32>} : memref<2x96x512xf32, #tpu.memory_space<vmem>>, vector<1x1x16xf32>,
          %get3A_932 = vector.shape_cast %get3A_931 : vector<1x1x16xf32> to vector<16xf32>
          %add3A_933 = arith.addf %get3A_924, %get3A_932 : vector<16xf32>
          %add3A_934 = arith.constant 64 : i32
          %add3A_935 = arith.addi %add3A_934, %scan3A_145 : i32
          %get3A_936 = arith.constant 1 : i32
          %get3A_937 = arith.index_cast %get3A_936 : i32 to index
          %get3A_938 = arith.index_cast %add3A_935 : i32 to index
          %get3A_939 = arith.constant 400 : index
          %get3A_940 = tpu.vector_load %arg6[%get3A_937, %get3A_938, %get3A_939] {strides = array<i32>} : memref<2x96x512xf32, #tpu.memory_space<vmem>>, vector<1x1x16xf32>,
          %get3A_941 = vector.shape_cast %get3A_940 : vector<1x1x16xf32> to vector<16xf32>
          %add3A_942 = arith.addf %add3A_933, %get3A_941 : vector<16xf32>
          %swap3A_943 = arith.constant 1 : i32
          %swap3A_944 = arith.index_cast %swap3A_943 : i32 to index
          %swap3A_945 = arith.index_cast %scan3A_145 : i32 to index
          %swap3A_946 = arith.constant 400 : index
          %swap3A_947 = tpu.vector_load %arg6[%swap3A_944, %swap3A_945, %swap3A_946] {strides = array<i32>} : memref<2x96x512xf32, #tpu.memory_space<vmem>>, vector<1x1x16xf32>,
          %swap3A_948 = vector.shape_cast %swap3A_947 : vector<1x1x16xf32> to vector<16xf32>
          %swap3A_949 = vector.shape_cast %add3A_942 : vector<16xf32> to vector<1x1x16xf32>
          tpu.vector_store %arg6[%swap3A_944, %swap3A_945, %swap3A_946], %swap3A_949 {strides = array<i32>} : memref<2x96x512xf32, #tpu.memory_space<vmem>>, vector<1x1x16xf32>,
          %get3A_950 = arith.constant 1 : i32
          %get3A_951 = arith.index_cast %get3A_950 : i32 to index
          %get3A_952 = arith.index_cast %scan3A_145 : i32 to index
          %get3A_953 = arith.constant 416 : index
          %get3A_954 = tpu.vector_load %arg6[%get3A_951, %get3A_952, %get3A_953] {strides = array<i32>} : memref<2x96x512xf32, #tpu.memory_space<vmem>>, vector<1x1x16xf32>,
          %get3A_955 = vector.shape_cast %get3A_954 : vector<1x1x16xf32> to vector<16xf32>
          %add3A_956 = arith.constant 32 : i32
          %add3A_957 = arith.addi %add3A_956, %scan3A_145 : i32
          %get3A_958 = arith.constant 1 : i32
          %get3A_959 = arith.index_cast %get3A_958 : i32 to index
          %get3A_960 = arith.index_cast %add3A_957 : i32 to index
          %get3A_961 = arith.constant 416 : index
          %get3A_962 = tpu.vector_load %arg6[%get3A_959, %get3A_960, %get3A_961] {strides = array<i32>} : memref<2x96x512xf32, #tpu.memory_space<vmem>>, vector<1x1x16xf32>,
          %get3A_963 = vector.shape_cast %get3A_962 : vector<1x1x16xf32> to vector<16xf32>
          %add3A_964 = arith.addf %get3A_955, %get3A_963 : vector<16xf32>
          %add3A_965 = arith.constant 64 : i32
          %add3A_966 = arith.addi %add3A_965, %scan3A_145 : i32
          %get3A_967 = arith.constant 1 : i32
          %get3A_968 = arith.index_cast %get3A_967 : i32 to index
          %get3A_969 = arith.index_cast %add3A_966 : i32 to index
          %get3A_970 = arith.constant 416 : index
          %get3A_971 = tpu.vector_load %arg6[%get3A_968, %get3A_969, %get3A_970] {strides = array<i32>} : memref<2x96x512xf32, #tpu.memory_space<vmem>>, vector<1x1x16xf32>,
          %get3A_972 = vector.shape_cast %get3A_971 : vector<1x1x16xf32> to vector<16xf32>
          %add3A_973 = arith.addf %add3A_964, %get3A_972 : vector<16xf32>
          %swap3A_974 = arith.constant 1 : i32
          %swap3A_975 = arith.index_cast %swap3A_974 : i32 to index
          %swap3A_976 = arith.index_cast %scan3A_145 : i32 to index
          %swap3A_977 = arith.constant 416 : index
          %swap3A_978 = tpu.vector_load %arg6[%swap3A_975, %swap3A_976, %swap3A_977] {strides = array<i32>} : memref<2x96x512xf32, #tpu.memory_space<vmem>>, vector<1x1x16xf32>,
          %swap3A_979 = vector.shape_cast %swap3A_978 : vector<1x1x16xf32> to vector<16xf32>
          %swap3A_980 = vector.shape_cast %add3A_973 : vector<16xf32> to vector<1x1x16xf32>
          tpu.vector_store %arg6[%swap3A_975, %swap3A_976, %swap3A_977], %swap3A_980 {strides = array<i32>} : memref<2x96x512xf32, #tpu.memory_space<vmem>>, vector<1x1x16xf32>,
          %get3A_981 = arith.constant 1 : i32
          %get3A_982 = arith.index_cast %get3A_981 : i32 to index
          %get3A_983 = arith.index_cast %scan3A_145 : i32 to index
          %get3A_984 = arith.constant 432 : index
          %get3A_985 = tpu.vector_load %arg6[%get3A_982, %get3A_983, %get3A_984] {strides = array<i32>} : memref<2x96x512xf32, #tpu.memory_space<vmem>>, vector<1x1x16xf32>,
          %get3A_986 = vector.shape_cast %get3A_985 : vector<1x1x16xf32> to vector<16xf32>
          %add3A_987 = arith.constant 32 : i32
          %add3A_988 = arith.addi %add3A_987, %scan3A_145 : i32
          %get3A_989 = arith.constant 1 : i32
          %get3A_990 = arith.index_cast %get3A_989 : i32 to index
          %get3A_991 = arith.index_cast %add3A_988 : i32 to index
          %get3A_992 = arith.constant 432 : index
          %get3A_993 = tpu.vector_load %arg6[%get3A_990, %get3A_991, %get3A_992] {strides = array<i32>} : memref<2x96x512xf32, #tpu.memory_space<vmem>>, vector<1x1x16xf32>,
          %get3A_994 = vector.shape_cast %get3A_993 : vector<1x1x16xf32> to vector<16xf32>
          %add3A_995 = arith.addf %get3A_986, %get3A_994 : vector<16xf32>
          %add3A_996 = arith.constant 64 : i32
          %add3A_997 = arith.addi %add3A_996, %scan3A_145 : i32
          %get3A_998 = arith.constant 1 : i32
          %get3A_999 = arith.index_cast %get3A_998 : i32 to index
          %get3A_1000 = arith.index_cast %add3A_997 : i32 to index
          %get3A_1001 = arith.constant 432 : index
          %get3A_1002 = tpu.vector_load %arg6[%get3A_999, %get3A_1000, %get3A_1001] {strides = array<i32>} : memref<2x96x512xf32, #tpu.memory_space<vmem>>, vector<1x1x16xf32>,
          %get3A_1003 = vector.shape_cast %get3A_1002 : vector<1x1x16xf32> to vector<16xf32>
          %add3A_1004 = arith.addf %add3A_995, %get3A_1003 : vector<16xf32>
          %swap3A_1005 = arith.constant 1 : i32
          %swap3A_1006 = arith.index_cast %swap3A_1005 : i32 to index
          %swap3A_1007 = arith.index_cast %scan3A_145 : i32 to index
          %swap3A_1008 = arith.constant 432 : index
          %swap3A_1009 = tpu.vector_load %arg6[%swap3A_1006, %swap3A_1007, %swap3A_1008] {strides = array<i32>} : memref<2x96x512xf32, #tpu.memory_space<vmem>>, vector<1x1x16xf32>,
          %swap3A_1010 = vector.shape_cast %swap3A_1009 : vector<1x1x16xf32> to vector<16xf32>
          %swap3A_1011 = vector.shape_cast %add3A_1004 : vector<16xf32> to vector<1x1x16xf32>
          tpu.vector_store %arg6[%swap3A_1006, %swap3A_1007, %swap3A_1008], %swap3A_1011 {strides = array<i32>} : memref<2x96x512xf32, #tpu.memory_space<vmem>>, vector<1x1x16xf32>,
          %get3A_1012 = arith.constant 1 : i32
          %get3A_1013 = arith.index_cast %get3A_1012 : i32 to index
          %get3A_1014 = arith.index_cast %scan3A_145 : i32 to index
          %get3A_1015 = arith.constant 448 : index
          %get3A_1016 = tpu.vector_load %arg6[%get3A_1013, %get3A_1014, %get3A_1015] {strides = array<i32>} : memref<2x96x512xf32, #tpu.memory_space<vmem>>, vector<1x1x16xf32>,
          %get3A_1017 = vector.shape_cast %get3A_1016 : vector<1x1x16xf32> to vector<16xf32>
          %add3A_1018 = arith.constant 32 : i32
          %add3A_1019 = arith.addi %add3A_1018, %scan3A_145 : i32
          %get3A_1020 = arith.constant 1 : i32
          %get3A_1021 = arith.index_cast %get3A_1020 : i32 to index
          %get3A_1022 = arith.index_cast %add3A_1019 : i32 to index
          %get3A_1023 = arith.constant 448 : index
          %get3A_1024 = tpu.vector_load %arg6[%get3A_1021, %get3A_1022, %get3A_1023] {strides = array<i32>} : memref<2x96x512xf32, #tpu.memory_space<vmem>>, vector<1x1x16xf32>,
          %get3A_1025 = vector.shape_cast %get3A_1024 : vector<1x1x16xf32> to vector<16xf32>
          %add3A_1026 = arith.addf %get3A_1017, %get3A_1025 : vector<16xf32>
          %add3A_1027 = arith.constant 64 : i32
          %add3A_1028 = arith.addi %add3A_1027, %scan3A_145 : i32
          %get3A_1029 = arith.constant 1 : i32
          %get3A_1030 = arith.index_cast %get3A_1029 : i32 to index
          %get3A_1031 = arith.index_cast %add3A_1028 : i32 to index
          %get3A_1032 = arith.constant 448 : index
          %get3A_1033 = tpu.vector_load %arg6[%get3A_1030, %get3A_1031, %get3A_1032] {strides = array<i32>} : memref<2x96x512xf32, #tpu.memory_space<vmem>>, vector<1x1x16xf32>,
          %get3A_1034 = vector.shape_cast %get3A_1033 : vector<1x1x16xf32> to vector<16xf32>
          %add3A_1035 = arith.addf %add3A_1026, %get3A_1034 : vector<16xf32>
          %swap3A_1036 = arith.constant 1 : i32
          %swap3A_1037 = arith.index_cast %swap3A_1036 : i32 to index
          %swap3A_1038 = arith.index_cast %scan3A_145 : i32 to index
          %swap3A_1039 = arith.constant 448 : index
          %swap3A_1040 = tpu.vector_load %arg6[%swap3A_1037, %swap3A_1038, %swap3A_1039] {strides = array<i32>} : memref<2x96x512xf32, #tpu.memory_space<vmem>>, vector<1x1x16xf32>,
          %swap3A_1041 = vector.shape_cast %swap3A_1040 : vector<1x1x16xf32> to vector<16xf32>
          %swap3A_1042 = vector.shape_cast %add3A_1035 : vector<16xf32> to vector<1x1x16xf32>
          tpu.vector_store %arg6[%swap3A_1037, %swap3A_1038, %swap3A_1039], %swap3A_1042 {strides = array<i32>} : memref<2x96x512xf32, #tpu.memory_space<vmem>>, vector<1x1x16xf32>,
          %get3A_1043 = arith.constant 1 : i32
          %get3A_1044 = arith.index_cast %get3A_1043 : i32 to index
          %get3A_1045 = arith.index_cast %scan3A_145 : i32 to index
          %get3A_1046 = arith.constant 464 : index
          %get3A_1047 = tpu.vector_load %arg6[%get3A_1044, %get3A_1045, %get3A_1046] {strides = array<i32>} : memref<2x96x512xf32, #tpu.memory_space<vmem>>, vector<1x1x16xf32>,
          %get3A_1048 = vector.shape_cast %get3A_1047 : vector<1x1x16xf32> to vector<16xf32>
          %add3A_1049 = arith.constant 32 : i32
          %add3A_1050 = arith.addi %add3A_1049, %scan3A_145 : i32
          %get3A_1051 = arith.constant 1 : i32
          %get3A_1052 = arith.index_cast %get3A_1051 : i32 to index
          %get3A_1053 = arith.index_cast %add3A_1050 : i32 to index
          %get3A_1054 = arith.constant 464 : index
          %get3A_1055 = tpu.vector_load %arg6[%get3A_1052, %get3A_1053, %get3A_1054] {strides = array<i32>} : memref<2x96x512xf32, #tpu.memory_space<vmem>>, vector<1x1x16xf32>,
          %get3A_1056 = vector.shape_cast %get3A_1055 : vector<1x1x16xf32> to vector<16xf32>
          %add3A_1057 = arith.addf %get3A_1048, %get3A_1056 : vector<16xf32>
          %add3A_1058 = arith.constant 64 : i32
          %add3A_1059 = arith.addi %add3A_1058, %scan3A_145 : i32
          %get3A_1060 = arith.constant 1 : i32
          %get3A_1061 = arith.index_cast %get3A_1060 : i32 to index
          %get3A_1062 = arith.index_cast %add3A_1059 : i32 to index
          %get3A_1063 = arith.constant 464 : index
          %get3A_1064 = tpu.vector_load %arg6[%get3A_1061, %get3A_1062, %get3A_1063] {strides = array<i32>} : memref<2x96x512xf32, #tpu.memory_space<vmem>>, vector<1x1x16xf32>,
          %get3A_1065 = vector.shape_cast %get3A_1064 : vector<1x1x16xf32> to vector<16xf32>
          %add3A_1066 = arith.addf %add3A_1057, %get3A_1065 : vector<16xf32>
          %swap3A_1067 = arith.constant 1 : i32
          %swap3A_1068 = arith.index_cast %swap3A_1067 : i32 to index
          %swap3A_1069 = arith.index_cast %scan3A_145 : i32 to index
          %swap3A_1070 = arith.constant 464 : index
          %swap3A_1071 = tpu.vector_load %arg6[%swap3A_1068, %swap3A_1069, %swap3A_1070] {strides = array<i32>} : memref<2x96x512xf32, #tpu.memory_space<vmem>>, vector<1x1x16xf32>,
          %swap3A_1072 = vector.shape_cast %swap3A_1071 : vector<1x1x16xf32> to vector<16xf32>
          %swap3A_1073 = vector.shape_cast %add3A_1066 : vector<16xf32> to vector<1x1x16xf32>
          tpu.vector_store %arg6[%swap3A_1068, %swap3A_1069, %swap3A_1070], %swap3A_1073 {strides = array<i32>} : memref<2x96x512xf32, #tpu.memory_space<vmem>>, vector<1x1x16xf32>,
          %get3A_1074 = arith.constant 1 : i32
          %get3A_1075 = arith.index_cast %get3A_1074 : i32 to index
          %get3A_1076 = arith.index_cast %scan3A_145 : i32 to index
          %get3A_1077 = arith.constant 480 : index
          %get3A_1078 = tpu.vector_load %arg6[%get3A_1075, %get3A_1076, %get3A_1077] {strides = array<i32>} : memref<2x96x512xf32, #tpu.memory_space<vmem>>, vector<1x1x16xf32>,
          %get3A_1079 = vector.shape_cast %get3A_1078 : vector<1x1x16xf32> to vector<16xf32>
          %add3A_1080 = arith.constant 32 : i32
          %add3A_1081 = arith.addi %add3A_1080, %scan3A_145 : i32
          %get3A_1082 = arith.constant 1 : i32
          %get3A_1083 = arith.index_cast %get3A_1082 : i32 to index
          %get3A_1084 = arith.index_cast %add3A_1081 : i32 to index
          %get3A_1085 = arith.constant 480 : index
          %get3A_1086 = tpu.vector_load %arg6[%get3A_1083, %get3A_1084, %get3A_1085] {strides = array<i32>} : memref<2x96x512xf32, #tpu.memory_space<vmem>>, vector<1x1x16xf32>,
          %get3A_1087 = vector.shape_cast %get3A_1086 : vector<1x1x16xf32> to vector<16xf32>
          %add3A_1088 = arith.addf %get3A_1079, %get3A_1087 : vector<16xf32>
          %add3A_1089 = arith.constant 64 : i32
          %add3A_1090 = arith.addi %add3A_1089, %scan3A_145 : i32
          %get3A_1091 = arith.constant 1 : i32
          %get3A_1092 = arith.index_cast %get3A_1091 : i32 to index
          %get3A_1093 = arith.index_cast %add3A_1090 : i32 to index
          %get3A_1094 = arith.constant 480 : index
          %get3A_1095 = tpu.vector_load %arg6[%get3A_1092, %get3A_1093, %get3A_1094] {strides = array<i32>} : memref<2x96x512xf32, #tpu.memory_space<vmem>>, vector<1x1x16xf32>,
          %get3A_1096 = vector.shape_cast %get3A_1095 : vector<1x1x16xf32> to vector<16xf32>
          %add3A_1097 = arith.addf %add3A_1088, %get3A_1096 : vector<16xf32>
          %swap3A_1098 = arith.constant 1 : i32
          %swap3A_1099 = arith.index_cast %swap3A_1098 : i32 to index
          %swap3A_1100 = arith.index_cast %scan3A_145 : i32 to index
          %swap3A_1101 = arith.constant 480 : index
          %swap3A_1102 = tpu.vector_load %arg6[%swap3A_1099, %swap3A_1100, %swap3A_1101] {strides = array<i32>} : memref<2x96x512xf32, #tpu.memory_space<vmem>>, vector<1x1x16xf32>,
          %swap3A_1103 = vector.shape_cast %swap3A_1102 : vector<1x1x16xf32> to vector<16xf32>
          %swap3A_1104 = vector.shape_cast %add3A_1097 : vector<16xf32> to vector<1x1x16xf32>
          tpu.vector_store %arg6[%swap3A_1099, %swap3A_1100, %swap3A_1101], %swap3A_1104 {strides = array<i32>} : memref<2x96x512xf32, #tpu.memory_space<vmem>>, vector<1x1x16xf32>,
          %get3A_1105 = arith.constant 1 : i32
          %get3A_1106 = arith.index_cast %get3A_1105 : i32 to index
          %get3A_1107 = arith.index_cast %scan3A_145 : i32 to index
          %get3A_1108 = arith.constant 496 : index
          %get3A_1109 = tpu.vector_load %arg6[%get3A_1106, %get3A_1107, %get3A_1108] {strides = array<i32>} : memref<2x96x512xf32, #tpu.memory_space<vmem>>, vector<1x1x16xf32>,
          %get3A_1110 = vector.shape_cast %get3A_1109 : vector<1x1x16xf32> to vector<16xf32>
          %add3A_1111 = arith.constant 32 : i32
          %add3A_1112 = arith.addi %add3A_1111, %scan3A_145 : i32
          %get3A_1113 = arith.constant 1 : i32
          %get3A_1114 = arith.index_cast %get3A_1113 : i32 to index
          %get3A_1115 = arith.index_cast %add3A_1112 : i32 to index
          %get3A_1116 = arith.constant 496 : index
          %get3A_1117 = tpu.vector_load %arg6[%get3A_1114, %get3A_1115, %get3A_1116] {strides = array<i32>} : memref<2x96x512xf32, #tpu.memory_space<vmem>>, vector<1x1x16xf32>,
          %get3A_1118 = vector.shape_cast %get3A_1117 : vector<1x1x16xf32> to vector<16xf32>
          %add3A_1119 = arith.addf %get3A_1110, %get3A_1118 : vector<16xf32>
          %add3A_1120 = arith.constant 64 : i32
          %add3A_1121 = arith.addi %add3A_1120, %scan3A_145 : i32
          %get3A_1122 = arith.constant 1 : i32
          %get3A_1123 = arith.index_cast %get3A_1122 : i32 to index
          %get3A_1124 = arith.index_cast %add3A_1121 : i32 to index
          %get3A_1125 = arith.constant 496 : index
          %get3A_1126 = tpu.vector_load %arg6[%get3A_1123, %get3A_1124, %get3A_1125] {strides = array<i32>} : memref<2x96x512xf32, #tpu.memory_space<vmem>>, vector<1x1x16xf32>,
          %get3A_1127 = vector.shape_cast %get3A_1126 : vector<1x1x16xf32> to vector<16xf32>
          %add3A_1128 = arith.addf %add3A_1119, %get3A_1127 : vector<16xf32>
          %swap3A_1129 = arith.constant 1 : i32
          %swap3A_1130 = arith.index_cast %swap3A_1129 : i32 to index
          %swap3A_1131 = arith.index_cast %scan3A_145 : i32 to index
          %swap3A_1132 = arith.constant 496 : index
          %swap3A_1133 = tpu.vector_load %arg6[%swap3A_1130, %swap3A_1131, %swap3A_1132] {strides = array<i32>} : memref<2x96x512xf32, #tpu.memory_space<vmem>>, vector<1x1x16xf32>,
          %swap3A_1134 = vector.shape_cast %swap3A_1133 : vector<1x1x16xf32> to vector<16xf32>
          %swap3A_1135 = vector.shape_cast %add3A_1128 : vector<16xf32> to vector<1x1x16xf32>
          tpu.vector_store %arg6[%swap3A_1130, %swap3A_1131, %swap3A_1132], %swap3A_1135 {strides = array<i32>} : memref<2x96x512xf32, #tpu.memory_space<vmem>>, vector<1x1x16xf32>,
        }
        %scan3A_121 = arith.constant 32 : i32
        %mul3A_122 = arith.constant 32 : i32
        %mul3A_123 = arith.muli %scan3A_85, %mul3A_122 : i32
        %add3A_124 = arith.addi %mul3A_2, %mul3A_123 : i32
        %dma_start3A_125 = arith.constant 1 : i32
        %dma_start3A_126 = arith.constant 0 : i32
        %dma_start3A_127 = arith.constant 0 : i32
        %dma_start3A_128 = tpu.memref_slice %arg6[%dma_start3A_125, %dma_start3A_126, %dma_start3A_127] : memref<2x96x512xf32, #tpu.memory_space<vmem>> -> memref<1x32x512xf32, #tpu.memory_space<vmem>>
        %dma_start3A_129 = tpu.memref_squeeze %dma_start3A_128 : memref<1x32x512xf32, #tpu.memory_space<vmem>> -> memref<32x512xf32, #tpu.memory_space<vmem>>
        %dma_start3A_130 = arith.constant 0 : i32
        %dma_start3A_131 = tpu.memref_slice %arg4[%add3A_124, %dma_start3A_130] : memref<204800x512xf32, #tpu.memory_space<hbm>> -> memref<32x512xf32, #tpu.memory_space<hbm>>
        %dma_start3A_132 = arith.constant 0 : i32
        %dma_start3A_133 = tpu.memref_slice %arg4[%add3A_124, %dma_start3A_132] : memref<204800x512xf32, #tpu.memory_space<hbm>> -> memref<32x512xf32, #tpu.memory_space<hbm>>
        %dma_start3A_134 = arith.constant 0 : i32
        %dma_start3A_135 = arith.constant 0 : i32
        %dma_start3A_136 = tpu.memref_slice %arg6[%dma_start3A_125, %dma_start3A_134, %dma_start3A_135] : memref<2x96x512xf32, #tpu.memory_space<vmem>> -> memref<1x32x512xf32, #tpu.memory_space<vmem>>
        %dma_start3A_137 = tpu.memref_squeeze %dma_start3A_136 : memref<1x32x512xf32, #tpu.memory_space<vmem>> -> memref<32x512xf32, #tpu.memory_space<vmem>>
        tpu.enqueue_dma source(%dma_start3A_137 : memref<32x512xf32, #tpu.memory_space<vmem>>) target(%dma_start3A_133 : memref<32x512xf32, #tpu.memory_space<hbm>>) target_semaphore(%arg12 : memref<!tpu.dma_semaphore, #tpu.memory_space<semaphore_mem>>)
        %add3A_138 = arith.constant 2 : i32
        %add3A_139 = arith.addi %scan3A_85, %add3A_138 : i32
        %lt3A_140 = arith.constant 200 : i32
        %lt3A_141 = arith.cmpi slt, %add3A_139, %lt3A_140 : i32
        %convert_element_type3A_142 = arith.extui %lt3A_141 : i1 to i32
        %cond3A_143 = arith.constant 0 : i32
        %cond3A_144 = arith.cmpi ne, %convert_element_type3A_142, %cond3A_143 : i32
        scf.if %cond3A_144 {
          %add3A_145 = arith.constant 2 : i32
          %add3A_146 = arith.addi %scan3A_85, %add3A_145 : i32
          %mul3A_147 = arith.constant 96 : i32
          %mul3A_148 = arith.muli %add3A_146, %mul3A_147 : i32
          %add3A_149 = arith.addi %mul3A_6, %mul3A_148 : i32
          %dma_start3A_150 = arith.constant 1 : i32
          %dma_start3A_151 = arith.constant 0 : i32
          %dma_start3A_152 = tpu.memref_slice %arg5[%dma_start3A_150, %dma_start3A_151] : memref<2x96xi32, #tpu.memory_space<vmem>> -> memref<1x96xi32, #tpu.memory_space<vmem>>
          %dma_start3A_153 = tpu.memref_squeeze %dma_start3A_152 : memref<1x96xi32, #tpu.memory_space<vmem>> -> memref<96xi32, #tpu.memory_space<vmem>>
          %dma_start3A_154 = tpu.memref_slice %arg2[%add3A_149] : memref<614400xi32, #tpu.memory_space<hbm>> -> memref<96xi32, #tpu.memory_space<hbm>>
          %dma_start3A_155 = arith.constant 0 : i32
          %dma_start3A_156 = tpu.memref_slice %arg5[%dma_start3A_150, %dma_start3A_155] : memref<2x96xi32, #tpu.memory_space<vmem>> -> memref<1x96xi32, #tpu.memory_space<vmem>>
          %dma_start3A_157 = tpu.memref_squeeze %dma_start3A_156 : memref<1x96xi32, #tpu.memory_space<vmem>> -> memref<96xi32, #tpu.memory_space<vmem>>
          %dma_start3A_158 = tpu.memref_slice %arg2[%add3A_149] : memref<614400xi32, #tpu.memory_space<hbm>> -> memref<96xi32, #tpu.memory_space<hbm>>
          tpu.enqueue_dma source(%dma_start3A_158 : memref<96xi32, #tpu.memory_space<hbm>>) target(%dma_start3A_157 : memref<96xi32, #tpu.memory_space<vmem>>) target_semaphore(%arg8 : memref<!tpu.dma_semaphore, #tpu.memory_space<semaphore_mem>>)
        } else {
        }
      } else {
      }
    }
    %scan3A_54 = arith.constant 200 : i32
    %dma_wait3A_55 = arith.constant 0 : i32
    %dma_wait3A_56 = arith.constant 0 : i32
    %dma_wait3A_57 = arith.constant 0 : i32
    %dma_wait3A_58 = tpu.memref_slice %arg6[%dma_wait3A_55, %dma_wait3A_56, %dma_wait3A_57] : memref<2x96x512xf32, #tpu.memory_space<vmem>> -> memref<1x32x512xf32, #tpu.memory_space<vmem>>
    %dma_wait3A_59 = tpu.memref_squeeze %dma_wait3A_58 : memref<1x32x512xf32, #tpu.memory_space<vmem>> -> memref<32x512xf32, #tpu.memory_space<vmem>>
    %dma_wait3A_60 = arith.constant 0 : i32
    %dma_wait3A_61 = arith.constant 0 : i32
    %dma_wait3A_62 = tpu.memref_slice %arg4[%dma_wait3A_60, %dma_wait3A_61] : memref<204800x512xf32, #tpu.memory_space<hbm>> -> memref<32x512xf32, #tpu.memory_space<hbm>>
    %dma_wait3A_63 = arith.constant 0 : i32
    %dma_wait3A_64 = arith.constant 0 : i32
    %dma_wait3A_65 = tpu.memref_slice %arg4[%dma_wait3A_63, %dma_wait3A_64] : memref<204800x512xf32, #tpu.memory_space<hbm>> -> memref<32x512xf32, #tpu.memory_space<hbm>>
    %dma_wait3A_66 = arith.constant 0 : i32
    %dma_wait3A_67 = arith.constant 0 : i32
    %dma_wait3A_68 = tpu.memref_slice %arg6[%dma_wait3A_55, %dma_wait3A_66, %dma_wait3A_67] : memref<2x96x512xf32, #tpu.memory_space<vmem>> -> memref<1x32x512xf32, #tpu.memory_space<vmem>>
    %dma_wait3A_69 = tpu.memref_squeeze %dma_wait3A_68 : memref<1x32x512xf32, #tpu.memory_space<vmem>> -> memref<32x512xf32, #tpu.memory_space<vmem>>
    tpu.wait_dma2 semaphore(%arg11 : memref<!tpu.dma_semaphore, #tpu.memory_space<semaphore_mem>>) src(%dma_wait3A_69 : memref<32x512xf32, #tpu.memory_space<vmem>>) dst(%dma_wait3A_65 : memref<32x512xf32, #tpu.memory_space<hbm>>)
    %dma_wait3A_70 = arith.constant 1 : i32
    %dma_wait3A_71 = arith.constant 0 : i32
    %dma_wait3A_72 = arith.constant 0 : i32
    %dma_wait3A_73 = tpu.memref_slice %arg6[%dma_wait3A_70, %dma_wait3A_71, %dma_wait3A_72] : memref<2x96x512xf32, #tpu.memory_space<vmem>> -> memref<1x32x512xf32, #tpu.memory_space<vmem>>
    %dma_wait3A_74 = tpu.memref_squeeze %dma_wait3A_73 : memref<1x32x512xf32, #tpu.memory_space<vmem>> -> memref<32x512xf32, #tpu.memory_space<vmem>>
    %dma_wait3A_75 = arith.constant 0 : i32
    %dma_wait3A_76 = arith.constant 0 : i32
    %dma_wait3A_77 = tpu.memref_slice %arg4[%dma_wait3A_75, %dma_wait3A_76] : memref<204800x512xf32, #tpu.memory_space<hbm>> -> memref<32x512xf32, #tpu.memory_space<hbm>>
    %dma_wait3A_78 = arith.constant 0 : i32
    %dma_wait3A_79 = arith.constant 0 : i32
    %dma_wait3A_80 = tpu.memref_slice %arg4[%dma_wait3A_78, %dma_wait3A_79] : memref<204800x512xf32, #tpu.memory_space<hbm>> -> memref<32x512xf32, #tpu.memory_space<hbm>>
    %dma_wait3A_81 = arith.constant 0 : i32
    %dma_wait3A_82 = arith.constant 0 : i32
    %dma_wait3A_83 = tpu.memref_slice %arg6[%dma_wait3A_70, %dma_wait3A_81, %dma_wait3A_82] : memref<2x96x512xf32, #tpu.memory_space<vmem>> -> memref<1x32x512xf32, #tpu.memory_space<vmem>>
    %dma_wait3A_84 = tpu.memref_squeeze %dma_wait3A_83 : memref<1x32x512xf32, #tpu.memory_space<vmem>> -> memref<32x512xf32, #tpu.memory_space<vmem>>
    tpu.wait_dma2 semaphore(%arg12 : memref<!tpu.dma_semaphore, #tpu.memory_space<semaphore_mem>>) src(%dma_wait3A_84 : memref<32x512xf32, #tpu.memory_space<vmem>>) dst(%dma_wait3A_80 : memref<32x512xf32, #tpu.memory_space<hbm>>)
    return
  }
}

module attributes {stable_mosaic.version = 14 : i64} {
  func.func @_build_table_body(%arg0: memref<128x128xf32, #tpu.memory_space<vmem>>, %arg1: memref<128x128xf32, #tpu.memory_space<vmem>>, %arg2: memref<512x640xf32, #tpu.memory_space<vmem>>, %arg3: memref<1x512xf32, #tpu.memory_space<vmem>>, %arg4: memref<648x512xf32, #tpu.memory_space<vmem>>) attributes {dimension_semantics = [], scalar_prefetch = 0 : i64, scratch_operands = 0 : i64, tpu.core_type = #tpu.core_type<tc>} {
    %get3A = arith.constant 0 : index
    %get3A_0 = arith.constant 0 : index
    %get3A_1 = vector.load %arg0[%get3A, %get3A_0] : memref<128x128xf32, #tpu.memory_space<vmem>>, vector<128x128xf32>
    %get3A_2 = arith.constant 0 : index
    %get3A_3 = arith.constant 0 : index
    %get3A_4 = vector.load %arg1[%get3A_2, %get3A_3] : memref<128x128xf32, #tpu.memory_space<vmem>>, vector<128x128xf32>
    %get3A_5 = arith.constant 0 : index
    %get3A_6 = arith.constant 0 : index
    %get3A_7 = vector.load %arg2[%get3A_5, %get3A_6] : memref<512x640xf32, #tpu.memory_space<vmem>>, vector<512x640xf32>
    %get3A_8 = arith.constant 0 : index
    %get3A_9 = arith.constant 0 : index
    %get3A_10 = vector.load %arg3[%get3A_8, %get3A_9] : memref<1x512xf32, #tpu.memory_space<vmem>>, vector<1x512xf32>
    %slice3A = vector.extract_strided_slice %get3A_7 {offsets = [0, 0], sizes = [512, 128], strides = [1, 1]} : vector<512x640xf32> to vector<512x128xf32>
    %dot_general3A = arith.constant dense<0.000000e+00> : vector<128x512xf32>
    %dot_general3A_11 = tpu.matmul %get3A_1, %slice3A, %dot_general3A {dimension_numbers = #tpu.dot_dimension_numbers<[1], [1], [0], [0], [0, 0, 1, 0], [], []>, transpose_lhs_hint = false} : vector<128x128xf32>, vector<512x128xf32>, vector<128x512xf32> -> vector<128x512xf32>
    %add3A = vector.broadcast %get3A_10 : vector<1x512xf32> to vector<128x512xf32>
    %add3A_12 = arith.addf %dot_general3A_11, %add3A : vector<128x512xf32>
    %slice3A_13 = vector.extract_strided_slice %get3A_7 {offsets = [0, 128], sizes = [512, 128], strides = [1, 1]} : vector<512x640xf32> to vector<512x128xf32>
    %dot_general3A_14 = arith.constant dense<0.000000e+00> : vector<128x512xf32>
    %dot_general3A_15 = tpu.matmul %get3A_4, %slice3A_13, %dot_general3A_14 {dimension_numbers = #tpu.dot_dimension_numbers<[1], [1], [0], [0], [0, 0, 1, 0], [], []>, transpose_lhs_hint = false} : vector<128x128xf32>, vector<512x128xf32>, vector<128x512xf32> -> vector<128x512xf32>
    %slice3A_16 = vector.extract_strided_slice %get3A_7 {offsets = [0, 256], sizes = [512, 128], strides = [1, 1]} : vector<512x640xf32> to vector<512x128xf32>
    %dot_general3A_17 = arith.constant dense<0.000000e+00> : vector<128x512xf32>
    %dot_general3A_18 = tpu.matmul %get3A_4, %slice3A_16, %dot_general3A_17 {dimension_numbers = #tpu.dot_dimension_numbers<[1], [1], [0], [0], [0, 0, 1, 0], [], []>, transpose_lhs_hint = false} : vector<128x128xf32>, vector<512x128xf32>, vector<128x512xf32> -> vector<128x512xf32>
    %slice3A_19 = vector.extract_strided_slice %get3A_7 {offsets = [0, 384], sizes = [512, 128], strides = [1, 1]} : vector<512x640xf32> to vector<512x128xf32>
    %dot_general3A_20 = arith.constant dense<0.000000e+00> : vector<128x512xf32>
    %dot_general3A_21 = tpu.matmul %get3A_4, %slice3A_19, %dot_general3A_20 {dimension_numbers = #tpu.dot_dimension_numbers<[1], [1], [0], [0], [0, 0, 1, 0], [], []>, transpose_lhs_hint = false} : vector<128x128xf32>, vector<512x128xf32>, vector<128x512xf32> -> vector<128x512xf32>
    %slice3A_22 = vector.extract_strided_slice %get3A_7 {offsets = [0, 512], sizes = [512, 128], strides = [1, 1]} : vector<512x640xf32> to vector<512x128xf32>
    %dot_general3A_23 = arith.constant dense<0.000000e+00> : vector<128x512xf32>
    %dot_general3A_24 = tpu.matmul %get3A_4, %slice3A_22, %dot_general3A_23 {dimension_numbers = #tpu.dot_dimension_numbers<[1], [1], [0], [0], [0, 0, 1, 0], [], []>, transpose_lhs_hint = false} : vector<128x128xf32>, vector<512x128xf32>, vector<128x512xf32> -> vector<128x512xf32>
    %broadcast_in_dim3A = arith.constant 0.000000e+00 : f32
    %broadcast_in_dim3A_25 = vector.broadcast %broadcast_in_dim3A : f32 to vector<8x512xf32>
    %concatenate3A = tpu.concatenate %add3A_12, %dot_general3A_15, %dot_general3A_18, %dot_general3A_21, %dot_general3A_24, %broadcast_in_dim3A_25 in 0 : vector<128x512xf32>, vector<128x512xf32>, vector<128x512xf32>, vector<128x512xf32>, vector<128x512xf32>, vector<8x512xf32> -> vector<648x512xf32>
    %swap3A = arith.constant 0 : index
    %swap3A_26 = arith.constant 0 : index
    %swap3A_27 = vector.load %arg4[%swap3A, %swap3A_26] : memref<648x512xf32, #tpu.memory_space<vmem>>, vector<648x512xf32>
    tpu.vector_store %arg4[%swap3A, %swap3A_26], %concatenate3A {strides = array<i32>} : memref<648x512xf32, #tpu.memory_space<vmem>>, vector<648x512xf32>,
    return
  }
}

module attributes {stable_mosaic.version = 14 : i64} {
  func.func @_build_combined_body(%arg0: i32, %arg1: memref<648x512xf32, #tpu.memory_space<vmem>>, %arg2: memref<128x512xf32, #tpu.memory_space<vmem>>) attributes {dimension_semantics = [#tpu.dimension_semantics<arbitrary>], iteration_bounds = array<i64: 257>, scalar_prefetch = 0 : i64, scratch_operands = 0 : i64, tpu.core_type = #tpu.core_type<tc>, window_params = [{pipeline_mode = #tpu.pipeline_mode<synchronous>, transform_indices = @transform_0, window_bounds = array<i64: 648, 512>}, {transform_indices = @transform_1, window_bounds = array<i64: 128, 512>}]} {
    %ge3A = arith.constant 1 : i32
    %ge3A_0 = arith.cmpi sge, %arg0, %ge3A : i32
    %le3A = arith.constant 128 : i32
    %le3A_1 = arith.cmpi sle, %arg0, %le3A : i32
    %and3A = arith.andi %ge3A_0, %le3A_1 : i1
    %eq3A = arith.constant 0 : i32
    %eq3A_2 = arith.cmpi eq, %arg0, %eq3A : i32
    %sub3A = arith.constant 1 : i32
    %sub3A_3 = arith.subi %arg0, %sub3A : i32
    %add3A = arith.constant 128 : i32
    %add3A_4 = arith.addi %add3A, %sub3A_3 : i32
    %sub3A_5 = arith.constant 1 : i32
    %sub3A_6 = arith.subi %arg0, %sub3A_5 : i32
    %sub3A_7 = arith.constant 128 : i32
    %sub3A_8 = arith.subi %sub3A_6, %sub3A_7 : i32
    %add3A_9 = arith.constant 384 : i32
    %add3A_10 = arith.addi %add3A_9, %sub3A_8 : i32
    %select_n3A = arith.select %and3A, %add3A_4, %add3A_10 : i32
    %jit3A = arith.constant 640 : i32
    %select_n3A_11 = arith.select %eq3A_2, %jit3A, %select_n3A : i32
    %eq3A_12 = arith.constant 0 : i32
    %eq3A_13 = arith.cmpi eq, %arg0, %eq3A_12 : i32
    %jit3A_14 = arith.constant 256 : i32
    %jit3A_15 = arith.constant 512 : i32
    %select_n3A_16 = arith.select %and3A, %jit3A_14, %jit3A_15 : i32
    %jit3A_17 = arith.constant 0 : i32
    %select_n3A_18 = arith.select %eq3A_13, %jit3A_17, %select_n3A_16 : i32
    %get3A = arith.index_cast %select_n3A_11 : i32 to index
    %get3A_19 = arith.constant 0 : index
    %get3A_20 = vector.load %arg1[%get3A, %get3A_19] : memref<648x512xf32, #tpu.memory_space<vmem>>, vector<1x512xf32>
    %get3A_21 = arith.index_cast %select_n3A_18 : i32 to index
    %get3A_22 = arith.constant 0 : index
    %get3A_23 = vector.load %arg1[%get3A_21, %get3A_22] : memref<648x512xf32, #tpu.memory_space<vmem>>, vector<128x512xf32>
    %add3A_24 = vector.broadcast %get3A_20 : vector<1x512xf32> to vector<128x512xf32>
    %add3A_25 = arith.addf %add3A_24, %get3A_23 : vector<128x512xf32>
    %swap3A = arith.constant 0 : index
    %swap3A_26 = arith.constant 0 : index
    %swap3A_27 = vector.load %arg2[%swap3A, %swap3A_26] : memref<128x512xf32, #tpu.memory_space<vmem>>, vector<128x512xf32>
    tpu.vector_store %arg2[%swap3A, %swap3A_26], %add3A_25 {strides = array<i32>} : memref<128x512xf32, #tpu.memory_space<vmem>>, vector<128x512xf32>,
    return
  }
  func.func @transform_0(%arg0: i32) -> (i32, i32) {
    %c0_i32 = arith.constant 0 : i32
    %c0_i32_0 = arith.constant 0 : i32
    %c0_i32_1 = arith.constant 0 : i32
    return %c0_i32, %c0_i32_0 : i32, i32
  }
  func.func @transform_1(%arg0: i32) -> (i32, i32) {
    %c0_i32 = arith.constant 0 : i32
    %c0_i32_0 = arith.constant 0 : i32
    return %arg0, %c0_i32 : i32, i32
  }
}

</mosaic_0001>

<sc_bundles>
// kernel: kernel.5.cloned.1.call-start
scs
__scs_entry_jumppad:
0x0: {  	(pc) =	sbr.rel $0x88, $3  }
0x1: {  	(tag) =	ssettag $0x0;
	lr =	simm.s32 $0x1  }
0x2: {  	[smem:$0x3F9B] =	sst lr;
	_ =	strace $0xD0000000  }
0x3: {  	_ = 	snop  }
0x4: {  	_ = 	snop  }
0x5: {  	_ = 	snop  }
0x6: {  	_ = 	snop  }
0x7: {  	_ = 	snop  }
__scs_overlays_trampoline_lowered:
0x8: {  	[smem:$0x3FAA] =	sst s0  }
0x9: {  	[smem:$0x3FAB] =	sst s1  }
0xa: {  	[smem:$0x3FAC] =	sst s2  }
0xb: {  	[smem:$0x3FAD] =	sst s3  }
0xc: {  	[smem:$0x3FAE] =	sst s4  }
0xd: {  	[smem:$0x3FAF] =	sst s5  }
0xe: {  	[smem:$0x3FB0] =	sst s6  }
0xf: {  	[smem:$0x3FB1] =	sst s7  }
0x10: {  	[smem:$0x3FB2] =	sst s8  }
0x11: {  	[smem:$0x3FB3] =	sst s9;
	s0 =	simm.s32 @!p0 $0x0  }
0x12: {  	s1 =	sld [smem:$0x3F99];
	s0 =	simm.s32 @p0 $0x1  }
0x13: {  	[smem:$0x3FB4] =	sst s0;
	s0 =	simm.s32 @!p1 $0x0  }
0x14: {  	s2 =	sld [smem:$0x3F98];
	s0 =	simm.s32 @p1 $0x1  }
0x15: {  	[smem:$0x3FB5] =	sst s0;
	s0 =	simm.s32 @!p2 $0x0  }
0x16: {  	s3 =	sld [smem:$0x3FDB];
	s0 =	simm.s32 @p2 $0x1  }
0x17: {  	s4 =	simm.s32 $0x1BF5;
	[smem:$0x3FB7] =	sst s0  }
0x18: {  	s0 =	sld [smem:$0x3F9A];
	_ =	swait.ge [sflag:s4], $0x0  }
0x19: {  	s7 =	sld [smem:$0x3F9B]  }
0x1a: {  	s8 =	sadd.s32 $0xFFFFE003, lr  }
0x1b: {  	s9 =	sadd.s32 $0xFFFFFEF7, lr;
	s5 =	simm.s32 $0xFFFFFFFF;
	p2 =	slt.u32 s8, $0xFFFFF086  }
0x1c: {  	p1 =	slt.u32 s9, $0xF7A;
	s5 =	simm.s32 @!p2 $0x0  }
0x1d: {  	s5 =	simm.s32 @p1 $0x1;
	p0 =	seq.s32 s7, s2  }
0x1e: {  	s7 =	smul.u32 @!p0 $0xF7A, s2;
	p2 =	seq.s32 @!p0 s5, $0x0  }
0x1f: {  	s9 =	smul.u32 $0xF7A, s1;
	s8 =	simm.s32 @!p0 $0x1BF5;
	p2 =	por !p2, p0  }
0x20: {  	[sflag:s8] =	ssyncset.s32 @!p0 $0xFFFFF086;
	s6 =	sadd.s32 @!p0 s3, s7;
	s7 =	simm.s32 @!p0 $0x108  }
0x21: {  	s3 =	sadd.s32 s3, s9;
	s6 =	sadd.s32 @!p0 $0x88, s6;
	s7 =	simm.s32 @p2 $0x1082  }
0x22: {  	[simem:s7], [sflag:s8] =	dma.local @!p0 [hbm:s6], $0xF7A  }
0x23: {  	s9 =	sor.u32 $0xD0000000, s2;
	s6 =	simm.s32 $0x108;
	_ =	swait.ge @!p0 [sflag:s8], $0x0  }
0x24: {  	s3 =	sadd.s32 $0x88, s3;
	s6 =	simm.s32 @!p1 $0x1082;
	[sflag:s4] =	ssyncset.s32 $0xFFFFF086  }
0x25: {  	[simem:s6], [sflag:s4] =	dma.local [hbm:s3], $0xF7A  }
0x26: {  	[smem:$0x3F9B] =	sst s1;
	(tag) =	ssettag s2;
	_ =	strace s9  }
0x27: {  	s1 =	sld [smem:$0x3FAB]  }
0x28: {  	s2 =	sld [smem:$0x3FAC]  }
0x29: {  	s4 =	sld [smem:$0x3FAE]  }
0x2a: {  	p0 =	seq.s32 s5, $0x0;
	s5 =	sld [smem:$0x3FAF]  }
0x2b: {  	s6 =	sld [smem:$0x3FB0]  }
0x2c: {  	s7 =	sld [smem:$0x3FB1]  }
0x2d: {  	s3 =	simm.s32 $0x108;
	s8 =	sld [smem:$0x3FB2]  }
0x2e: {  	s3 =	simm.s32 @!p0 $0x1082;
	s9 =	sld [smem:$0x3FB3]  }
0x2f: {  	lr =	sadd.s32 s0, s3;
	s0 =	sld [smem:$0x3FAA]  }
0x30: {  	s3 =	sld [smem:$0x3FAD]  }
0x31: {  	[smem:$0x3FB6] =	sst s10  }
0x32: {  	s10 =	sld [smem:$0x3FB4];
	_ =	sdelay $0x3  }
0x33: {  	p0 =	seq.s32 s10, $0x1;
	s10 =	sld [smem:$0x3FB6];
	_ =	sdelay $0x3  }
0x34: {  	[smem:$0x3FB6] =	sst s10  }
0x35: {  	s10 =	sld [smem:$0x3FB5];
	_ =	sdelay $0x3  }
0x36: {  	p1 =	seq.s32 s10, $0x1;
	s10 =	sld [smem:$0x3FB6];
	_ =	sdelay $0x3  }
0x37: {  	[smem:$0x3FB6] =	sst s10  }
0x38: {  	s10 =	sld [smem:$0x3FB7]  }
0x39: {  	_ = 	snop;
	(pc) =	sbr.ind lr, $3  }
0x3a: {  	_ = 	snop  }
0x3b: {  	_ = 	snop  }
0x3c: {  	p2 =	seq.s32 s10, $0x1;
	s10 =	sld [smem:$0x3FB6]  }
0x3d: {  	_ =	shalt  }
0x3e: {  	_ =	shalt  }
0x3f: {  	_ =	shalt  }
0x40: {  	_ =	shalt  }
0x41: {  	_ =	shalt  }
0x42: {  	_ =	shalt  }
0x43: {  	_ =	shalt  }
0x44: {  	_ =	shalt  }
0x45: {  	_ =	shalt  }
0x46: {  	_ =	shalt  }
0x47: {  	_ =	shalt  }
0x48: {  	_ =	shalt  }
0x49: {  	_ =	shalt  }
0x4a: {  	_ =	shalt  }
0x4b: {  	_ =	shalt  }
0x4c: {  	_ =	shalt  }
0x4d: {  	_ =	shalt  }
0x4e: {  	_ =	shalt  }
0x4f: {  	_ =	shalt  }
0x50: {  	_ =	shalt  }
0x51: {  	_ =	shalt  }
0x52: {  	_ =	shalt  }
0x53: {  	_ =	shalt  }
0x54: {  	_ =	shalt  }
0x55: {  	_ =	shalt  }
0x56: {  	_ =	shalt  }
0x57: {  	_ =	shalt  }
0x58: {  	_ =	shalt  }
0x59: {  	_ =	shalt  }
0x5a: {  	_ =	shalt  }
0x5b: {  	_ =	shalt  }
0x5c: {  	_ =	shalt  }
0x5d: {  	_ =	shalt  }
0x5e: {  	_ =	shalt  }
0x5f: {  	_ =	shalt  }
0x60: {  	_ =	shalt  }
0x61: {  	_ =	shalt  }
0x62: {  	_ =	shalt  }
0x63: {  	_ =	shalt  }
0x64: {  	_ =	shalt  }
0x65: {  	_ =	shalt  }
0x66: {  	_ =	shalt  }
0x67: {  	_ =	shalt  }
0x68: {  	_ =	shalt  }
0x69: {  	_ =	shalt  }
0x6a: {  	_ =	shalt  }
0x6b: {  	_ =	shalt  }
0x6c: {  	_ =	shalt  }
0x6d: {  	_ =	shalt  }
0x6e: {  	_ =	shalt  }
0x6f: {  	_ =	shalt  }
0x70: {  	_ =	shalt  }
0x71: {  	_ =	shalt  }
0x72: {  	_ =	shalt  }
0x73: {  	_ =	shalt  }
0x74: {  	_ =	shalt  }
0x75: {  	_ =	shalt  }
0x76: {  	_ =	shalt  }
0x77: {  	_ =	shalt  }
0x78: {  	_ =	shalt  }
0x79: {  	_ =	shalt  }
0x7a: {  	_ =	shalt  }
0x7b: {  	_ =	shalt  }
0x7c: {  	_ =	shalt  }
0x7d: {  	_ =	shalt  }
0x7e: {  	_ =	shalt  }
0x7f: {  	_ =	shalt  }
0x80: {  	_ =	shalt  }
0x81: {  	_ =	shalt  }
0x82: {  	_ =	shalt  }
0x83: {  	_ =	shalt  }
0x84: {  	_ =	shalt  }
0x85: {  	_ =	shalt  }
0x86: {  	_ =	shalt  }
0x87: {  	_ =	shalt  }
.Lfunc_end0:
.L_simem_size_0:
called_computation_lowered:
.L_overlay_start_0:
0x88: {  	s2 =	sld [smem:$0x3FD9]  }
0x89: {  	s3 =	sld [smem:$0x3FFE];
	_ =	sdelay $0x1  }
0x8a: {  	s1 =	srdreg.scid  }
0x8b: {  	s0 =	sand.u32 $0x1, s1  }
0x8c: {  	s17 =	sshll.u32 s0, $0xA;
	s2 =	sadd.s32 s3, s2  }
0x8d: {  	s2 =	sadd.s32 s2, s17  }
0x8e: {  	[smem:$0x3FC2] =	sst s2  }
0x8f: {  	_ = 	snop  }
0x90: {  	s2 =	sld [smem:$0x3FD0];
	(tm) =	ssettm $0x1  }
0x91: {  	s18 =	sld [smem:$0x3FFB];
	_ =	sdelay $0x3  }
0x92: {  	_ =	strace s18  }
0x93: {  	s3 =	sld [smem:$0x3FFC];
	_ =	sdelay $0x3  }
0x94: {  	_ =	strace s3  }
0x95: {  	s3 =	sld [smem:$0x3FFD];
	_ =	sdelay $0x3  }
0x96: {  	_ =	strace s3  }
0x97: {  	_ =	strace $0x8FFFFFFF  }
0x98: {  	s19 =	sld [smem:$0x3FDB];
	_ =	sdelay $0x1  }
0x99: {  	s4 =	simm.s32 $_scs_section_size  }
0x9a: {  	s5 =	simm.s32 $_size__tile_overlayer_lowered;
	s6 =	simm.s32 $_tile_overlayer_lowered  }
0x9b: {  	s22 =	simm.s32 $0x1BFF;
	s21 =	sshll.u32 s6, $0x1;
	s3 =	sadd.s32 s4, s19  }
0x9c: {  	s7 =	simm.s32 $0x0;
	s20 =	sshll.u32 s5, $0x1;
	s5 =	sadd.s32 s21, s3  }
0x9d: {  	[timem:s7], [sflag:s22] =	dma.local [hbm:s5], s20  }
0x9e: {  	_ =	swait.ge [sflag:s22], s20  }
0x9f: {  	s4 =	ssub.s32 $0x0, s20;
	[sflag:s22] =	ssyncset.done $0x0  }
0xa0: {  	[sflag:s22] =	ssyncadd.s32 s4;
	_ =	sdelay $0x1  }
0xa1: {  	s23 =	simm.s32 $0x1B8B  }
0xa2: {  	_ =	swait.ge [sflag:s23], $0x1  }
0xa3: {  	[sflag:s23] =	ssyncset.done $0x0  }
0xa4: {  	s25 =	simm.s32 $0x1B8E;
	s24 =	sld [smem:$0x3FFE];
	[sflag:s23] =	ssyncadd.s32 $0xFFFFFFFF  }
0xa5: {  	s26 =	simm.s32 $execute0_lowered;
	[smem:$0x3FD2] =	sst s25  }
0xa6: {  	s5 =	sshll.u32 s26, $0x1;
	_ =	strace $0x80000046;
	[dreg:$0x1] =	wrdreg $0xFFFFFFFF  }
0xa7: {  	s28 =	simm.s32 $_size_execute0_lowered;
	s3 =	sadd.s32 s3, s5;
	[dreg:$0x0] =	wrdreg $0x0  }
0xa8: {  	s5 =	sshll.u32 s28, $0x1;
	[dreg:$0x2] =	wrdreg s3  }
0xa9: {  	[dreg:$0x3] =	wrdreg s5  }
0xaa: {  	[dreg:$0x4] =	wrdreg $0xC0  }
0xab: {  	_ =	task [dreg:s7], $0x5FFFF  }
0xac: {  	[dreg:$0x1] =	wrdreg $0xFFFFFFFF  }
0xad: {  	[dreg:$0x0] =	wrdreg $0x60  }
0xae: {  	[dreg:$0x2] =	wrdreg s24  }
0xaf: {  	[dreg:$0x3] =	wrdreg s2  }
0xb0: {  	[dreg:$0x4] =	wrdreg $0x9  }
0xb1: {  	_ =	task.clear_ibuf [dreg:s7], $0x5FFFF;
	_ =	strace $0x90000046  }
0xb2: {  	s29 =	simm.s32 $0x9;
	_ =	strace $0x80000048  }
0xb3: {  	_ =	swait.ge [sflag:s29], $0x1  }
0xb4: {  	[sflag:s29] =	ssyncadd.s32 $0xFFFFFFFF  }
0xb5: {  	_ =	strace $0x90000048  }
0xb6: {  	_ =	sfence  }
0xb7: {  	s30 =	sld [smem:$0x0];
	_ =	sdelay $0x2  }
0xb8: {  	s31 =	sshll.u32 s1, $0xD;
	s1 =	sshrl.u32 s1, $0x2  }
0xb9: {  	s3 =	sand.u32 $0x4000, s31;
	s1 =	sadd.s32 s1, s30  }
0xba: {  	s0 =	sor.u32 s3, s0;
	s1 =	sshll.u32 s1, $0x11  }
0xbb: {  	s0 =	sor.u32 s1, s0  }
0xbc: {  	s0 =	sadd.s32 $0x8F2B, s0  }
0xbd: {  	[sflag:s0] =	ssyncadd.remote.s32 $0x1  }
0xbe: {  	_ =	sfence.sel $0xFFFF  }
0xbf: {  	[dreg:$0x0] =	wrdreg $0xFFFFFFFF;
	(pc) =	sbr.abs _section_cstart, $3  }
0xc0: {  	[dreg:$0x1] =	wrdreg $0xFFFFFFFF  }
0xc1: {  	_ =	task.clear_ibuf [dreg:s7], $0x2FFFF;
	_ =	strace $0x9FFFFFFF  }
0xc2: {  	(tm) =	ssettm $0x7FFFFFFF  }
0xc3: {  	_ =	shalt  }
tec
execute0_lowered:
.L_overlay_start_1:
0x0: {  	(tag) =	ssettag $0x1  }
0x1: {  	s0 =	rddreg [dreg:$0x0]  }
0x2: {  	s1 =	srdreg.scid;
	s3 =	stileid.u32  }
0x3: {  	s2 =	rddreg [dreg:$0x1];
	s13 =	simm.s32 $0x100;
	s19 =	simm.s32 $0x4  }
0x4: {  	s20 =	simm.s32 $0x6;
	s21 =	simm.s32 $0xC100;
	s23 =	simm.s32 $0x3  }
0x5: {  	s24 =	simm.s32 $0x2;
	s18 =	simm.s32 $0x12900;
	s11 =	simm.s32 $0x13900  }
0x6: {  	s12 =	simm.s32 $0x14900;
	s22 =	simm.s32 $0x15100;
	s25 =	simm.s32 $0x15900  }
0x7: {  	s28 =	simm.s32 $0x16900;
	s29 =	simm.s32 $0x17100;
	s30 =	simm.s32 $0x17900  }
0x8: {  	s1 =	sand.u32 $0x1, s1;
	s4 =	sshll.u32 s3, $0x1;
	s3 =	simm.s32 $0x0  }
0x9: {  	s5 =	sadd.s32 $0x13200, s0;
	s6 =	sor.u32 s1, s4;
	s1 =	ssub.s32 $0x2, s1  }
0xa: {  	[smem:$0x7FF] =	sst s3;
	s8 =	smul.u32 $0x4B00, s6;
	s7 =	sshrl.u32 s1, $0x1  }
0xb: {  	s4 =	sadd.s32 $0x600, s0;
	_ =	strace $0x80000047;
	s1 =	ssub.s32 s1, s7  }
.Ltmp0:
0xc: {  	s7 =	sadd.s32 $0x13300, s0;
	s9 =	sshrl.u32 s8, $0x3;
	(pc) =	sbr.rel .LBB2_1-.Ltmp0, $4  }
0xd: {  	s10 =	sor.u32 $0xC0, s8;
	s31 =	smax.u32 s1, $0x1;
	s8 =	simm.s32 $0x13100  }
0xe: {  	v2 =	vlaneseq.u32;
	s1 =	simm.s32 $0x0;
	s9 =	sadd.s32 s4, s9;
	[dreg:$0x5] =	wrdreg s31  }
0xf: {  	vm0 =	vmmov $0xffff;
	v1 =	vshrl.u32 v2, $0x3;
	[dreg:$0x3] =	wrdreg s9;
	s26 =	sadd.s32 $0xC, s9;
	s9 =	smul.u32 $0x320000, s6  }
0x10: {  	v0 =	vand.u32 $0x7, v2;
	v2 =	vor.u32 $0x8, v2;
	v1 =	vmul.u32 $0x8, v1;
	s6 =	simm.s32 $0x14100;
	[dreg:$0x4] =	wrdreg s26;
	s26 =	simm.s32 $0x16100  }
.LBB2_10:
0x11: {  	s0 =	simm.s32 $0x5  }
0x12: {  	_ =	swait.ge [sflag:s0], $0x4000  }
0x13: {  	[sflag:s0] =	ssyncset.done $0x0  }
0x14: {  	[sflag:s0] =	ssyncadd.s32 $0xFFFFC000  }
0x15: {  	_ =	swait.ge [sflag:s20], $0x4000  }
0x16: {  	s1 =	rddreg [dreg:$0x6]  }
0x17: {  	s31 =	rddreg [dreg:$0x5];
	s1 =	sadd.s32 $0x1, s1  }
0x18: {  	p0 =	sne.s32 s1, s31  }
.Ltmp1:
0x19: {  	_ = 	snop;
	(pc) =	sbr.rel @!p0 .LBB2_11-.Ltmp1, $3  }
0x1a: {  	_ =	sdelay $0x1  }
0x1b: {  	[sflag:s20] =	ssyncset.done $0x0  }
0x1c: {  	[sflag:s20] =	ssyncadd.s32 $0xFFFFC000  }
.LBB2_1:
0x1d: {  	[dreg:$0x6] =	wrdreg s1  }
0x1e: {  	s0 =	rddreg [dreg:$0x3];
	s17 =	simm.s32 $0x1  }
0x1f: {  	[tilespmem:s3], [sflag:$0x1] =	stream.linear.gather [hbm4b:s0+s3], $0x60, $0x38;
	[tilespmem:$0x18100] =	vst v63  }
0x20: {  	_ =	swait.ge [sflag:s17], $0x60  }
0x21: {  	[sflag:s17] =	ssyncset.done $0x0  }
0x22: {  	[sflag:s17] =	ssyncadd.s32 $0xFFFFFFA0  }
0x23: {  	v3 =	vld [tilespmem:$0x0];
	_ =	sdelay $0x4  }
0x24: {  	v4 =	vshll.u32 v3, $0x2  }
0x25: {  	v3 =	vand.u32 $0x7, v3;
	v4 =	vand.u32 $0xFFFFFFE0, v4  }
0x26: {  	v3 =	vor.u32 v3, v4  }
0x27: {  	v4 =	vperm.xlane v3, v0;
	_ =	sdelay $0x1  }
0x28: {  	v4 =	vadd.s32 v1, v4;
	_ =	sdelay $0x1  }
0x29: {  	v3 =	vperm.xlane v3, v2;
	_ =	sdelay $0x1  }
0x2a: {  	v3 =	vadd.s32 v1, v3  }
0x2b: {  	[tilespmem:s13], [sflag:$0x3] =	stream.indirect_vreg.gather [hbm4b:s5+s3], $0x80, v4, vm0, $0xb8;
	[tilespmem:$0x18100] =	vst v63  }
0x2c: {  	s1 =	simm.s32 $0x900  }
0x2d: {  	[tilespmem:s1], [sflag:$0x3] =	stream.indirect_vreg.gather [hbm4b:s7+s3], $0x80, v4, vm0, $0xb8;
	[tilespmem:$0x18100] =	vst v63  }
0x2e: {  	s14 =	simm.s32 $0x1100  }
0x2f: {  	[tilespmem:s14], [sflag:$0x3] =	stream.indirect_vreg.gather [hbm4b:s5+s3], $0x80, v3, vm0, $0xb8;
	[tilespmem:$0x18100] =	vst v63  }
0x30: {  	s15 =	simm.s32 $0x1900  }
0x31: {  	[tilespmem:s15], [sflag:$0x3] =	stream.indirect_vreg.gather [hbm4b:s7+s3], $0x80, v3, vm0, $0xb8;
	[tilespmem:$0x18100] =	vst v63  }
0x32: {  	v3 =	vld [tilespmem:$0x10];
	_ =	sdelay $0x4  }
0x33: {  	v59 =	vshll.u32 v3, $0x2  }
0x34: {  	v3 =	vand.u32 $0x7, v3;
	v4 =	vand.u32 $0xFFFFFFE0, v59  }
0x35: {  	v3 =	vor.u32 v3, v4  }
0x36: {  	v4 =	vperm.xlane v3, v0;
	_ =	sdelay $0x1  }
0x37: {  	v4 =	vadd.s32 v1, v4;
	_ =	sdelay $0x1  }
0x38: {  	v3 =	vperm.xlane v3, v2;
	_ =	sdelay $0x1  }
0x39: {  	s16 =	simm.s32 $0x2100;
	v3 =	vadd.s32 v1, v3  }
0x3a: {  	[tilespmem:s16], [sflag:$0x3] =	stream.indirect_vreg.gather [hbm4b:s5+s3], $0x80, v4, vm0, $0xb8;
	[tilespmem:$0x18100] =	vst v63  }
0x3b: {  	s17 =	simm.s32 $0x2900  }
0x3c: {  	[tilespmem:s17], [sflag:$0x3] =	stream.indirect_vreg.gather [hbm4b:s7+s3], $0x80, v4, vm0, $0xb8;
	[tilespmem:$0x18100] =	vst v63  }
0x3d: {  	s1 =	simm.s32 $0x3100  }
0x3e: {  	[tilespmem:s1], [sflag:$0x3] =	stream.indirect_vreg.gather [hbm4b:s5+s3], $0x80, v3, vm0, $0xb8;
	[tilespmem:$0x18100] =	vst v63  }
0x3f: {  	s14 =	simm.s32 $0x3900  }
0x40: {  	[tilespmem:s14], [sflag:$0x3] =	stream.indirect_vreg.gather [hbm4b:s7+s3], $0x80, v3, vm0, $0xb8;
	[tilespmem:$0x18100] =	vst v63  }
0x41: {  	v3 =	vld [tilespmem:$0x20];
	_ =	sdelay $0x4  }
0x42: {  	v60 =	vshll.u32 v3, $0x2  }
0x43: {  	v3 =	vand.u32 $0x7, v3;
	v4 =	vand.u32 $0xFFFFFFE0, v60  }
0x44: {  	v3 =	vor.u32 v3, v4  }
0x45: {  	v4 =	vperm.xlane v3, v0;
	_ =	sdelay $0x1  }
0x46: {  	v4 =	vadd.s32 v1, v4;
	_ =	sdelay $0x1  }
0x47: {  	v3 =	vperm.xlane v3, v2;
	_ =	sdelay $0x1  }
0x48: {  	s15 =	simm.s32 $0x4100;
	v3 =	vadd.s32 v1, v3  }
0x49: {  	[tilespmem:s15], [sflag:$0x3] =	stream.indirect_vreg.gather [hbm4b:s5+s3], $0x80, v4, vm0, $0xb8;
	[tilespmem:$0x18100] =	vst v63  }
0x4a: {  	s16 =	simm.s32 $0x4900  }
0x4b: {  	[tilespmem:s16], [sflag:$0x3] =	stream.indirect_vreg.gather [hbm4b:s7+s3], $0x80, v4, vm0, $0xb8;
	[tilespmem:$0x18100] =	vst v63  }
0x4c: {  	s17 =	simm.s32 $0x5100  }
0x4d: {  	[tilespmem:s17], [sflag:$0x3] =	stream.indirect_vreg.gather [hbm4b:s5+s3], $0x80, v3, vm0, $0xb8;
	[tilespmem:$0x18100] =	vst v63  }
0x4e: {  	s1 =	simm.s32 $0x5900  }
0x4f: {  	[tilespmem:s1], [sflag:$0x3] =	stream.indirect_vreg.gather [hbm4b:s7+s3], $0x80, v3, vm0, $0xb8;
	[tilespmem:$0x18100] =	vst v63  }
0x50: {  	v3 =	vld [tilespmem:$0x30];
	_ =	sdelay $0x4  }
0x51: {  	v61 =	vshll.u32 v3, $0x2  }
0x52: {  	v3 =	vand.u32 $0x7, v3;
	v4 =	vand.u32 $0xFFFFFFE0, v61  }
0x53: {  	v3 =	vor.u32 v3, v4  }
0x54: {  	v4 =	vperm.xlane v3, v0;
	_ =	sdelay $0x1  }
0x55: {  	v4 =	vadd.s32 v1, v4;
	_ =	sdelay $0x1  }
0x56: {  	v3 =	vperm.xlane v3, v2;
	_ =	sdelay $0x1  }
0x57: {  	s14 =	simm.s32 $0x6100;
	v3 =	vadd.s32 v1, v3  }
0x58: {  	[tilespmem:s14], [sflag:$0x3] =	stream.indirect_vreg.gather [hbm4b:s5+s3], $0x80, v4, vm0, $0xb8;
	[tilespmem:$0x18100] =	vst v63  }
0x59: {  	s15 =	simm.s32 $0x6900  }
0x5a: {  	[tilespmem:s15], [sflag:$0x3] =	stream.indirect_vreg.gather [hbm4b:s7+s3], $0x80, v4, vm0, $0xb8;
	[tilespmem:$0x18100] =	vst v63  }
0x5b: {  	s16 =	simm.s32 $0x7100  }
0x5c: {  	[tilespmem:s16], [sflag:$0x3] =	stream.indirect_vreg.gather [hbm4b:s5+s3], $0x80, v3, vm0, $0xb8;
	[tilespmem:$0x18100] =	vst v63  }
0x5d: {  	s17 =	simm.s32 $0x7900  }
0x5e: {  	[tilespmem:s17], [sflag:$0x3] =	stream.indirect_vreg.gather [hbm4b:s7+s3], $0x80, v3, vm0, $0xb8;
	[tilespmem:$0x18100] =	vst v63  }
0x5f: {  	v3 =	vld [tilespmem:$0x40];
	_ =	sdelay $0x4  }
0x60: {  	v62 =	vshll.u32 v3, $0x2  }
0x61: {  	v3 =	vand.u32 $0x7, v3;
	v4 =	vand.u32 $0xFFFFFFE0, v62  }
0x62: {  	v3 =	vor.u32 v3, v4  }
0x63: {  	v4 =	vperm.xlane v3, v0;
	_ =	sdelay $0x1  }
0x64: {  	v4 =	vadd.s32 v1, v4;
	_ =	sdelay $0x1  }
0x65: {  	v3 =	vperm.xlane v3, v2;
	_ =	sdelay $0x1  }
0x66: {  	s1 =	simm.s32 $0x8100;
	v3 =	vadd.s32 v1, v3  }
0x67: {  	[tilespmem:s1], [sflag:$0x3] =	stream.indirect_vreg.gather [hbm4b:s5+s3], $0x80, v4, vm0, $0xb8;
	[tilespmem:$0x18100] =	vst v63  }
0x68: {  	s14 =	simm.s32 $0x8900  }
0x69: {  	[tilespmem:s14], [sflag:$0x3] =	stream.indirect_vreg.gather [hbm4b:s7+s3], $0x80, v4, vm0, $0xb8;
	[tilespmem:$0x18100] =	vst v63  }
0x6a: {  	s15 =	simm.s32 $0x9100  }
0x6b: {  	[tilespmem:s15], [sflag:$0x3] =	stream.indirect_vreg.gather [hbm4b:s5+s3], $0x80, v3, vm0, $0xb8;
	[tilespmem:$0x18100] =	vst v63  }
0x6c: {  	s16 =	simm.s32 $0x9900  }
0x6d: {  	[tilespmem:s16], [sflag:$0x3] =	stream.indirect_vreg.gather [hbm4b:s7+s3], $0x80, v3, vm0, $0xb8;
	[tilespmem:$0x18100] =	vst v63  }
0x6e: {  	v3 =	vld [tilespmem:$0x50];
	_ =	sdelay $0x4  }
0x6f: {  	v63 =	vshll.u32 v3, $0x2  }
0x70: {  	v3 =	vand.u32 $0x7, v3;
	v4 =	vand.u32 $0xFFFFFFE0, v63  }
0x71: {  	v3 =	vor.u32 v3, v4  }
0x72: {  	v4 =	vperm.xlane v3, v0;
	_ =	sdelay $0x1  }
0x73: {  	v4 =	vadd.s32 v1, v4;
	_ =	sdelay $0x1  }
0x74: {  	v3 =	vperm.xlane v3, v2;
	_ =	sdelay $0x1  }
0x75: {  	s17 =	simm.s32 $0xA100;
	v3 =	vadd.s32 v1, v3  }
0x76: {  	[tilespmem:s17], [sflag:$0x3] =	stream.indirect_vreg.gather [hbm4b:s5+s3], $0x80, v4, vm0, $0xb8;
	[tilespmem:$0x18100] =	vst v63  }
0x77: {  	s1 =	simm.s32 $0xA900  }
0x78: {  	[tilespmem:s1], [sflag:$0x3] =	stream.indirect_vreg.gather [hbm4b:s7+s3], $0x80, v4, vm0, $0xb8;
	[tilespmem:$0x18100] =	vst v63  }
0x79: {  	s14 =	simm.s32 $0xB100  }
0x7a: {  	[tilespmem:s14], [sflag:$0x3] =	stream.indirect_vreg.gather [hbm4b:s5+s3], $0x80, v3, vm0, $0xb8;
	[tilespmem:$0x18100] =	vst v63  }
.Ltmp2:
0x7b: {  	_ = 	snop;
	(pc) =	sbr.rel .LBB2_2-.Ltmp2, $4  }
0x7c: {  	s15 =	simm.s32 $0xB900  }
0x7d: {  	[tilespmem:s15], [sflag:$0x3] =	stream.indirect_vreg.gather [hbm4b:s7+s3], $0x80, v3, vm0, $0xb8;
	[tilespmem:$0x18100] =	vst v63  }
0x7e: {  	s31 =	simm.s32 $0x0;
	s16 =	rddreg [dreg:$0x4];
	s17 =	simm.s32 $0x80  }
0x7f: {  	[tilespmem:s17], [sflag:$0x2] =	stream.linear.gather [hbm4b:s16+s3], $0x60, $0x38;
	[tilespmem:$0x18100] =	vst v63  }
.LBB2_5:
0x80: {  	s0 =	sshll.u32 s31, $0xE  }
0x81: {  	s0 =	sadd.s32 s9, s0  }
0x82: {  	p0 =	sgt.u32 s31, $0xC5;
	s0 =	sshrl.u32 s0, $0x3  }
0x83: {  	s1 =	smul.u32 @!p0 $0x60, s31;
	s0 =	sadd.s32 s2, s0  }
0x84: {  	[hbm4b:s0+s3] =	stream.linear.scatter [tilespmem:s13], [sflag:$0x5], $0x4000, $0x38;
	[tilespmem:$0x18100] =	vst v63  }
0x85: {  	s0 =	sadd.s32 @!p0 s1, s10  }
0x86: {  	s0 =	sshrl.u32 @!p0 s0, $0x3  }
0x87: {  	s1 =	simm.s32 @!p0 $0x0;
	s0 =	sadd.s32 @!p0 s4, s0  }
0x88: {  	[tilespmem:s1], [sflag:$0x1] =	stream.linear.gather @!p0 [hbm4b:s0+s1], $0x60, $0x38;
	[tilespmem:$0x18100] =	vst v63  }
.LBB2_9:
0x89: {  	s31 =	sadd.s32 $0x1, s31  }
0x8a: {  	p0 =	sne.s32 s31, $0xC8  }
.Ltmp3:
0x8b: {  	_ = 	snop;
	(pc) =	sbr.rel @!p0 .LBB2_10-.Ltmp3, $1  }
0x8c: {  	_ =	sdelay $0x3  }
.LBB2_2:
0x8d: {  	s0 =	sand.u32 $0x1, s31  }
0x8e: {  	p0 =	seq.s32 s0, $0x1  }
.Ltmp4:
0x8f: {  	_ = 	snop;
	(pc) =	sbr.rel @!p0 .LBB2_3-.Ltmp4, $1  }
0x90: {  	_ =	sdelay $0x3  }
0x91: {  	_ =	swait.ge [sflag:s19], $0xC000  }
0x92: {  	p0 =	seq.s32 s31, $0xC7;
	[sflag:s19] =	ssyncset.done $0x0  }
0x93: {  	s0 =	simm.s32 @!p0 $0x1;
	[sflag:s19] =	ssyncadd.s32 $0xFFFF4000  }
0x94: {  	_ =	swait.ge @!p0 [sflag:s0], $0x60  }
0x95: {  	[sflag:s0] =	ssyncset.done @!p0 $0x0  }
0x96: {  	[sflag:s0] =	ssyncadd.s32 @!p0 $0xFFFFFFA0  }
0x97: {  	v3 =	vld @!p0 [tilespmem:$0x0];
	_ =	sdelay $0x4  }
0x98: {  	v4 =	vshll.u32 @!p0 v3, $0x2  }
0x99: {  	v5 =	vlaneseq.u32 @!p0;
	v3 =	vand.u32 @!p0 $0x7, v3;
	v4 =	vand.u32 @!p0 $0xFFFFFFE0, v4  }
0x9a: {  	v6 =	vshrl.u32 @!p0 v5, $0x3;
	v3 =	vor.u32 @!p0 v3, v4;
	v4 =	vand.u32 @!p0 $0x7, v5  }
0x9b: {  	v6 =	vmul.u32 @!p0 $0x8, v6;
	v7 =	vperm.xlane @!p0 v3, v4;
	_ =	sdelay $0x1  }
0x9c: {  	v7 =	vadd.s32 @!p0 v6, v7  }
0x9d: {  	v5 =	vor.u32 @!p0 $0x8, v5  }
0x9e: {  	v3 =	vperm.xlane @!p0 v3, v5;
	_ =	sdelay $0x1  }
0x9f: {  	vm1 =	vmmov @!p0 $0xffff;
	s1 =	simm.s32 @!p0 $0x100;
	s0 =	simm.s32 @!p0 $0x0;
	v3 =	vadd.s32 @!p0 v6, v3  }
0xa0: {  	[tilespmem:s1], [sflag:$0x3] =	stream.indirect_vreg.gather @!p0 [hbm4b:s5+s0], $0x80, v7, vm1, $0xb8;
	[tilespmem:$0x18100] =	vst v63  }
0xa1: {  	s1 =	simm.s32 @!p0 $0x900  }
0xa2: {  	[tilespmem:s1], [sflag:$0x3] =	stream.indirect_vreg.gather @!p0 [hbm4b:s7+s0], $0x80, v7, vm1, $0xb8;
	[tilespmem:$0x18100] =	vst v63  }
0xa3: {  	s1 =	simm.s32 @!p0 $0x1100  }
0xa4: {  	[tilespmem:s1], [sflag:$0x3] =	stream.indirect_vreg.gather @!p0 [hbm4b:s5+s0], $0x80, v3, vm1, $0xb8;
	[tilespmem:$0x18100] =	vst v63  }
0xa5: {  	s1 =	simm.s32 @!p0 $0x1900  }
0xa6: {  	[tilespmem:s1], [sflag:$0x3] =	stream.indirect_vreg.gather @!p0 [hbm4b:s7+s0], $0x80, v3, vm1, $0xb8;
	[tilespmem:$0x18100] =	vst v63  }
0xa7: {  	v3 =	vld @!p0 [tilespmem:$0x10];
	_ =	sdelay $0x4  }
0xa8: {  	v7 =	vshll.u32 @!p0 v3, $0x2  }
0xa9: {  	v3 =	vand.u32 @!p0 $0x7, v3;
	v7 =	vand.u32 @!p0 $0xFFFFFFE0, v7  }
0xaa: {  	v3 =	vor.u32 @!p0 v3, v7  }
0xab: {  	v7 =	vperm.xlane @!p0 v3, v4;
	_ =	sdelay $0x1  }
0xac: {  	v7 =	vadd.s32 @!p0 v6, v7;
	_ =	sdelay $0x1  }
0xad: {  	v3 =	vperm.xlane @!p0 v3, v5;
	_ =	sdelay $0x1  }
0xae: {  	s1 =	simm.s32 @!p0 $0x2100;
	v3 =	vadd.s32 @!p0 v6, v3  }
0xaf: {  	[tilespmem:s1], [sflag:$0x3] =	stream.indirect_vreg.gather @!p0 [hbm4b:s5+s0], $0x80, v7, vm1, $0xb8;
	[tilespmem:$0x18100] =	vst v63  }
0xb0: {  	s1 =	simm.s32 @!p0 $0x2900  }
0xb1: {  	[tilespmem:s1], [sflag:$0x3] =	stream.indirect_vreg.gather @!p0 [hbm4b:s7+s0], $0x80, v7, vm1, $0xb8;
	[tilespmem:$0x18100] =	vst v63  }
0xb2: {  	s1 =	simm.s32 @!p0 $0x3100  }
0xb3: {  	[tilespmem:s1], [sflag:$0x3] =	stream.indirect_vreg.gather @!p0 [hbm4b:s5+s0], $0x80, v3, vm1, $0xb8;
	[tilespmem:$0x18100] =	vst v63  }
0xb4: {  	s1 =	simm.s32 @!p0 $0x3900  }
0xb5: {  	[tilespmem:s1], [sflag:$0x3] =	stream.indirect_vreg.gather @!p0 [hbm4b:s7+s0], $0x80, v3, vm1, $0xb8;
	[tilespmem:$0x18100] =	vst v63  }
0xb6: {  	v3 =	vld @!p0 [tilespmem:$0x20];
	_ =	sdelay $0x4  }
0xb7: {  	v7 =	vshll.u32 @!p0 v3, $0x2  }
0xb8: {  	v3 =	vand.u32 @!p0 $0x7, v3;
	v7 =	vand.u32 @!p0 $0xFFFFFFE0, v7  }
0xb9: {  	v3 =	vor.u32 @!p0 v3, v7  }
0xba: {  	v7 =	vperm.xlane @!p0 v3, v4;
	_ =	sdelay $0x1  }
0xbb: {  	v7 =	vadd.s32 @!p0 v6, v7;
	_ =	sdelay $0x1  }
0xbc: {  	v3 =	vperm.xlane @!p0 v3, v5;
	_ =	sdelay $0x1  }
0xbd: {  	s1 =	simm.s32 @!p0 $0x4100;
	v3 =	vadd.s32 @!p0 v6, v3  }
0xbe: {  	[tilespmem:s1], [sflag:$0x3] =	stream.indirect_vreg.gather @!p0 [hbm4b:s5+s0], $0x80, v7, vm1, $0xb8;
	[tilespmem:$0x18100] =	vst v63  }
0xbf: {  	s1 =	simm.s32 @!p0 $0x4900  }
0xc0: {  	[tilespmem:s1], [sflag:$0x3] =	stream.indirect_vreg.gather @!p0 [hbm4b:s7+s0], $0x80, v7, vm1, $0xb8;
	[tilespmem:$0x18100] =	vst v63  }
0xc1: {  	s1 =	simm.s32 @!p0 $0x5100  }
0xc2: {  	[tilespmem:s1], [sflag:$0x3] =	stream.indirect_vreg.gather @!p0 [hbm4b:s5+s0], $0x80, v3, vm1, $0xb8;
	[tilespmem:$0x18100] =	vst v63  }
0xc3: {  	s1 =	simm.s32 @!p0 $0x5900  }
0xc4: {  	[tilespmem:s1], [sflag:$0x3] =	stream.indirect_vreg.gather @!p0 [hbm4b:s7+s0], $0x80, v3, vm1, $0xb8;
	[tilespmem:$0x18100] =	vst v63  }
0xc5: {  	v3 =	vld @!p0 [tilespmem:$0x30];
	_ =	sdelay $0x4  }
0xc6: {  	v7 =	vshll.u32 @!p0 v3, $0x2  }
0xc7: {  	v3 =	vand.u32 @!p0 $0x7, v3;
	v7 =	vand.u32 @!p0 $0xFFFFFFE0, v7  }
0xc8: {  	v3 =	vor.u32 @!p0 v3, v7  }
0xc9: {  	v7 =	vperm.xlane @!p0 v3, v4;
	_ =	sdelay $0x1  }
0xca: {  	v7 =	vadd.s32 @!p0 v6, v7;
	_ =	sdelay $0x1  }
0xcb: {  	v3 =	vperm.xlane @!p0 v3, v5;
	_ =	sdelay $0x1  }
0xcc: {  	s1 =	simm.s32 @!p0 $0x6100;
	v3 =	vadd.s32 @!p0 v6, v3  }
0xcd: {  	[tilespmem:s1], [sflag:$0x3] =	stream.indirect_vreg.gather @!p0 [hbm4b:s5+s0], $0x80, v7, vm1, $0xb8;
	[tilespmem:$0x18100] =	vst v63  }
0xce: {  	s1 =	simm.s32 @!p0 $0x6900  }
0xcf: {  	[tilespmem:s1], [sflag:$0x3] =	stream.indirect_vreg.gather @!p0 [hbm4b:s7+s0], $0x80, v7, vm1, $0xb8;
	[tilespmem:$0x18100] =	vst v63  }
0xd0: {  	s1 =	simm.s32 @!p0 $0x7100  }
0xd1: {  	[tilespmem:s1], [sflag:$0x3] =	stream.indirect_vreg.gather @!p0 [hbm4b:s5+s0], $0x80, v3, vm1, $0xb8;
	[tilespmem:$0x18100] =	vst v63  }
0xd2: {  	s1 =	simm.s32 @!p0 $0x7900  }
0xd3: {  	[tilespmem:s1], [sflag:$0x3] =	stream.indirect_vreg.gather @!p0 [hbm4b:s7+s0], $0x80, v3, vm1, $0xb8;
	[tilespmem:$0x18100] =	vst v63  }
0xd4: {  	v3 =	vld @!p0 [tilespmem:$0x40];
	_ =	sdelay $0x4  }
0xd5: {  	v7 =	vshll.u32 @!p0 v3, $0x2  }
0xd6: {  	v3 =	vand.u32 @!p0 $0x7, v3;
	v7 =	vand.u32 @!p0 $0xFFFFFFE0, v7  }
0xd7: {  	v3 =	vor.u32 @!p0 v3, v7  }
0xd8: {  	v7 =	vperm.xlane @!p0 v3, v4;
	_ =	sdelay $0x1  }
0xd9: {  	v7 =	vadd.s32 @!p0 v6, v7;
	_ =	sdelay $0x1  }
0xda: {  	v3 =	vperm.xlane @!p0 v3, v5;
	_ =	sdelay $0x1  }
0xdb: {  	s1 =	simm.s32 @!p0 $0x8100;
	v3 =	vadd.s32 @!p0 v6, v3  }
0xdc: {  	[tilespmem:s1], [sflag:$0x3] =	stream.indirect_vreg.gather @!p0 [hbm4b:s5+s0], $0x80, v7, vm1, $0xb8;
	[tilespmem:$0x18100] =	vst v63  }
0xdd: {  	s1 =	simm.s32 @!p0 $0x8900  }
0xde: {  	[tilespmem:s1], [sflag:$0x3] =	stream.indirect_vreg.gather @!p0 [hbm4b:s7+s0], $0x80, v7, vm1, $0xb8;
	[tilespmem:$0x18100] =	vst v63  }
0xdf: {  	s1 =	simm.s32 @!p0 $0x9100  }
0xe0: {  	[tilespmem:s1], [sflag:$0x3] =	stream.indirect_vreg.gather @!p0 [hbm4b:s5+s0], $0x80, v3, vm1, $0xb8;
	[tilespmem:$0x18100] =	vst v63  }
0xe1: {  	s1 =	simm.s32 @!p0 $0x9900  }
0xe2: {  	[tilespmem:s1], [sflag:$0x3] =	stream.indirect_vreg.gather @!p0 [hbm4b:s7+s0], $0x80, v3, vm1, $0xb8;
	[tilespmem:$0x18100] =	vst v63  }
0xe3: {  	v3 =	vld @!p0 [tilespmem:$0x50];
	_ =	sdelay $0x4  }
0xe4: {  	v7 =	vshll.u32 @!p0 v3, $0x2  }
0xe5: {  	v3 =	vand.u32 @!p0 $0x7, v3;
	v7 =	vand.u32 @!p0 $0xFFFFFFE0, v7  }
0xe6: {  	v3 =	vor.u32 @!p0 v3, v7  }
0xe7: {  	v4 =	vperm.xlane @!p0 v3, v4;
	_ =	sdelay $0x1  }
0xe8: {  	v4 =	vadd.s32 @!p0 v6, v4;
	_ =	sdelay $0x1  }
0xe9: {  	v3 =	vperm.xlane @!p0 v3, v5;
	_ =	sdelay $0x1  }
0xea: {  	s1 =	simm.s32 @!p0 $0xA100;
	v3 =	vadd.s32 @!p0 v6, v3  }
0xeb: {  	[tilespmem:s1], [sflag:$0x3] =	stream.indirect_vreg.gather @!p0 [hbm4b:s5+s0], $0x80, v4, vm1, $0xb8;
	[tilespmem:$0x18100] =	vst v63  }
0xec: {  	s1 =	simm.s32 @!p0 $0xA900  }
0xed: {  	[tilespmem:s1], [sflag:$0x3] =	stream.indirect_vreg.gather @!p0 [hbm4b:s7+s0], $0x80, v4, vm1, $0xb8;
	[tilespmem:$0x18100] =	vst v63  }
0xee: {  	s1 =	simm.s32 @!p0 $0xB100  }
0xef: {  	[tilespmem:s1], [sflag:$0x3] =	stream.indirect_vreg.gather @!p0 [hbm4b:s5+s0], $0x80, v3, vm1, $0xb8;
	[tilespmem:$0x18100] =	vst v63  }
0xf0: {  	p1 =	slt.u32 @!p0 s31, $0x2;
	s1 =	simm.s32 @!p0 $0xB900  }
0xf1: {  	[tilespmem:s1], [sflag:$0x3] =	stream.indirect_vreg.gather @!p0 [hbm4b:s7+s0], $0x80, v3, vm1, $0xb8;
	[tilespmem:$0x18100] =	vst v63  }
0xf2: {  	p0 =	por p0, !p1  }
0xf3: {  	_ =	swait.ge @p0 [sflag:s20], $0x4000  }
0xf4: {  	[sflag:s20] =	ssyncset.done @p0 $0x0  }
0xf5: {  	s1 =	simm.s32 $0x0;
	s0 =	simm.s32 $0x0;
	[sflag:s20] =	ssyncadd.s32 @p0 $0xFFFFC000  }
.LBB2_7:
0xf6: {  	s14 =	sand.u32 $0x3000, s0;
	s15 =	sand.u32 $0x380, s1  }
0xf7: {  	s14 =	sor.u32 s15, s14  }
0xf8: {  	v4 =	vld [tilespmem:s14+$0xC100]  }
0xf9: {  	v5 =	vld [tilespmem:s14+$0x10100]  }
0xfa: {  	v6 =	vld [tilespmem:s14+$0x14100]  }
0xfb: {  	v7 =	vld [tilespmem:s14+$0xC110]  }
0xfc: {  	v8 =	vld [tilespmem:s14+$0x10110]  }
0xfd: {  	v9 =	vld [tilespmem:s14+$0x14110]  }
0xfe: {  	v10 =	vld [tilespmem:s14+$0xC120]  }
0xff: {  	v11 =	vld [tilespmem:s14+$0x10120]  }
0x100: {  	v12 =	vld [tilespmem:s14+$0x14120]  }
0x101: {  	v13 =	vld [tilespmem:s14+$0xC130]  }
0x102: {  	v14 =	vld [tilespmem:s14+$0x10130]  }
0x103: {  	v15 =	vld [tilespmem:s14+$0x14130]  }
0x104: {  	v3 =	vld [tilespmem:s14+$0xC140]  }
0x105: {  	v16 =	vld [tilespmem:s14+$0xC150]  }
0x106: {  	v17 =	vld [tilespmem:s14+$0x10150]  }
0x107: {  	v18 =	vld [tilespmem:s14+$0x14150]  }
0x108: {  	v19 =	vld [tilespmem:s14+$0xC160]  }
0x109: {  	v20 =	vld [tilespmem:s14+$0x10160]  }
0x10a: {  	v21 =	vld [tilespmem:s14+$0x14160]  }
0x10b: {  	v22 =	vld [tilespmem:s14+$0xC170]  }
0x10c: {  	v23 =	vld [tilespmem:s14+$0x10170]  }
0x10d: {  	v24 =	vld [tilespmem:s14+$0x14170]  }
0x10e: {  	v25 =	vld [tilespmem:s14+$0xC500]  }
0x10f: {  	v26 =	vld [tilespmem:s14+$0x10500]  }
0x110: {  	v27 =	vld [tilespmem:s14+$0x14500]  }
0x111: {  	v28 =	vld [tilespmem:s14+$0xC510]  }
0x112: {  	v29 =	vld [tilespmem:s14+$0x10510]  }
0x113: {  	v30 =	vld [tilespmem:s14+$0x14510]  }
0x114: {  	v31 =	vld [tilespmem:s14+$0xC520]  }
0x115: {  	v32 =	vld [tilespmem:s14+$0x10520]  }
0x116: {  	v33 =	vld [tilespmem:s14+$0x14520]  }
0x117: {  	v34 =	vld [tilespmem:s14+$0xC530]  }
0x118: {  	v35 =	vld [tilespmem:s14+$0x10530]  }
0x119: {  	v36 =	vld [tilespmem:s14+$0x14530]  }
0x11a: {  	v37 =	vld [tilespmem:s14+$0xC550]  }
0x11b: {  	v38 =	vld [tilespmem:s14+$0x10550]  }
0x11c: {  	v39 =	vld [tilespmem:s14+$0x14550]  }
0x11d: {  	v40 =	vld [tilespmem:s14+$0xC560]  }
0x11e: {  	v41 =	vld [tilespmem:s14+$0x10560]  }
0x11f: {  	v42 =	vld [tilespmem:s14+$0x14560]  }
0x120: {  	v43 =	vld [tilespmem:s14+$0xC570]  }
0x121: {  	v44 =	vld [tilespmem:s14+$0x10570]  }
0x122: {  	v45 =	vld [tilespmem:s14+$0x14570]  }
0x123: {  	v46 =	vld [tilespmem:s14+$0xC900]  }
0x124: {  	v47 =	vld [tilespmem:s14+$0x10900]  }
0x125: {  	v48 =	vld [tilespmem:s14+$0x14900]  }
0x126: {  	v51 =	vld [tilespmem:s14+$0xC950];
	v4 =	vadd.f32 v5, v4  }
0x127: {  	v54 =	vld [tilespmem:s14+$0x10950];
	v7 =	vadd.f32 v8, v7  }
0x128: {  	v57 =	vld [tilespmem:s14+$0x14950];
	v61 =	vadd.f32 v11, v10;
	v4 =	vadd.f32 v6, v4  }
0x129: {  	v60 =	vld [tilespmem:s14+$0xC960];
	v62 =	vadd.f32 v14, v13;
	v7 =	vadd.f32 v9, v7  }
0x12a: {  	v5 =	vld [tilespmem:s14+$0xC910];
	v16 =	vadd.f32 v17, v16;
	v63 =	vadd.f32 v12, v61;
	[tilespmem:s14+$0xC100] =	vst v4  }
0x12b: {  	v8 =	vld [tilespmem:s14+$0x10910];
	v19 =	vadd.f32 v20, v19;
	v17 =	vadd.f32 v15, v62;
	[tilespmem:s14+$0xC110] =	vst v7  }
0x12c: {  	v10 =	vld [tilespmem:s14+$0x14910];
	v22 =	vadd.f32 v23, v22;
	v20 =	vadd.f32 v18, v16;
	[tilespmem:s14+$0xC120] =	vst v63  }
0x12d: {  	v11 =	vld [tilespmem:s14+$0xC920];
	v25 =	vadd.f32 v26, v25;
	v23 =	vadd.f32 v21, v19;
	[tilespmem:s14+$0xC130] =	vst v17  }
0x12e: {  	v13 =	vld [tilespmem:s14+$0x14920];
	v29 =	vadd.f32 v29, v28;
	v26 =	vadd.f32 v24, v22;
	[tilespmem:s14+$0xC150] =	vst v20  }
0x12f: {  	v14 =	vld [tilespmem:s14+$0xC930];
	v50 =	vadd.f32 v32, v31;
	v49 =	vadd.f32 v27, v25;
	[tilespmem:s14+$0xC160] =	vst v23  }
0x130: {  	v53 =	vadd.f32 v35, v34;
	v28 =	vld [tilespmem:s14+$0x10970];
	v52 =	vadd.f32 v30, v29;
	[tilespmem:s14+$0xC170] =	vst v26  }
0x131: {  	v56 =	vadd.f32 v38, v37;
	v12 =	vld [tilespmem:s14+$0x10920];
	v55 =	vadd.f32 v33, v50;
	[tilespmem:s14+$0xC500] =	vst v49  }
0x132: {  	v59 =	vadd.f32 v41, v40;
	v15 =	vld [tilespmem:s14+$0x10930];
	v58 =	vadd.f32 v36, v53;
	[tilespmem:s14+$0xC510] =	vst v52  }
0x133: {  	v35 =	vadd.f32 v54, v51;
	v16 =	vld [tilespmem:s14+$0x14930];
	v61 =	vadd.f32 v39, v56;
	[tilespmem:s14+$0xC520] =	vst v55  }
0x134: {  	v62 =	vadd.f32 v44, v43;
	v24 =	vadd.f32 v42, v59;
	v63 =	vld [tilespmem:s14+$0x10960];
	[tilespmem:s14+$0xC530] =	vst v58  }
0x135: {  	v25 =	vadd.f32 v47, v46;
	v40 =	vadd.f32 v57, v35;
	v26 =	vld [tilespmem:s14+$0xC970];
	[tilespmem:s14+$0xC550] =	vst v61  }
0x136: {  	v31 =	vld [tilespmem:s14+$0x14960];
	v27 =	vadd.f32 v45, v62;
	[tilespmem:s14+$0xC560] =	vst v24;
	v5 =	vadd.f32 v8, v5  }
0x137: {  	v33 =	vld [tilespmem:s14+$0x14970];
	v29 =	vadd.f32 v48, v25;
	[tilespmem:s14+$0xC950] =	vst v40;
	v30 =	vadd.f32 v12, v11  }
0x138: {  	v41 =	vld [tilespmem:s14+$0xC540];
	[tilespmem:s14+$0xC570] =	vst v27;
	v5 =	vadd.f32 v10, v5;
	v32 =	vadd.f32 v15, v14  }
0x139: {  	v36 =	vld [tilespmem:s14+$0x10140];
	[tilespmem:s14+$0xC900] =	vst v29;
	v34 =	vadd.f32 v13, v30;
	v38 =	vadd.f32 v63, v60  }
0x13a: {  	v39 =	vld [tilespmem:s14+$0x14140];
	[tilespmem:s14+$0xC910] =	vst v5;
	v37 =	vadd.f32 v16, v32;
	v8 =	vadd.f32 v28, v26  }
0x13b: {  	v42 =	vld [tilespmem:s14+$0x10540];
	[tilespmem:s14+$0xC920] =	vst v34;
	v43 =	vadd.f32 v31, v38  }
0x13c: {  	s17 =	sand.u32 $0xFFFFF000, s0;
	v44 =	vld [tilespmem:s14+$0x14540];
	[tilespmem:s14+$0xC930] =	vst v37;
	v45 =	vadd.f32 v33, v8  }
0x13d: {  	s15 =	sadd.s32 s17, s1;
	v46 =	vld [tilespmem:s14+$0xC940];
	[tilespmem:s14+$0xC960] =	vst v43  }
0x13e: {  	s16 =	sor.u32 $0xCC00, s15;
	v47 =	vld [tilespmem:s14+$0x10940];
	[tilespmem:s14+$0xC970] =	vst v45  }
0x13f: {  	s17 =	sor.u32 $0x10C00, s15;
	v4 =	vld [tilespmem:s16+$0x100]  }
0x140: {  	v48 =	vld [tilespmem:s17+$0x100]  }
0x141: {  	s15 =	sor.u32 $0x14C00, s15;
	v49 =	vld [tilespmem:s14+$0x14940]  }
0x142: {  	v3 =	vadd.f32 v36, v3;
	v50 =	vld [tilespmem:s15+$0x100]  }
0x143: {  	v6 =	vadd.f32 v42, v41  }
0x144: {  	v3 =	vadd.f32 v39, v3;
	v5 =	vadd.f32 v47, v46  }
0x145: {  	v6 =	vadd.f32 v44, v6;
	v4 =	vadd.f32 v48, v4  }
0x146: {  	[tilespmem:s14+$0xC140] =	vst v3;
	v3 =	vadd.f32 v49, v5  }
0x147: {  	[tilespmem:s14+$0xC540] =	vst v6;
	v4 =	vadd.f32 v50, v4  }
0x148: {  	[tilespmem:s14+$0xC940] =	vst v3  }
0x149: {  	v3 =	vld [tilespmem:s16+$0x110];
	[tilespmem:s16+$0x100] =	vst v4  }
0x14a: {  	v4 =	vld [tilespmem:s17+$0x110];
	_ =	sdelay $0x1  }
0x14b: {  	v51 =	vld [tilespmem:s15+$0x110];
	_ =	sdelay $0x2  }
0x14c: {  	v3 =	vadd.f32 v4, v3;
	_ =	sdelay $0x1  }
0x14d: {  	v3 =	vadd.f32 v51, v3;
	_ =	sdelay $0x1  }
0x14e: {  	[tilespmem:s16+$0x110] =	vst v3;
	v3 =	vld [tilespmem:s16+$0x120]  }
0x14f: {  	v52 =	vld [tilespmem:s17+$0x120];
	_ =	sdelay $0x1  }
0x150: {  	v53 =	vld [tilespmem:s15+$0x120];
	_ =	sdelay $0x2  }
0x151: {  	v3 =	vadd.f32 v52, v3;
	_ =	sdelay $0x1  }
0x152: {  	v3 =	vadd.f32 v53, v3;
	_ =	sdelay $0x1  }
0x153: {  	[tilespmem:s16+$0x120] =	vst v3;
	v3 =	vld [tilespmem:s16+$0x130]  }
0x154: {  	v54 =	vld [tilespmem:s17+$0x130];
	_ =	sdelay $0x1  }
0x155: {  	v55 =	vld [tilespmem:s15+$0x130];
	_ =	sdelay $0x2  }
0x156: {  	v3 =	vadd.f32 v54, v3;
	_ =	sdelay $0x1  }
0x157: {  	v3 =	vadd.f32 v55, v3;
	_ =	sdelay $0x1  }
0x158: {  	[tilespmem:s16+$0x130] =	vst v3;
	v3 =	vld [tilespmem:s16+$0x140]  }
0x159: {  	v56 =	vld [tilespmem:s17+$0x140];
	_ =	sdelay $0x1  }
0x15a: {  	v57 =	vld [tilespmem:s15+$0x140];
	_ =	sdelay $0x2  }
0x15b: {  	v3 =	vadd.f32 v56, v3;
	_ =	sdelay $0x1  }
0x15c: {  	v3 =	vadd.f32 v57, v3;
	_ =	sdelay $0x1  }
0x15d: {  	[tilespmem:s16+$0x140] =	vst v3;
	v3 =	vld [tilespmem:s16+$0x150]  }
0x15e: {  	v58 =	vld [tilespmem:s17+$0x150];
	_ =	sdelay $0x1  }
0x15f: {  	v59 =	vld [tilespmem:s15+$0x150];
	_ =	sdelay $0x2  }
0x160: {  	v3 =	vadd.f32 v58, v3;
	_ =	sdelay $0x1  }
0x161: {  	v3 =	vadd.f32 v59, v3;
	_ =	sdelay $0x1  }
0x162: {  	[tilespmem:s16+$0x150] =	vst v3;
	v3 =	vld [tilespmem:s16+$0x160]  }
0x163: {  	v60 =	vld [tilespmem:s17+$0x160];
	_ =	sdelay $0x1  }
0x164: {  	v61 =	vld [tilespmem:s15+$0x160];
	_ =	sdelay $0x2  }
0x165: {  	v3 =	vadd.f32 v60, v3;
	_ =	sdelay $0x1  }
0x166: {  	v3 =	vadd.f32 v61, v3;
	_ =	sdelay $0x1  }
0x167: {  	[tilespmem:s16+$0x160] =	vst v3;
	v3 =	vld [tilespmem:s16+$0x170]  }
0x168: {  	v62 =	vld [tilespmem:s17+$0x170];
	_ =	sdelay $0x1  }
0x169: {  	v63 =	vld [tilespmem:s15+$0x170];
	_ =	sdelay $0x1  }
0x16a: {  	p0 =	sne.s32 s0, $0x3E00  }
.Ltmp5:
0x16b: {  	v3 =	vadd.f32 v62, v3;
	(pc) =	sbr.rel @p0 .LBB2_7-.Ltmp5, $3  }
0x16c: {  	_ = 	snop  }
0x16d: {  	v3 =	vadd.f32 v63, v3;
	_ =	sdelay $0x1  }
0x16e: {  	s0 =	sadd.s32 $0x200, s0;
	s1 =	sadd.s32 $0x80, s1;
	[tilespmem:s16+$0x170] =	vst v3  }
0x16f: {  	s0 =	sshll.u32 s31, $0xE  }
0x170: {  	s0 =	sadd.s32 s9, s0  }
0x171: {  	p0 =	sgt.u32 s31, $0xC5;
	s0 =	sshrl.u32 s0, $0x3  }
0x172: {  	s1 =	smul.u32 @!p0 $0x60, s31;
	s0 =	sadd.s32 s2, s0  }
0x173: {  	[hbm4b:s0+s3] =	stream.linear.scatter [tilespmem:s21], [sflag:$0x6], $0x4000, $0x38;
	[tilespmem:$0x18100] =	vst v63  }
.Ltmp6:
0x174: {  	_ = 	snop;
	(pc) =	sbr.rel .LBB2_9-.Ltmp6, $4  }
0x175: {  	s0 =	sadd.s32 @!p0 s1, s10  }
0x176: {  	s0 =	sshrl.u32 @!p0 s0, $0x3  }
0x177: {  	s14 =	simm.s32 @!p0 $0x80;
	s1 =	simm.s32 @!p0 $0x0;
	s0 =	sadd.s32 @!p0 s4, s0  }
0x178: {  	[tilespmem:s14], [sflag:$0x2] =	stream.linear.gather @!p0 [hbm4b:s0+s1], $0x60, $0x38;
	[tilespmem:$0x18100] =	vst v63  }
.LBB2_3:
0x179: {  	_ =	swait.ge [sflag:s23], $0xC000  }
0x17a: {  	[sflag:s23] =	ssyncset.done $0x0  }
0x17b: {  	[sflag:s23] =	ssyncadd.s32 $0xFFFF4000  }
0x17c: {  	_ =	swait.ge [sflag:s24], $0x60  }
0x17d: {  	[sflag:s24] =	ssyncset.done $0x0  }
0x17e: {  	[sflag:s24] =	ssyncadd.s32 $0xFFFFFFA0  }
0x17f: {  	v3 =	vld [tilespmem:$0x80];
	_ =	sdelay $0x4  }
0x180: {  	v4 =	vshll.u32 v3, $0x2  }
0x181: {  	v3 =	vand.u32 $0x7, v3;
	v4 =	vand.u32 $0xFFFFFFE0, v4  }
0x182: {  	v3 =	vor.u32 v3, v4  }
0x183: {  	v4 =	vperm.xlane v3, v0;
	_ =	sdelay $0x1  }
0x184: {  	v4 =	vadd.s32 v1, v4;
	_ =	sdelay $0x1  }
0x185: {  	v3 =	vperm.xlane v3, v2;
	_ =	sdelay $0x1  }
0x186: {  	v3 =	vadd.s32 v1, v3  }
0x187: {  	[tilespmem:s21], [sflag:$0x4] =	stream.indirect_vreg.gather [hbm4b:s5+s3], $0x80, v4, vm0, $0xb8;
	[tilespmem:$0x18100] =	vst v63  }
0x188: {  	s0 =	simm.s32 $0xC900  }
0x189: {  	[tilespmem:s0], [sflag:$0x4] =	stream.indirect_vreg.gather [hbm4b:s7+s3], $0x80, v4, vm0, $0xb8;
	[tilespmem:$0x18100] =	vst v63  }
0x18a: {  	s17 =	simm.s32 $0xD100  }
0x18b: {  	[tilespmem:s17], [sflag:$0x4] =	stream.indirect_vreg.gather [hbm4b:s5+s3], $0x80, v3, vm0, $0xb8;
	[tilespmem:$0x18100] =	vst v63  }
0x18c: {  	s1 =	simm.s32 $0xD900  }
0x18d: {  	[tilespmem:s1], [sflag:$0x4] =	stream.indirect_vreg.gather [hbm4b:s7+s3], $0x80, v3, vm0, $0xb8;
	[tilespmem:$0x18100] =	vst v63  }
0x18e: {  	v3 =	vld [tilespmem:$0x90];
	_ =	sdelay $0x4  }
0x18f: {  	v59 =	vshll.u32 v3, $0x2  }
0x190: {  	v3 =	vand.u32 $0x7, v3;
	v4 =	vand.u32 $0xFFFFFFE0, v59  }
0x191: {  	v3 =	vor.u32 v3, v4  }
0x192: {  	v4 =	vperm.xlane v3, v0;
	_ =	sdelay $0x1  }
0x193: {  	v4 =	vadd.s32 v1, v4;
	_ =	sdelay $0x1  }
0x194: {  	v3 =	vperm.xlane v3, v2;
	_ =	sdelay $0x1  }
0x195: {  	s14 =	simm.s32 $0xE100;
	v3 =	vadd.s32 v1, v3  }
0x196: {  	[tilespmem:s14], [sflag:$0x4] =	stream.indirect_vreg.gather [hbm4b:s5+s3], $0x80, v4, vm0, $0xb8;
	[tilespmem:$0x18100] =	vst v63  }
0x197: {  	s15 =	simm.s32 $0xE900  }
0x198: {  	[tilespmem:s15], [sflag:$0x4] =	stream.indirect_vreg.gather [hbm4b:s7+s3], $0x80, v4, vm0, $0xb8;
	[tilespmem:$0x18100] =	vst v63  }
0x199: {  	s16 =	simm.s32 $0xF100  }
0x19a: {  	[tilespmem:s16], [sflag:$0x4] =	stream.indirect_vreg.gather [hbm4b:s5+s3], $0x80, v3, vm0, $0xb8;
	[tilespmem:$0x18100] =	vst v63  }
0x19b: {  	s17 =	simm.s32 $0xF900  }
0x19c: {  	[tilespmem:s17], [sflag:$0x4] =	stream.indirect_vreg.gather [hbm4b:s7+s3], $0x80, v3, vm0, $0xb8;
	[tilespmem:$0x18100] =	vst v63  }
0x19d: {  	v3 =	vld [tilespmem:$0xA0];
	_ =	sdelay $0x4  }
0x19e: {  	v60 =	vshll.u32 v3, $0x2  }
0x19f: {  	v3 =	vand.u32 $0x7, v3;
	v4 =	vand.u32 $0xFFFFFFE0, v60  }
0x1a0: {  	v3 =	vor.u32 v3, v4  }
0x1a1: {  	v4 =	vperm.xlane v3, v0;
	_ =	sdelay $0x1  }
0x1a2: {  	v4 =	vadd.s32 v1, v4;
	_ =	sdelay $0x1  }
0x1a3: {  	v3 =	vperm.xlane v3, v2;
	_ =	sdelay $0x1  }
0x1a4: {  	s1 =	simm.s32 $0x10100;
	v3 =	vadd.s32 v1, v3  }
0x1a5: {  	[tilespmem:s1], [sflag:$0x4] =	stream.indirect_vreg.gather [hbm4b:s5+s3], $0x80, v4, vm0, $0xb8;
	[tilespmem:$0x18100] =	vst v63  }
0x1a6: {  	s14 =	simm.s32 $0x10900  }
0x1a7: {  	[tilespmem:s14], [sflag:$0x4] =	stream.indirect_vreg.gather [hbm4b:s7+s3], $0x80, v4, vm0, $0xb8;
	[tilespmem:$0x18100] =	vst v63  }
0x1a8: {  	s15 =	simm.s32 $0x11100  }
0x1a9: {  	[tilespmem:s15], [sflag:$0x4] =	stream.indirect_vreg.gather [hbm4b:s5+s3], $0x80, v3, vm0, $0xb8;
	[tilespmem:$0x18100] =	vst v63  }
0x1aa: {  	s16 =	simm.s32 $0x11900  }
0x1ab: {  	[tilespmem:s16], [sflag:$0x4] =	stream.indirect_vreg.gather [hbm4b:s7+s3], $0x80, v3, vm0, $0xb8;
	[tilespmem:$0x18100] =	vst v63  }
0x1ac: {  	v3 =	vld [tilespmem:$0xB0];
	_ =	sdelay $0x4  }
0x1ad: {  	v61 =	vshll.u32 v3, $0x2  }
0x1ae: {  	v3 =	vand.u32 $0x7, v3;
	v4 =	vand.u32 $0xFFFFFFE0, v61  }
0x1af: {  	v3 =	vor.u32 v3, v4  }
0x1b0: {  	v4 =	vperm.xlane v3, v0;
	_ =	sdelay $0x1  }
0x1b1: {  	v4 =	vadd.s32 v1, v4;
	_ =	sdelay $0x1  }
0x1b2: {  	v3 =	vperm.xlane v3, v2;
	_ =	sdelay $0x1  }
0x1b3: {  	s17 =	simm.s32 $0x12100;
	v3 =	vadd.s32 v1, v3  }
0x1b4: {  	[tilespmem:s17], [sflag:$0x4] =	stream.indirect_vreg.gather [hbm4b:s5+s3], $0x80, v4, vm0, $0xb8;
	[tilespmem:$0x18100] =	vst v63  }
0x1b5: {  	_ = 	snop  }
0x1b6: {  	[tilespmem:s18], [sflag:$0x4] =	stream.indirect_vreg.gather [hbm4b:s7+s3], $0x80, v4, vm0, $0xb8;
	[tilespmem:$0x18100] =	vst v63  }
0x1b7: {  	_ = 	snop  }
0x1b8: {  	[tilespmem:s8], [sflag:$0x4] =	stream.indirect_vreg.gather [hbm4b:s5+s3], $0x80, v3, vm0, $0xb8;
	[tilespmem:$0x18100] =	vst v63  }
0x1b9: {  	_ = 	snop  }
0x1ba: {  	[tilespmem:s11], [sflag:$0x4] =	stream.indirect_vreg.gather [hbm4b:s7+s3], $0x80, v3, vm0, $0xb8;
	[tilespmem:$0x18100] =	vst v63  }
0x1bb: {  	v3 =	vld [tilespmem:$0xC0];
	_ =	sdelay $0x4  }
0x1bc: {  	v62 =	vshll.u32 v3, $0x2  }
0x1bd: {  	v3 =	vand.u32 $0x7, v3;
	v4 =	vand.u32 $0xFFFFFFE0, v62  }
0x1be: {  	v3 =	vor.u32 v3, v4  }
0x1bf: {  	v4 =	vperm.xlane v3, v0;
	_ =	sdelay $0x1  }
0x1c0: {  	v4 =	vadd.s32 v1, v4;
	_ =	sdelay $0x1  }
0x1c1: {  	v3 =	vperm.xlane v3, v2;
	_ =	sdelay $0x1  }
0x1c2: {  	v3 =	vadd.s32 v1, v3  }
0x1c3: {  	[tilespmem:s6], [sflag:$0x4] =	stream.indirect_vreg.gather [hbm4b:s5+s3], $0x80, v4, vm0, $0xb8;
	[tilespmem:$0x18100] =	vst v63  }
0x1c4: {  	_ = 	snop  }
0x1c5: {  	[tilespmem:s12], [sflag:$0x4] =	stream.indirect_vreg.gather [hbm4b:s7+s3], $0x80, v4, vm0, $0xb8;
	[tilespmem:$0x18100] =	vst v63  }
0x1c6: {  	_ = 	snop  }
0x1c7: {  	[tilespmem:s22], [sflag:$0x4] =	stream.indirect_vreg.gather [hbm4b:s5+s3], $0x80, v3, vm0, $0xb8;
	[tilespmem:$0x18100] =	vst v63  }
0x1c8: {  	_ = 	snop  }
0x1c9: {  	[tilespmem:s25], [sflag:$0x4] =	stream.indirect_vreg.gather [hbm4b:s7+s3], $0x80, v3, vm0, $0xb8;
	[tilespmem:$0x18100] =	vst v63  }
0x1ca: {  	v3 =	vld [tilespmem:$0xD0];
	_ =	sdelay $0x4  }
0x1cb: {  	v63 =	vshll.u32 v3, $0x2  }
0x1cc: {  	v3 =	vand.u32 $0x7, v3;
	v4 =	vand.u32 $0xFFFFFFE0, v63  }
0x1cd: {  	v3 =	vor.u32 v3, v4  }
0x1ce: {  	v4 =	vperm.xlane v3, v0;
	_ =	sdelay $0x1  }
0x1cf: {  	v4 =	vadd.s32 v1, v4;
	_ =	sdelay $0x1  }
0x1d0: {  	v3 =	vperm.xlane v3, v2;
	_ =	sdelay $0x1  }
0x1d1: {  	v3 =	vadd.s32 v1, v3  }
0x1d2: {  	[tilespmem:s26], [sflag:$0x4] =	stream.indirect_vreg.gather [hbm4b:s5+s3], $0x80, v4, vm0, $0xb8;
	[tilespmem:$0x18100] =	vst v63  }
0x1d3: {  	_ = 	snop  }
0x1d4: {  	[tilespmem:s28], [sflag:$0x4] =	stream.indirect_vreg.gather [hbm4b:s7+s3], $0x80, v4, vm0, $0xb8;
	[tilespmem:$0x18100] =	vst v63  }
0x1d5: {  	p0 =	slt.u32 s31, $0x2  }
0x1d6: {  	[tilespmem:s29], [sflag:$0x4] =	stream.indirect_vreg.gather [hbm4b:s5+s3], $0x80, v3, vm0, $0xb8;
	[tilespmem:$0x18100] =	vst v63  }
0x1d7: {  	s0 =	simm.s32 @!p0 $0x5  }
0x1d8: {  	[tilespmem:s30], [sflag:$0x4] =	stream.indirect_vreg.gather [hbm4b:s7+s3], $0x80, v3, vm0, $0xb8;
	[tilespmem:$0x18100] =	vst v63  }
0x1d9: {  	_ =	swait.ge @!p0 [sflag:s0], $0x4000  }
0x1da: {  	[sflag:s0] =	ssyncset.done @!p0 $0x0  }
0x1db: {  	s1 =	simm.s32 $0x0;
	[sflag:s0] =	ssyncadd.s32 @!p0 $0xFFFFC000;
	s0 =	simm.s32 $0x0  }
.LBB2_4:
0x1dc: {  	s14 =	sand.u32 $0x3000, s0;
	s15 =	sand.u32 $0x380, s1  }
0x1dd: {  	s14 =	sor.u32 s15, s14  }
0x1de: {  	v4 =	vld [tilespmem:s14+$0x100]  }
0x1df: {  	v5 =	vld [tilespmem:s14+$0x4100]  }
0x1e0: {  	v6 =	vld [tilespmem:s14+$0x8100]  }
0x1e1: {  	v7 =	vld [tilespmem:s14+$0x110]  }
0x1e2: {  	v8 =	vld [tilespmem:s14+$0x4110]  }
0x1e3: {  	v9 =	vld [tilespmem:s14+$0x8110]  }
0x1e4: {  	v10 =	vld [tilespmem:s14+$0x120]  }
0x1e5: {  	v11 =	vld [tilespmem:s14+$0x4120]  }
0x1e6: {  	v12 =	vld [tilespmem:s14+$0x8120]  }
0x1e7: {  	v13 =	vld [tilespmem:s14+$0x130]  }
0x1e8: {  	v14 =	vld [tilespmem:s14+$0x4130]  }
0x1e9: {  	v15 =	vld [tilespmem:s14+$0x8130]  }
0x1ea: {  	v3 =	vld [tilespmem:s14+$0x140]  }
0x1eb: {  	v16 =	vld [tilespmem:s14+$0x4140]  }
0x1ec: {  	v17 =	vld [tilespmem:s14+$0x150]  }
0x1ed: {  	v18 =	vld [tilespmem:s14+$0x4150]  }
0x1ee: {  	v19 =	vld [tilespmem:s14+$0x8150]  }
0x1ef: {  	v20 =	vld [tilespmem:s14+$0x160]  }
0x1f0: {  	v21 =	vld [tilespmem:s14+$0x4160]  }
0x1f1: {  	v22 =	vld [tilespmem:s14+$0x8160]  }
0x1f2: {  	v23 =	vld [tilespmem:s14+$0x170]  }
0x1f3: {  	v24 =	vld [tilespmem:s14+$0x4170]  }
0x1f4: {  	v25 =	vld [tilespmem:s14+$0x8170]  }
0x1f5: {  	v26 =	vld [tilespmem:s14+$0x500]  }
0x1f6: {  	v27 =	vld [tilespmem:s14+$0x4500]  }
0x1f7: {  	v28 =	vld [tilespmem:s14+$0x8500]  }
0x1f8: {  	v29 =	vld [tilespmem:s14+$0x510]  }
0x1f9: {  	v30 =	vld [tilespmem:s14+$0x4510]  }
0x1fa: {  	v31 =	vld [tilespmem:s14+$0x8510]  }
0x1fb: {  	v32 =	vld [tilespmem:s14+$0x520]  }
0x1fc: {  	v33 =	vld [tilespmem:s14+$0x4520]  }
0x1fd: {  	v34 =	vld [tilespmem:s14+$0x8520]  }
0x1fe: {  	v35 =	vld [tilespmem:s14+$0x530]  }
0x1ff: {  	v36 =	vld [tilespmem:s14+$0x4530]  }
0x200: {  	v37 =	vld [tilespmem:s14+$0x8530]  }
0x201: {  	v38 =	vld [tilespmem:s14+$0x550]  }
0x202: {  	v39 =	vld [tilespmem:s14+$0x4550]  }
0x203: {  	v40 =	vld [tilespmem:s14+$0x8550]  }
0x204: {  	v41 =	vld [tilespmem:s14+$0x560]  }
0x205: {  	v42 =	vld [tilespmem:s14+$0x4560]  }
0x206: {  	v43 =	vld [tilespmem:s14+$0x8560]  }
0x207: {  	v44 =	vld [tilespmem:s14+$0x570]  }
0x208: {  	v45 =	vld [tilespmem:s14+$0x4570]  }
0x209: {  	v46 =	vld [tilespmem:s14+$0x8570]  }
0x20a: {  	v47 =	vld [tilespmem:s14+$0x900]  }
0x20b: {  	v48 =	vld [tilespmem:s14+$0x4900]  }
0x20c: {  	v49 =	vld [tilespmem:s14+$0x8900]  }
0x20d: {  	v50 =	vld [tilespmem:s14+$0x8930];
	v4 =	vadd.f32 v5, v4  }
0x20e: {  	v53 =	vld [tilespmem:s14+$0x950];
	v7 =	vadd.f32 v8, v7  }
0x20f: {  	v56 =	vld [tilespmem:s14+$0x4950];
	v61 =	vadd.f32 v11, v10;
	v4 =	vadd.f32 v6, v4  }
0x210: {  	v59 =	vld [tilespmem:s14+$0x8950];
	v62 =	vadd.f32 v14, v13;
	v7 =	vadd.f32 v9, v7  }
0x211: {  	v5 =	vld [tilespmem:s14+$0x910];
	v17 =	vadd.f32 v18, v17;
	v63 =	vadd.f32 v12, v61;
	[tilespmem:s14+$0x100] =	vst v4  }
0x212: {  	v8 =	vld [tilespmem:s14+$0x4910];
	v20 =	vadd.f32 v21, v20;
	v18 =	vadd.f32 v15, v62;
	[tilespmem:s14+$0x110] =	vst v7  }
0x213: {  	v10 =	vld [tilespmem:s14+$0x8910];
	v23 =	vadd.f32 v24, v23;
	v21 =	vadd.f32 v19, v17;
	[tilespmem:s14+$0x120] =	vst v63  }
0x214: {  	v11 =	vld [tilespmem:s14+$0x920];
	v26 =	vadd.f32 v27, v26;
	v24 =	vadd.f32 v22, v20;
	[tilespmem:s14+$0x130] =	vst v18  }
0x215: {  	v13 =	vld [tilespmem:s14+$0x8920];
	v30 =	vadd.f32 v30, v29;
	v27 =	vadd.f32 v25, v23;
	[tilespmem:s14+$0x150] =	vst v21  }
0x216: {  	v14 =	vld [tilespmem:s14+$0x930];
	v52 =	vadd.f32 v33, v32;
	v51 =	vadd.f32 v28, v26;
	[tilespmem:s14+$0x160] =	vst v24  }
0x217: {  	v55 =	vadd.f32 v36, v35;
	v12 =	vld [tilespmem:s14+$0x4920];
	v54 =	vadd.f32 v31, v30;
	[tilespmem:s14+$0x170] =	vst v27  }
0x218: {  	v58 =	vadd.f32 v39, v38;
	v15 =	vld [tilespmem:s14+$0x4930];
	v57 =	vadd.f32 v34, v52;
	[tilespmem:s14+$0x500] =	vst v51  }
0x219: {  	v60 =	vadd.f32 v37, v55;
	v61 =	vadd.f32 v42, v41;
	v62 =	vld [tilespmem:s14+$0x960];
	[tilespmem:s14+$0x510] =	vst v54  }
0x21a: {  	v25 =	vld [tilespmem:s14+$0x4960];
	v37 =	vadd.f32 v56, v53;
	[tilespmem:s14+$0x520] =	vst v57;
	v63 =	vadd.f32 v40, v58  }
0x21b: {  	v28 =	vld [tilespmem:s14+$0x970];
	v24 =	vadd.f32 v45, v44;
	[tilespmem:s14+$0x530] =	vst v60;
	v26 =	vadd.f32 v43, v61  }
0x21c: {  	v30 =	vld [tilespmem:s14+$0x4970];
	v27 =	vadd.f32 v48, v47;
	v42 =	vadd.f32 v59, v37;
	[tilespmem:s14+$0x550] =	vst v63  }
0x21d: {  	v33 =	vld [tilespmem:s14+$0x8960];
	v5 =	vadd.f32 v8, v5;
	v29 =	vadd.f32 v46, v24;
	[tilespmem:s14+$0x560] =	vst v26  }
0x21e: {  	v35 =	vld [tilespmem:s14+$0x8970];
	v31 =	vadd.f32 v49, v27;
	[tilespmem:s14+$0x950] =	vst v42;
	v32 =	vadd.f32 v12, v11  }
0x21f: {  	v38 =	vld [tilespmem:s14+$0x8140];
	v5 =	vadd.f32 v10, v5;
	v34 =	vadd.f32 v15, v14;
	[tilespmem:s14+$0x570] =	vst v29  }
0x220: {  	v41 =	vld [tilespmem:s14+$0x540];
	v40 =	vadd.f32 v25, v62;
	[tilespmem:s14+$0x900] =	vst v31;
	v36 =	vadd.f32 v13, v32  }
0x221: {  	v44 =	vld [tilespmem:s14+$0x4540];
	v43 =	vadd.f32 v30, v28;
	[tilespmem:s14+$0x910] =	vst v5;
	v39 =	vadd.f32 v50, v34  }
0x222: {  	v45 =	vld [tilespmem:s14+$0x8540];
	v7 =	vadd.f32 v33, v40;
	[tilespmem:s14+$0x920] =	vst v36  }
0x223: {  	s17 =	sand.u32 $0xFFFFF000, s0;
	v48 =	vld [tilespmem:s14+$0x4940];
	v47 =	vadd.f32 v35, v43;
	[tilespmem:s14+$0x930] =	vst v39  }
0x224: {  	s15 =	sadd.s32 s17, s1;
	v46 =	vld [tilespmem:s14+$0x940];
	[tilespmem:s14+$0x960] =	vst v7  }
0x225: {  	s16 =	sor.u32 $0x4C00, s15;
	v49 =	vld [tilespmem:s14+$0xD00];
	[tilespmem:s14+$0x970] =	vst v47  }
0x226: {  	v7 =	vld [tilespmem:s16+$0x100]  }
0x227: {  	s15 =	sor.u32 $0x8C00, s15;
	v50 =	vld [tilespmem:s14+$0x8940]  }
0x228: {  	v3 =	vadd.f32 v16, v3;
	v51 =	vld [tilespmem:s15+$0x100]  }
0x229: {  	v8 =	vadd.f32 v44, v41  }
0x22a: {  	v3 =	vadd.f32 v38, v3;
	v6 =	vadd.f32 v48, v46  }
0x22b: {  	v5 =	vadd.f32 v45, v8;
	v4 =	vadd.f32 v7, v49  }
0x22c: {  	[tilespmem:s14+$0x140] =	vst v3;
	v3 =	vadd.f32 v50, v6  }
0x22d: {  	[tilespmem:s14+$0x540] =	vst v5;
	v4 =	vadd.f32 v51, v4  }
0x22e: {  	[tilespmem:s14+$0x940] =	vst v3  }
0x22f: {  	v3 =	vld [tilespmem:s14+$0xD10];
	[tilespmem:s14+$0xD00] =	vst v4  }
0x230: {  	v4 =	vld [tilespmem:s16+$0x110];
	_ =	sdelay $0x1  }
0x231: {  	v5 =	vld [tilespmem:s15+$0x110];
	_ =	sdelay $0x2  }
0x232: {  	v3 =	vadd.f32 v4, v3;
	_ =	sdelay $0x1  }
0x233: {  	v3 =	vadd.f32 v5, v3;
	_ =	sdelay $0x1  }
0x234: {  	[tilespmem:s14+$0xD10] =	vst v3;
	v3 =	vld [tilespmem:s14+$0xD20]  }
0x235: {  	v52 =	vld [tilespmem:s16+$0x120];
	_ =	sdelay $0x1  }
0x236: {  	v53 =	vld [tilespmem:s15+$0x120];
	_ =	sdelay $0x2  }
0x237: {  	v3 =	vadd.f32 v52, v3;
	_ =	sdelay $0x1  }
0x238: {  	v3 =	vadd.f32 v53, v3;
	_ =	sdelay $0x1  }
0x239: {  	[tilespmem:s14+$0xD20] =	vst v3;
	v3 =	vld [tilespmem:s14+$0xD30]  }
0x23a: {  	v54 =	vld [tilespmem:s16+$0x130];
	_ =	sdelay $0x1  }
0x23b: {  	v55 =	vld [tilespmem:s15+$0x130];
	_ =	sdelay $0x2  }
0x23c: {  	v3 =	vadd.f32 v54, v3;
	_ =	sdelay $0x1  }
0x23d: {  	v3 =	vadd.f32 v55, v3;
	_ =	sdelay $0x1  }
0x23e: {  	[tilespmem:s14+$0xD30] =	vst v3;
	v3 =	vld [tilespmem:s14+$0xD40]  }
0x23f: {  	v56 =	vld [tilespmem:s16+$0x140];
	_ =	sdelay $0x1  }
0x240: {  	v57 =	vld [tilespmem:s15+$0x140];
	_ =	sdelay $0x2  }
0x241: {  	v3 =	vadd.f32 v56, v3;
	_ =	sdelay $0x1  }
0x242: {  	v3 =	vadd.f32 v57, v3;
	_ =	sdelay $0x1  }
0x243: {  	[tilespmem:s14+$0xD40] =	vst v3;
	v3 =	vld [tilespmem:s14+$0xD50]  }
0x244: {  	v58 =	vld [tilespmem:s16+$0x150];
	_ =	sdelay $0x1  }
0x245: {  	v59 =	vld [tilespmem:s15+$0x150];
	_ =	sdelay $0x2  }
0x246: {  	v3 =	vadd.f32 v58, v3;
	_ =	sdelay $0x1  }
0x247: {  	v3 =	vadd.f32 v59, v3;
	_ =	sdelay $0x1  }
0x248: {  	[tilespmem:s14+$0xD50] =	vst v3;
	v3 =	vld [tilespmem:s14+$0xD60]  }
0x249: {  	v60 =	vld [tilespmem:s16+$0x160];
	_ =	sdelay $0x1  }
0x24a: {  	v61 =	vld [tilespmem:s15+$0x160];
	_ =	sdelay $0x2  }
0x24b: {  	v3 =	vadd.f32 v60, v3;
	_ =	sdelay $0x1  }
0x24c: {  	v3 =	vadd.f32 v61, v3;
	_ =	sdelay $0x1  }
0x24d: {  	[tilespmem:s14+$0xD60] =	vst v3;
	v3 =	vld [tilespmem:s14+$0xD70]  }
0x24e: {  	v62 =	vld [tilespmem:s16+$0x170];
	_ =	sdelay $0x1  }
0x24f: {  	v63 =	vld [tilespmem:s15+$0x170];
	_ =	sdelay $0x1  }
0x250: {  	p0 =	sne.s32 s0, $0x3E00  }
.Ltmp7:
0x251: {  	v3 =	vadd.f32 v62, v3;
	(pc) =	sbr.rel @p0 .LBB2_4-.Ltmp7, $3  }
0x252: {  	_ = 	snop  }
0x253: {  	v3 =	vadd.f32 v63, v3;
	_ =	sdelay $0x1  }
0x254: {  	s0 =	sadd.s32 $0x200, s0;
	s1 =	sadd.s32 $0x80, s1;
	[tilespmem:s14+$0xD70] =	vst v3  }
.Ltmp8:
0x255: {  	_ = 	snop;
	(pc) =	sbr.rel .LBB2_5-.Ltmp8, $1  }
0x256: {  	_ =	sdelay $0x3  }
.LBB2_11:
0x257: {  	_ =	sfence.sel $0x180000  }
0x258: {  	[bflag:$0x0] =	sbarrier.arrive $0xFFFF  }
0x259: {  	_ =	strace $0x90000047  }
0x25a: {  	s0 =	stileid.u32;
	[bflag:$0x2] =	sbarrier.arrive $0xFFFF  }
0x25b: {  	p0 =	sne.s32 s0, $0x0;
	s0 =	rddreg [dreg:$0x2]  }
0x25c: {  	s0 =	sadd.s32 @!p0 $0x100000, s0  }
0x25d: {  	[sflag:s0] =	ssyncadd.tile.s32 @!p0 $0x1;
	_ =	shalt  }
.Lfunc_end2:
_tile_overlayer_lowered:
.L_overlay_start_2:
0x25e: {  	(tag) =	ssettag $0x2  }
0x25f: {  	s0 =	rddreg [dreg:$0x0];
	s2 =	stileid.u32  }
0x260: {  	s1 =	rddreg [dreg:$0x1];
	p0 =	sne.s32 s2, $0x0  }
0x261: {  	s3 =	rddreg [dreg:$0x2];
	[bflag:$0x3] =	sbarrier.arrive $0xFFFF;
	s2 =	simm.s32 @!p0 $0x1C07  }
0x262: {  	[timem:s3], [sflag:s2] =	dma.local @!p0 [hbm:s0], s1  }
0x263: {  	s0 =	simm.s32 @!p0 $0x7  }
0x264: {  	_ =	swait.ge @!p0 [sflag:s0], s1  }
0x265: {  	s1 =	ssub.s32 @!p0 $0x0, s1;
	[sflag:s0] =	ssyncset.done @!p0 $0x0  }
0x266: {  	[sflag:s0] =	ssyncadd.s32 @!p0 s1  }
0x267: {  	[bflag:$0x3] =	sbarrier.arrive $0xFFFF  }
0x268: {  	_ =	shalt  }

</sc_bundles>
